<compile_context>
chip_gen: v7x
topology: tpu7x:2x2x1
jax: 0.10.2.dev20260603
libtpu: 0.0.44.dev20260713+nightly
codegen_flags: <defaults>
</compile_context>

<pallas_src>
import math

import jax
import jax.numpy as jnp
from jax import lax
from jax.experimental import pallas as pl
from jax.experimental.pallas import tpu as pltpu
from jax.experimental.pallas import tpu_sc as plsc

N_NODES = 10000
N_EDGES = 160000
D_FEAT = 128
D_EDGE = 4
D_RAD = 8
RADIAL_HIDDEN = 8
D_MSG = D_FEAT + D_FEAT * D_EDGE
AVG_NEIGHBOURS = 16.0

_INV_SQRT_RAD = 1.0 / math.sqrt(float(D_RAD))
_W2_SCALE = (1.0 / math.sqrt(float(RADIAL_HIDDEN))) / math.sqrt(AVG_NEIGHBOURS)

NC = 2
NS = 16
NW = NC * NS

EB = 128
E_PAD = 163840
N_EBLK = E_PAD // EB
N_CHUNK = 5
D_CHUNK = 128

NODE_TILE = 624
NODE_TAIL = N_NODES - NODE_TILE * NS
ZCHUNK = 48

EDGE_BLOCK = 2048


def _sc_mesh():
    return plsc.VectorSubcoreMesh(core_axis_name="c", subcore_axis_name="s")


GDEPTH = 5


def _gather_body(nf_hbm, snd_hbm, out_hbm, idx_v, rows_v, *sems):
    c = lax.axis_index("c")
    s = lax.axis_index("s")
    wid = s * NC + c
    nblk = N_EBLK // NW
    row0 = wid * nblk
    pltpu.sync_copy(snd_hbm.at[pl.ds(row0, nblk)], idx_v)

    for par in range(GDEPTH):
        pltpu.make_async_copy(
            nf_hbm.at[idx_v.at[par, 0]], rows_v.at[par], sems[par]
        ).start()

    def body(g, carry):
        for par in range(GDEPTH):
            b = g * GDEPTH + par
            pltpu.make_async_copy(
                nf_hbm.at[idx_v.at[b, 0]], rows_v.at[par], sems[par]
            ).wait()
            pltpu.sync_copy(rows_v.at[par], out_hbm.at[pl.ds((row0 + b) * EB, EB)])

            @pl.when(g < nblk // GDEPTH - 1)
            def _next():
                pltpu.make_async_copy(
                    nf_hbm.at[idx_v.at[b + GDEPTH, 0]], rows_v.at[par], sems[par]
                ).start()

        return carry

    lax.fori_loop(0, nblk // GDEPTH, body, 0)


def _sc_gather(node_feats, senders_3d):
    return pl.kernel(
        _gather_body,
        out_type=jax.ShapeDtypeStruct((E_PAD, D_FEAT), jnp.float32),
        mesh=_sc_mesh(),
        scratch_types=[
            pltpu.VMEM((N_EBLK // NW, 1, EB), jnp.int32),
            pltpu.VMEM((GDEPTH, EB, D_FEAT), jnp.float32),
        ]
        + [pltpu.SemaphoreType.DMA] * GDEPTH,
    )(node_feats, senders_3d)


def _make_dense_body(chunks):
    nch = len(chunks)

    def _dense_body(msgs_ref, ef_ref, rad_ref, w1_ref, w2s_ref, out_ref):
        rad = rad_ref[...]
        h = jnp.dot(rad, w1_ref[...], preferred_element_type=jnp.float32)
        h = h * _INV_SQRT_RAD
        h = h * jax.nn.sigmoid(h)
        w = jnp.dot(h, w2s_ref[...], preferred_element_type=jnp.float32)
        w = w * _W2_SCALE
        m = msgs_ref[...]
        ef = ef_ref[...]
        for ci, ch in enumerate(chunks):
            wpart = w[:, ci * D_FEAT : (ci + 1) * D_FEAT]
            if ch == 0:
                out_ref[ci] = m * wpart
            else:
                out_ref[ci] = m * ef[:, ch - 1 : ch] * wpart

    return _dense_body


def _dense_messages(msgs, edge_features, radial_embedding, W1, W2r, chunks):
    w2s = jnp.concatenate(
        [W2r[:, ch * D_FEAT : (ch + 1) * D_FEAT] for ch in chunks], axis=1
    )
    nch = len(chunks)
    grid = (E_PAD // EDGE_BLOCK,)
    return pl.pallas_call(
        _make_dense_body(chunks),
        grid=grid,
        in_specs=[
            pl.BlockSpec((EDGE_BLOCK, D_FEAT), lambda i: (i, 0)),
            pl.BlockSpec((EDGE_BLOCK, D_EDGE), lambda i: (i, 0)),
            pl.BlockSpec((EDGE_BLOCK, D_RAD), lambda i: (i, 0)),
            pl.BlockSpec((D_RAD, RADIAL_HIDDEN), lambda i: (0, 0)),
            pl.BlockSpec((RADIAL_HIDDEN, nch * D_FEAT), lambda i: (0, 0)),
        ],
        out_specs=pl.BlockSpec((nch, EDGE_BLOCK, D_CHUNK), lambda i: (0, i, 0)),
        out_shape=jax.ShapeDtypeStruct((nch, E_PAD, D_CHUNK), jnp.float32),
    )(msgs, edge_features, radial_embedding, W1, w2s)


def _make_scatter_body(n_full, has_half):
    def _scatter_body(msg_hbm, recv_hbm, out_hbm, idx_v, buf_v, zbuf_v, acc_sh, sem0, sem1):
        c = lax.axis_index("c")
        s = lax.axis_index("s")
        nblk_full = N_EBLK // NS
        r0 = s * nblk_full
        sems = (sem0, sem1)

        def zero_body(i, carry):
            r = i // (D_CHUNK // 16)
            g = i % (D_CHUNK // 16)
            zbuf_v[r, pl.ds(g * 16, 16)] = jnp.zeros((16,), jnp.float32)
            return carry

        lax.fori_loop(0, ZCHUNK * (D_CHUNK // 16), zero_body, 0)

        pltpu.sync_copy(recv_hbm.at[pl.ds(r0, nblk_full)], idx_v)

        n_passes = n_full + (1 if has_half else 0)
        for p in range(n_passes):
            if p < n_full:
                chunk = c * n_full + p
                slot = chunk
                b_lo = 0
                nblk = nblk_full
            else:
                chunk = 2 * n_full
                slot = 2 * n_full + c
                b_lo = c * (nblk_full // 2)
                nblk = nblk_full // 2

            for k in range(NODE_TILE // ZCHUNK):
                pltpu.sync_copy(zbuf_v, acc_sh.at[pl.ds(s * NODE_TILE + k * ZCHUNK, ZCHUNK)])

            @pl.when(s == 0)
            def _zero_tail():
                pltpu.sync_copy(
                    zbuf_v.at[pl.ds(0, NODE_TAIL)],
                    acc_sh.at[pl.ds(NODE_TILE * NS, NODE_TAIL)],
                )

            plsc.subcore_barrier()

            for par in range(2):
                pltpu.make_async_copy(
                    msg_hbm.at[chunk, pl.ds((r0 + b_lo + par) * EB, EB)],
                    buf_v.at[par],
                    sems[par],
                ).start()

            def acc_body(g, carry):
                for par in range(2):
                    lb = b_lo + g * 2 + par
                    pltpu.make_async_copy(
                        msg_hbm.at[chunk, pl.ds((r0 + lb) * EB, EB)],
                        buf_v.at[par],
                        sems[par],
                    ).wait()
                    pltpu.sync_copy(buf_v.at[par], acc_sh.at[idx_v.at[lb, 0]], add=True)

                    @pl.when(g < nblk // 2 - 1)
                    def _next():
                        pltpu.make_async_copy(
                            msg_hbm.at[chunk, pl.ds((r0 + lb + 2) * EB, EB)],
                            buf_v.at[par],
                            sems[par],
                        ).start()

                return carry

            lax.fori_loop(0, nblk // 2, acc_body, 0)
            plsc.subcore_barrier()

            off = s * NODE_TILE
            pltpu.sync_copy(acc_sh.at[pl.ds(off, NODE_TILE)], out_hbm.at[slot, pl.ds(off, NODE_TILE)])

            @pl.when(s == 0)
            def _flush_tail():
                off_t = NODE_TILE * NS
                pltpu.sync_copy(
                    acc_sh.at[pl.ds(off_t, NODE_TAIL)],
                    out_hbm.at[slot, pl.ds(off_t, NODE_TAIL)],
                )

            plsc.subcore_barrier()

    return _scatter_body


def _sc_scatter(msg_parts, receivers_3d, n_full, has_half):
    n_parts = msg_parts.shape[0]
    n_slots = 2 * n_full + (2 if has_half else 0)
    assert n_parts == 2 * n_full + (1 if has_half else 0)
    return pl.kernel(
        _make_scatter_body(n_full, has_half),
        out_type=jax.ShapeDtypeStruct((n_slots, N_NODES, D_CHUNK), jnp.float32),
        mesh=_sc_mesh(),
        scratch_types=[
            pltpu.VMEM((N_EBLK // NS, 1, EB), jnp.int32),
            pltpu.VMEM((2, EB, D_CHUNK), jnp.float32),
            pltpu.VMEM((ZCHUNK, D_CHUNK), jnp.float32),
            pltpu.VMEM_SHARED((N_NODES, D_CHUNK), jnp.float32),
            pltpu.SemaphoreType.DMA,
            pltpu.SemaphoreType.DMA,
        ],
    )(msg_parts, receivers_3d)


def kernel(node_feats, edge_features, radial_embedding, senders, receivers, W1, W2):
    pad = E_PAD - N_EDGES
    senders_3d = jnp.pad(senders.astype(jnp.int32), (0, pad)).reshape(N_EBLK, 1, EB)
    receivers_3d = jnp.pad(receivers.astype(jnp.int32), (0, pad)).reshape(N_EBLK, 1, EB)
    ef_p = jnp.pad(edge_features, ((0, pad), (0, 0)))
    rad_p = jnp.pad(radial_embedding, ((0, pad), (0, 0)))
    W2r = jnp.concatenate(
        [
            W2[:, :D_FEAT],
            W2[:, D_FEAT:]
            .reshape(RADIAL_HIDDEN, D_FEAT, D_EDGE)
            .transpose(0, 2, 1)
            .reshape(RADIAL_HIDDEN, D_FEAT * D_EDGE),
        ],
        axis=1,
    )
    msgs = _sc_gather(node_feats, senders_3d)
    msg5 = _dense_messages(msgs, ef_p, rad_p, W1, W2r, chunks=(0, 1, 2, 3, 4))
    out6 = _sc_scatter(msg5, receivers_3d, n_full=2, has_half=True)
    blocked = jnp.concatenate(
        [out6[0], out6[1], out6[2], out6[3], out6[4] + out6[5]], axis=-1
    )
    direct = blocked[:, :D_FEAT]
    tp = (
        blocked[:, D_FEAT:]
        .reshape(N_NODES, D_EDGE, D_FEAT)
        .transpose(0, 2, 1)
        .reshape(N_NODES, D_FEAT * D_EDGE)
    )
    return jnp.concatenate([direct, tp], axis=-1)

# --- scband reference (transcript-rebuilt; emitter-appended) ---
"""Pipeline reference for scband-message-passing-convolution-80401787781509 (READ-ONLY COPY).

The authoritative reference and input builder live on the scoring server;
editing this copy changes nothing except your own understanding.
"""

import jax, jax.numpy as jnp
import numpy as np

N_NODES = 10000
N_EDGES = 160000
D_FEAT = 128
D_EDGE = 4
D_RAD = 8
RADIAL_HIDDEN = 8
AVG_NEIGHBOURS = 16.0
D_MSG = D_FEAT + D_FEAT * D_EDGE  # 640: filtered node scalars + full 0e tensor product


def setup_inputs(seed: int = 0) -> dict:
    key = jax.random.key(seed)
    ks = jax.random.split(key, 7)
    node_feats = jax.random.normal(ks[0], (N_NODES, D_FEAT), dtype=jnp.float32)
    edge_features = jax.random.normal(ks[1], (N_EDGES, D_EDGE), dtype=jnp.float32)
    radial_embedding = jax.random.normal(ks[2], (N_EDGES, D_RAD), dtype=jnp.float32)
    senders = jax.random.randint(ks[3], (N_EDGES,), 0, N_NODES, dtype=jnp.int64 if jax.config.jax_enable_x64 else jnp.int32)
    receivers = jax.random.randint(ks[4], (N_EDGES,), 0, N_NODES, dtype=jnp.int64 if jax.config.jax_enable_x64 else jnp.int32)
    # radial MLP params (e3nn MultiLayerPerceptron: no bias, unit-normal init, 1/sqrt(fan_in) scaling)
    W1 = jax.random.normal(ks[5], (D_RAD, RADIAL_HIDDEN), dtype=jnp.float32)
    W2 = jax.random.normal(ks[6], (RADIAL_HIDDEN, D_MSG), dtype=jnp.float32)
    return {
        'node_feats': node_feats,
        'edge_features': edge_features,
        'radial_embedding': radial_embedding,
        'senders': senders,
        'receivers': receivers,
        'W1': W1,
        'W2': W2,
    }


def reference(node_feats, edge_features, radial_embedding, senders, receivers, W1, W2):
    # messages = node_feats[senders]  (gather)
    msgs = jnp.take(node_feats, senders, axis=0)  # [E, D_FEAT]
    E = msgs.shape[0]
    # e3j.tensor_product of 128x0e x 4x0e -> 512x0e (scalar outer product; CG coeff = 1,
    # component normalization factor sqrt(2*0+1)=1)
    tp = (msgs[:, :, None] * edge_features[:, None, :]).reshape(E, D_FEAT * D_EDGE)
    # filter(irreps_out + '0e') keeps all 128 scalar channels; concatenate + regroup (all 0e -> no-op reorder)
    messages = jnp.concatenate([msgs, tp], axis=-1)  # [E, D_MSG]
    # radial MLP: hidden layers with swish, no bias, no output activation; e3nn 1/sqrt(fan_in) path normalization
    h = radial_embedding @ W1 / jnp.sqrt(jnp.asarray(W1.shape[0], jnp.float32))
    h = jax.nn.swish(h)
    weights = h @ W2 / jnp.sqrt(jnp.asarray(W2.shape[0], jnp.float32))  # [E, D_MSG]
    messages = messages * weights
    # zeros.at[receivers].add(messages)  (scatter-add)
    out = jnp.zeros((node_feats.shape[0], messages.shape[1]), messages.dtype).at[receivers].add(messages)
    return out / jnp.sqrt(jnp.asarray(AVG_NEIGHBOURS, jnp.float32))

if __name__ == "__main__":
    import jax
    _d = setup_inputs()
    print(jax.jit(kernel)(*tuple(_d.values())))

</pallas_src>

<mosaic_0001>
#map = affine_map<(d0, d1) -> (0, 0)>
#map1 = affine_map<(d0, d1) -> (0, 0, 0)>
module attributes {stable_mosaic.version = 14 : i64} {
  func.func @_gather_body(%arg0: i32, %arg1: i32, %arg2: memref<10000x128xf32, #tpu.memory_space<hbm>>, %arg3: memref<1280x1x128xi32, #tpu.memory_space<hbm>>, %arg4: memref<163840x128xf32, #tpu.memory_space<hbm>>, %arg5: memref<40x1x128xi32, #tpu.memory_space<vmem>>, %arg6: memref<5x128x128xf32, #tpu.memory_space<vmem>>, %arg7: memref<!tpu.dma_semaphore, #tpu.memory_space<semaphore_mem>>, %arg8: memref<!tpu.dma_semaphore, #tpu.memory_space<semaphore_mem>>, %arg9: memref<!tpu.dma_semaphore, #tpu.memory_space<semaphore_mem>>, %arg10: memref<!tpu.dma_semaphore, #tpu.memory_space<semaphore_mem>>, %arg11: memref<!tpu.dma_semaphore, #tpu.memory_space<semaphore_mem>>) attributes {dimension_semantics = [#tpu.dimension_semantics<core_parallel>, #tpu.dimension_semantics<subcore_parallel>], iteration_bounds = array<i64: 2, 16>, scalar_prefetch = 0 : i64, scratch_operands = 7 : i64, tpu.core_type = #tpu.core_type<sc_vector_subcore>, window_params = [{transform_indices = #map}, {transform_indices = #map1}, {transform_indices = #map}]} {
    %mul3A = arith.constant 2 : i32
    %mul3A_0 = arith.muli %arg1, %mul3A : i32
    %add3A = arith.addi %mul3A_0, %arg0 : i32
    %mul3A_1 = arith.constant 40 : i32
    %mul3A_2 = arith.muli %add3A, %mul3A_1 : i32
    "tpu.region"() ({
      %run_scoped3A = tpu.sem_alloc : memref<!tpu.dma_semaphore, #tpu.memory_space<semaphore_mem>>
      %dma_start3A_72 = arith.constant 0 : i32
      %dma_start3A_73 = arith.constant 0 : i32
      %dma_start3A_74 = tpu.memref_slice %arg3[%mul3A_2, %dma_start3A_72, %dma_start3A_73] : memref<1280x1x128xi32, #tpu.memory_space<hbm>> -> memref<40x1x128xi32, #tpu.memory_space<hbm>>
      %dma_start3A_75 = arith.constant 0 : i32
      %dma_start3A_76 = arith.constant 0 : i32
      %dma_start3A_77 = tpu.memref_slice %arg3[%mul3A_2, %dma_start3A_75, %dma_start3A_76] : memref<1280x1x128xi32, #tpu.memory_space<hbm>> -> memref<40x1x128xi32, #tpu.memory_space<hbm>>
      tpu.enqueue_dma source(%dma_start3A_77 : memref<40x1x128xi32, #tpu.memory_space<hbm>>) target(%arg5 : memref<40x1x128xi32, #tpu.memory_space<vmem>>) target_semaphore(%run_scoped3A : memref<!tpu.dma_semaphore, #tpu.memory_space<semaphore_mem>>)
      %dma_wait3A = arith.constant 0 : i32
      %dma_wait3A_78 = arith.constant 0 : i32
      %dma_wait3A_79 = tpu.memref_slice %arg3[%mul3A_2, %dma_wait3A, %dma_wait3A_78] : memref<1280x1x128xi32, #tpu.memory_space<hbm>> -> memref<40x1x128xi32, #tpu.memory_space<hbm>>
      %dma_wait3A_80 = arith.constant 0 : i32
      %dma_wait3A_81 = arith.constant 0 : i32
      %dma_wait3A_82 = tpu.memref_slice %arg3[%mul3A_2, %dma_wait3A_80, %dma_wait3A_81] : memref<1280x1x128xi32, #tpu.memory_space<hbm>> -> memref<40x1x128xi32, #tpu.memory_space<hbm>>
      tpu.wait_dma2 semaphore(%run_scoped3A : memref<!tpu.dma_semaphore, #tpu.memory_space<semaphore_mem>>) src(%dma_wait3A_82 : memref<40x1x128xi32, #tpu.memory_space<hbm>>) dst(%arg5 : memref<40x1x128xi32, #tpu.memory_space<vmem>>)
      tpu.yield
    }) : () -> ()
    %dma_start3A = arith.constant 0 : i32
    %dma_start3A_3 = arith.constant 0 : i32
    %dma_start3A_4 = arith.constant 0 : i32
    %dma_start3A_5 = arith.constant 0 : i32
    %dma_start3A_6 = arith.constant 0 : i32
    %dma_start3A_7 = tpu.memref_slice %arg6[%dma_start3A_4, %dma_start3A_5, %dma_start3A_6] : memref<5x128x128xf32, #tpu.memory_space<vmem>> -> memref<1x128x128xf32, #tpu.memory_space<vmem>>
    %dma_start3A_8 = tpu.memref_squeeze %dma_start3A_7 : memref<1x128x128xf32, #tpu.memory_space<vmem>> -> memref<128x128xf32, #tpu.memory_space<vmem>>
    %dma_start3A_9 = arith.constant 0 : i32
    %dma_start3A_10 = tpu.memref_slice %arg5[%dma_start3A, %dma_start3A_3, %dma_start3A_9] : memref<40x1x128xi32, #tpu.memory_space<vmem>> -> memref<1x1x128xi32, #tpu.memory_space<vmem>>
    %dma_start3A_11 = tpu.memref_squeeze %dma_start3A_10 : memref<1x1x128xi32, #tpu.memory_space<vmem>> -> memref<128xi32, #tpu.memory_space<vmem>>
    %dma_start3A_12 = arith.constant 0 : i32
    %dma_start3A_13 = arith.constant 0 : i32
    %dma_start3A_14 = tpu.memref_slice %arg2[%dma_start3A_12, %dma_start3A_13] : memref<10000x128xf32, #tpu.memory_space<hbm>> -> memref<10000x128xf32, #tpu.memory_space<hbm>>
    tpu.enqueue_indirect_dma source(%dma_start3A_14 : memref<10000x128xf32, #tpu.memory_space<hbm>>) target(%dma_start3A_8 : memref<128x128xf32, #tpu.memory_space<vmem>>) offsets(%dma_start3A_11 : memref<128xi32, #tpu.memory_space<vmem>>) semaphore(%arg7 : memref<!tpu.dma_semaphore, #tpu.memory_space<semaphore_mem>>)
    %dma_start3A_15 = arith.constant 1 : i32
    %dma_start3A_16 = arith.constant 0 : i32
    %dma_start3A_17 = arith.constant 1 : i32
    %dma_start3A_18 = arith.constant 0 : i32
    %dma_start3A_19 = arith.constant 0 : i32
    %dma_start3A_20 = tpu.memref_slice %arg6[%dma_start3A_17, %dma_start3A_18, %dma_start3A_19] : memref<5x128x128xf32, #tpu.memory_space<vmem>> -> memref<1x128x128xf32, #tpu.memory_space<vmem>>
    %dma_start3A_21 = tpu.memref_squeeze %dma_start3A_20 : memref<1x128x128xf32, #tpu.memory_space<vmem>> -> memref<128x128xf32, #tpu.memory_space<vmem>>
    %dma_start3A_22 = arith.constant 0 : i32
    %dma_start3A_23 = tpu.memref_slice %arg5[%dma_start3A_15, %dma_start3A_16, %dma_start3A_22] : memref<40x1x128xi32, #tpu.memory_space<vmem>> -> memref<1x1x128xi32, #tpu.memory_space<vmem>>
    %dma_start3A_24 = tpu.memref_squeeze %dma_start3A_23 : memref<1x1x128xi32, #tpu.memory_space<vmem>> -> memref<128xi32, #tpu.memory_space<vmem>>
    %dma_start3A_25 = arith.constant 0 : i32
    %dma_start3A_26 = arith.constant 0 : i32
    %dma_start3A_27 = tpu.memref_slice %arg2[%dma_start3A_25, %dma_start3A_26] : memref<10000x128xf32, #tpu.memory_space<hbm>> -> memref<10000x128xf32, #tpu.memory_space<hbm>>
    tpu.enqueue_indirect_dma source(%dma_start3A_27 : memref<10000x128xf32, #tpu.memory_space<hbm>>) target(%dma_start3A_21 : memref<128x128xf32, #tpu.memory_space<vmem>>) offsets(%dma_start3A_24 : memref<128xi32, #tpu.memory_space<vmem>>) semaphore(%arg8 : memref<!tpu.dma_semaphore, #tpu.memory_space<semaphore_mem>>)
    %dma_start3A_28 = arith.constant 2 : i32
    %dma_start3A_29 = arith.constant 0 : i32
    %dma_start3A_30 = arith.constant 2 : i32
    %dma_start3A_31 = arith.constant 0 : i32
    %dma_start3A_32 = arith.constant 0 : i32
    %dma_start3A_33 = tpu.memref_slice %arg6[%dma_start3A_30, %dma_start3A_31, %dma_start3A_32] : memref<5x128x128xf32, #tpu.memory_space<vmem>> -> memref<1x128x128xf32, #tpu.memory_space<vmem>>
    %dma_start3A_34 = tpu.memref_squeeze %dma_start3A_33 : memref<1x128x128xf32, #tpu.memory_space<vmem>> -> memref<128x128xf32, #tpu.memory_space<vmem>>
    %dma_start3A_35 = arith.constant 0 : i32
    %dma_start3A_36 = tpu.memref_slice %arg5[%dma_start3A_28, %dma_start3A_29, %dma_start3A_35] : memref<40x1x128xi32, #tpu.memory_space<vmem>> -> memref<1x1x128xi32, #tpu.memory_space<vmem>>
    %dma_start3A_37 = tpu.memref_squeeze %dma_start3A_36 : memref<1x1x128xi32, #tpu.memory_space<vmem>> -> memref<128xi32, #tpu.memory_space<vmem>>
    %dma_start3A_38 = arith.constant 0 : i32
    %dma_start3A_39 = arith.constant 0 : i32
    %dma_start3A_40 = tpu.memref_slice %arg2[%dma_start3A_38, %dma_start3A_39] : memref<10000x128xf32, #tpu.memory_space<hbm>> -> memref<10000x128xf32, #tpu.memory_space<hbm>>
    tpu.enqueue_indirect_dma source(%dma_start3A_40 : memref<10000x128xf32, #tpu.memory_space<hbm>>) target(%dma_start3A_34 : memref<128x128xf32, #tpu.memory_space<vmem>>) offsets(%dma_start3A_37 : memref<128xi32, #tpu.memory_space<vmem>>) semaphore(%arg9 : memref<!tpu.dma_semaphore, #tpu.memory_space<semaphore_mem>>)
    %dma_start3A_41 = arith.constant 3 : i32
    %dma_start3A_42 = arith.constant 0 : i32
    %dma_start3A_43 = arith.constant 3 : i32
    %dma_start3A_44 = arith.constant 0 : i32
    %dma_start3A_45 = arith.constant 0 : i32
    %dma_start3A_46 = tpu.memref_slice %arg6[%dma_start3A_43, %dma_start3A_44, %dma_start3A_45] : memref<5x128x128xf32, #tpu.memory_space<vmem>> -> memref<1x128x128xf32, #tpu.memory_space<vmem>>
    %dma_start3A_47 = tpu.memref_squeeze %dma_start3A_46 : memref<1x128x128xf32, #tpu.memory_space<vmem>> -> memref<128x128xf32, #tpu.memory_space<vmem>>
    %dma_start3A_48 = arith.constant 0 : i32
    %dma_start3A_49 = tpu.memref_slice %arg5[%dma_start3A_41, %dma_start3A_42, %dma_start3A_48] : memref<40x1x128xi32, #tpu.memory_space<vmem>> -> memref<1x1x128xi32, #tpu.memory_space<vmem>>
    %dma_start3A_50 = tpu.memref_squeeze %dma_start3A_49 : memref<1x1x128xi32, #tpu.memory_space<vmem>> -> memref<128xi32, #tpu.memory_space<vmem>>
    %dma_start3A_51 = arith.constant 0 : i32
    %dma_start3A_52 = arith.constant 0 : i32
    %dma_start3A_53 = tpu.memref_slice %arg2[%dma_start3A_51, %dma_start3A_52] : memref<10000x128xf32, #tpu.memory_space<hbm>> -> memref<10000x128xf32, #tpu.memory_space<hbm>>
    tpu.enqueue_indirect_dma source(%dma_start3A_53 : memref<10000x128xf32, #tpu.memory_space<hbm>>) target(%dma_start3A_47 : memref<128x128xf32, #tpu.memory_space<vmem>>) offsets(%dma_start3A_50 : memref<128xi32, #tpu.memory_space<vmem>>) semaphore(%arg10 : memref<!tpu.dma_semaphore, #tpu.memory_space<semaphore_mem>>)
    %dma_start3A_54 = arith.constant 4 : i32
    %dma_start3A_55 = arith.constant 0 : i32
    %dma_start3A_56 = arith.constant 4 : i32
    %dma_start3A_57 = arith.constant 0 : i32
    %dma_start3A_58 = arith.constant 0 : i32
    %dma_start3A_59 = tpu.memref_slice %arg6[%dma_start3A_56, %dma_start3A_57, %dma_start3A_58] : memref<5x128x128xf32, #tpu.memory_space<vmem>> -> memref<1x128x128xf32, #tpu.memory_space<vmem>>
    %dma_start3A_60 = tpu.memref_squeeze %dma_start3A_59 : memref<1x128x128xf32, #tpu.memory_space<vmem>> -> memref<128x128xf32, #tpu.memory_space<vmem>>
    %dma_start3A_61 = arith.constant 0 : i32
    %dma_start3A_62 = tpu.memref_slice %arg5[%dma_start3A_54, %dma_start3A_55, %dma_start3A_61] : memref<40x1x128xi32, #tpu.memory_space<vmem>> -> memref<1x1x128xi32, #tpu.memory_space<vmem>>
    %dma_start3A_63 = tpu.memref_squeeze %dma_start3A_62 : memref<1x1x128xi32, #tpu.memory_space<vmem>> -> memref<128xi32, #tpu.memory_space<vmem>>
    %dma_start3A_64 = arith.constant 0 : i32
    %dma_start3A_65 = arith.constant 0 : i32
    %dma_start3A_66 = tpu.memref_slice %arg2[%dma_start3A_64, %dma_start3A_65] : memref<10000x128xf32, #tpu.memory_space<hbm>> -> memref<10000x128xf32, #tpu.memory_space<hbm>>
    tpu.enqueue_indirect_dma source(%dma_start3A_66 : memref<10000x128xf32, #tpu.memory_space<hbm>>) target(%dma_start3A_60 : memref<128x128xf32, #tpu.memory_space<vmem>>) offsets(%dma_start3A_63 : memref<128xi32, #tpu.memory_space<vmem>>) semaphore(%arg11 : memref<!tpu.dma_semaphore, #tpu.memory_space<semaphore_mem>>)
    %scan3A = arith.constant 0 : i32
    %scan3A_67 = arith.constant 0 : i32
    %scan3A_68 = arith.constant 8 : i32
    %scan3A_69 = arith.addi %scan3A_67, %scan3A_68 : i32
    %scan3A_70 = arith.constant 1 : i32
    scf.for %scan3A_72 = %scan3A_67 to %scan3A_69 step %scan3A_70  : i32 {
      %mul3A_73 = arith.constant 5 : i32
      %mul3A_74 = arith.muli %scan3A_72, %mul3A_73 : i32
      %add3A_75 = arith.constant 0 : i32
      %add3A_76 = arith.addi %mul3A_74, %add3A_75 : i32
      %dma_wait3A = arith.constant 0 : i32
      %dma_wait3A_77 = arith.constant 0 : i32
      %dma_wait3A_78 = arith.constant 0 : i32
      %dma_wait3A_79 = arith.constant 0 : i32
      %dma_wait3A_80 = tpu.memref_slice %arg6[%dma_wait3A_77, %dma_wait3A_78, %dma_wait3A_79] : memref<5x128x128xf32, #tpu.memory_space<vmem>> -> memref<1x128x128xf32, #tpu.memory_space<vmem>>
      %dma_wait3A_81 = tpu.memref_squeeze %dma_wait3A_80 : memref<1x128x128xf32, #tpu.memory_space<vmem>> -> memref<128x128xf32, #tpu.memory_space<vmem>>
      %dma_wait3A_82 = arith.constant 0 : i32
      %dma_wait3A_83 = tpu.memref_slice %arg5[%add3A_76, %dma_wait3A, %dma_wait3A_82] : memref<40x1x128xi32, #tpu.memory_space<vmem>> -> memref<1x1x128xi32, #tpu.memory_space<vmem>>
      %dma_wait3A_84 = tpu.memref_squeeze %dma_wait3A_83 : memref<1x1x128xi32, #tpu.memory_space<vmem>> -> memref<128xi32, #tpu.memory_space<vmem>>
      %dma_wait3A_85 = arith.constant 0 : i32
      %dma_wait3A_86 = arith.constant 0 : i32
      %dma_wait3A_87 = tpu.memref_slice %arg2[%dma_wait3A_85, %dma_wait3A_86] : memref<10000x128xf32, #tpu.memory_space<hbm>> -> memref<10000x128xf32, #tpu.memory_space<hbm>>
      tpu.wait_indirect_dma semaphore(%arg7 : memref<!tpu.dma_semaphore, #tpu.memory_space<semaphore_mem>>) src(%dma_wait3A_87 : memref<10000x128xf32, #tpu.memory_space<hbm>>) dst(%dma_wait3A_81 : memref<128x128xf32, #tpu.memory_space<vmem>>)
      %add3A_88 = arith.addi %mul3A_2, %add3A_76 : i32
      %mul3A_89 = arith.constant 128 : i32
      %mul3A_90 = arith.muli %add3A_88, %mul3A_89 : i32
      %run_scoped3A = arith.constant 0 : i32
      "tpu.region"() ({
        %run_scoped3A_193 = tpu.sem_alloc : memref<!tpu.dma_semaphore, #tpu.memory_space<semaphore_mem>>
        %dma_start3A_194 = arith.constant 0 : i32
        %dma_start3A_195 = arith.constant 0 : i32
        %dma_start3A_196 = tpu.memref_slice %arg6[%run_scoped3A, %dma_start3A_194, %dma_start3A_195] : memref<5x128x128xf32, #tpu.memory_space<vmem>> -> memref<1x128x128xf32, #tpu.memory_space<vmem>>
        %dma_start3A_197 = tpu.memref_squeeze %dma_start3A_196 : memref<1x128x128xf32, #tpu.memory_space<vmem>> -> memref<128x128xf32, #tpu.memory_space<vmem>>
        %dma_start3A_198 = arith.constant 0 : i32
        %dma_start3A_199 = tpu.memref_slice %arg4[%mul3A_90, %dma_start3A_198] : memref<163840x128xf32, #tpu.memory_space<hbm>> -> memref<128x128xf32, #tpu.memory_space<hbm>>
        %dma_start3A_200 = arith.constant 0 : i32
        %dma_start3A_201 = tpu.memref_slice %arg4[%mul3A_90, %dma_start3A_200] : memref<163840x128xf32, #tpu.memory_space<hbm>> -> memref<128x128xf32, #tpu.memory_space<hbm>>
        %dma_start3A_202 = arith.constant 0 : i32
        %dma_start3A_203 = arith.constant 0 : i32
        %dma_start3A_204 = tpu.memref_slice %arg6[%run_scoped3A, %dma_start3A_202, %dma_start3A_203] : memref<5x128x128xf32, #tpu.memory_space<vmem>> -> memref<1x128x128xf32, #tpu.memory_space<vmem>>
        %dma_start3A_205 = tpu.memref_squeeze %dma_start3A_204 : memref<1x128x128xf32, #tpu.memory_space<vmem>> -> memref<128x128xf32, #tpu.memory_space<vmem>>
        tpu.enqueue_dma source(%dma_start3A_205 : memref<128x128xf32, #tpu.memory_space<vmem>>) target(%dma_start3A_201 : memref<128x128xf32, #tpu.memory_space<hbm>>) target_semaphore(%run_scoped3A_193 : memref<!tpu.dma_semaphore, #tpu.memory_space<semaphore_mem>>)
        %dma_wait3A_206 = arith.constant 0 : i32
        %dma_wait3A_207 = arith.constant 0 : i32
        %dma_wait3A_208 = tpu.memref_slice %arg6[%run_scoped3A, %dma_wait3A_206, %dma_wait3A_207] : memref<5x128x128xf32, #tpu.memory_space<vmem>> -> memref<1x128x128xf32, #tpu.memory_space<vmem>>
        %dma_wait3A_209 = tpu.memref_squeeze %dma_wait3A_208 : memref<1x128x128xf32, #tpu.memory_space<vmem>> -> memref<128x128xf32, #tpu.memory_space<vmem>>
        %dma_wait3A_210 = arith.constant 0 : i32
        %dma_wait3A_211 = tpu.memref_slice %arg4[%mul3A_90, %dma_wait3A_210] : memref<163840x128xf32, #tpu.memory_space<hbm>> -> memref<128x128xf32, #tpu.memory_space<hbm>>
        %dma_wait3A_212 = arith.constant 0 : i32
        %dma_wait3A_213 = tpu.memref_slice %arg4[%mul3A_90, %dma_wait3A_212] : memref<163840x128xf32, #tpu.memory_space<hbm>> -> memref<128x128xf32, #tpu.memory_space<hbm>>
        %dma_wait3A_214 = arith.constant 0 : i32
        %dma_wait3A_215 = arith.constant 0 : i32
        %dma_wait3A_216 = tpu.memref_slice %arg6[%run_scoped3A, %dma_wait3A_214, %dma_wait3A_215] : memref<5x128x128xf32, #tpu.memory_space<vmem>> -> memref<1x128x128xf32, #tpu.memory_space<vmem>>
        %dma_wait3A_217 = tpu.memref_squeeze %dma_wait3A_216 : memref<1x128x128xf32, #tpu.memory_space<vmem>> -> memref<128x128xf32, #tpu.memory_space<vmem>>
        tpu.wait_dma2 semaphore(%run_scoped3A_193 : memref<!tpu.dma_semaphore, #tpu.memory_space<semaphore_mem>>) src(%dma_wait3A_217 : memref<128x128xf32, #tpu.memory_space<vmem>>) dst(%dma_wait3A_213 : memref<128x128xf32, #tpu.memory_space<hbm>>)
        tpu.yield
      }) : () -> ()
      %lt3A = arith.constant 7 : i32
      %lt3A_91 = arith.cmpi slt, %scan3A_72, %lt3A : i32
      %convert_element_type3A = arith.extui %lt3A_91 : i1 to i32
      %cond3A = arith.constant 0 : i32
      %cond3A_92 = arith.cmpi ne, %convert_element_type3A, %cond3A : i32
      scf.if %cond3A_92 {
        %add3A_193 = arith.constant 5 : i32
        %add3A_194 = arith.addi %add3A_76, %add3A_193 : i32
        %dma_start3A_195 = arith.constant 0 : i32
        %dma_start3A_196 = arith.constant 0 : i32
        %dma_start3A_197 = arith.constant 0 : i32
        %dma_start3A_198 = arith.constant 0 : i32
        %dma_start3A_199 = tpu.memref_slice %arg6[%dma_start3A_196, %dma_start3A_197, %dma_start3A_198] : memref<5x128x128xf32, #tpu.memory_space<vmem>> -> memref<1x128x128xf32, #tpu.memory_space<vmem>>
        %dma_start3A_200 = tpu.memref_squeeze %dma_start3A_199 : memref<1x128x128xf32, #tpu.memory_space<vmem>> -> memref<128x128xf32, #tpu.memory_space<vmem>>
        %dma_start3A_201 = arith.constant 0 : i32
        %dma_start3A_202 = tpu.memref_slice %arg5[%add3A_194, %dma_start3A_195, %dma_start3A_201] : memref<40x1x128xi32, #tpu.memory_space<vmem>> -> memref<1x1x128xi32, #tpu.memory_space<vmem>>
        %dma_start3A_203 = tpu.memref_squeeze %dma_start3A_202 : memref<1x1x128xi32, #tpu.memory_space<vmem>> -> memref<128xi32, #tpu.memory_space<vmem>>
        %dma_start3A_204 = arith.constant 0 : i32
        %dma_start3A_205 = arith.constant 0 : i32
        %dma_start3A_206 = tpu.memref_slice %arg2[%dma_start3A_204, %dma_start3A_205] : memref<10000x128xf32, #tpu.memory_space<hbm>> -> memref<10000x128xf32, #tpu.memory_space<hbm>>
        tpu.enqueue_indirect_dma source(%dma_start3A_206 : memref<10000x128xf32, #tpu.memory_space<hbm>>) target(%dma_start3A_200 : memref<128x128xf32, #tpu.memory_space<vmem>>) offsets(%dma_start3A_203 : memref<128xi32, #tpu.memory_space<vmem>>) semaphore(%arg7 : memref<!tpu.dma_semaphore, #tpu.memory_space<semaphore_mem>>)
      } else {
      }
      %mul3A_93 = arith.constant 5 : i32
      %mul3A_94 = arith.muli %scan3A_72, %mul3A_93 : i32
      %add3A_95 = arith.constant 1 : i32
      %add3A_96 = arith.addi %mul3A_94, %add3A_95 : i32
      %dma_wait3A_97 = arith.constant 0 : i32
      %dma_wait3A_98 = arith.constant 1 : i32
      %dma_wait3A_99 = arith.constant 0 : i32
      %dma_wait3A_100 = arith.constant 0 : i32
      %dma_wait3A_101 = tpu.memref_slice %arg6[%dma_wait3A_98, %dma_wait3A_99, %dma_wait3A_100] : memref<5x128x128xf32, #tpu.memory_space<vmem>> -> memref<1x128x128xf32, #tpu.memory_space<vmem>>
      %dma_wait3A_102 = tpu.memref_squeeze %dma_wait3A_101 : memref<1x128x128xf32, #tpu.memory_space<vmem>> -> memref<128x128xf32, #tpu.memory_space<vmem>>
      %dma_wait3A_103 = arith.constant 0 : i32
      %dma_wait3A_104 = tpu.memref_slice %arg5[%add3A_96, %dma_wait3A_97, %dma_wait3A_103] : memref<40x1x128xi32, #tpu.memory_space<vmem>> -> memref<1x1x128xi32, #tpu.memory_space<vmem>>
      %dma_wait3A_105 = tpu.memref_squeeze %dma_wait3A_104 : memref<1x1x128xi32, #tpu.memory_space<vmem>> -> memref<128xi32, #tpu.memory_space<vmem>>
      %dma_wait3A_106 = arith.constant 0 : i32
      %dma_wait3A_107 = arith.constant 0 : i32
      %dma_wait3A_108 = tpu.memref_slice %arg2[%dma_wait3A_106, %dma_wait3A_107] : memref<10000x128xf32, #tpu.memory_space<hbm>> -> memref<10000x128xf32, #tpu.memory_space<hbm>>
      tpu.wait_indirect_dma semaphore(%arg8 : memref<!tpu.dma_semaphore, #tpu.memory_space<semaphore_mem>>) src(%dma_wait3A_108 : memref<10000x128xf32, #tpu.memory_space<hbm>>) dst(%dma_wait3A_102 : memref<128x128xf32, #tpu.memory_space<vmem>>)
      %add3A_109 = arith.addi %mul3A_2, %add3A_96 : i32
      %mul3A_110 = arith.constant 128 : i32
      %mul3A_111 = arith.muli %add3A_109, %mul3A_110 : i32
      %run_scoped3A_112 = arith.constant 1 : i32
      "tpu.region"() ({
        %run_scoped3A_193 = tpu.sem_alloc : memref<!tpu.dma_semaphore, #tpu.memory_space<semaphore_mem>>
        %dma_start3A_194 = arith.constant 0 : i32
        %dma_start3A_195 = arith.constant 0 : i32
        %dma_start3A_196 = tpu.memref_slice %arg6[%run_scoped3A_112, %dma_start3A_194, %dma_start3A_195] : memref<5x128x128xf32, #tpu.memory_space<vmem>> -> memref<1x128x128xf32, #tpu.memory_space<vmem>>
        %dma_start3A_197 = tpu.memref_squeeze %dma_start3A_196 : memref<1x128x128xf32, #tpu.memory_space<vmem>> -> memref<128x128xf32, #tpu.memory_space<vmem>>
        %dma_start3A_198 = arith.constant 0 : i32
        %dma_start3A_199 = tpu.memref_slice %arg4[%mul3A_111, %dma_start3A_198] : memref<163840x128xf32, #tpu.memory_space<hbm>> -> memref<128x128xf32, #tpu.memory_space<hbm>>
        %dma_start3A_200 = arith.constant 0 : i32
        %dma_start3A_201 = tpu.memref_slice %arg4[%mul3A_111, %dma_start3A_200] : memref<163840x128xf32, #tpu.memory_space<hbm>> -> memref<128x128xf32, #tpu.memory_space<hbm>>
        %dma_start3A_202 = arith.constant 0 : i32
        %dma_start3A_203 = arith.constant 0 : i32
        %dma_start3A_204 = tpu.memref_slice %arg6[%run_scoped3A_112, %dma_start3A_202, %dma_start3A_203] : memref<5x128x128xf32, #tpu.memory_space<vmem>> -> memref<1x128x128xf32, #tpu.memory_space<vmem>>
        %dma_start3A_205 = tpu.memref_squeeze %dma_start3A_204 : memref<1x128x128xf32, #tpu.memory_space<vmem>> -> memref<128x128xf32, #tpu.memory_space<vmem>>
        tpu.enqueue_dma source(%dma_start3A_205 : memref<128x128xf32, #tpu.memory_space<vmem>>) target(%dma_start3A_201 : memref<128x128xf32, #tpu.memory_space<hbm>>) target_semaphore(%run_scoped3A_193 : memref<!tpu.dma_semaphore, #tpu.memory_space<semaphore_mem>>)
        %dma_wait3A_206 = arith.constant 0 : i32
        %dma_wait3A_207 = arith.constant 0 : i32
        %dma_wait3A_208 = tpu.memref_slice %arg6[%run_scoped3A_112, %dma_wait3A_206, %dma_wait3A_207] : memref<5x128x128xf32, #tpu.memory_space<vmem>> -> memref<1x128x128xf32, #tpu.memory_space<vmem>>
        %dma_wait3A_209 = tpu.memref_squeeze %dma_wait3A_208 : memref<1x128x128xf32, #tpu.memory_space<vmem>> -> memref<128x128xf32, #tpu.memory_space<vmem>>
        %dma_wait3A_210 = arith.constant 0 : i32
        %dma_wait3A_211 = tpu.memref_slice %arg4[%mul3A_111, %dma_wait3A_210] : memref<163840x128xf32, #tpu.memory_space<hbm>> -> memref<128x128xf32, #tpu.memory_space<hbm>>
        %dma_wait3A_212 = arith.constant 0 : i32
        %dma_wait3A_213 = tpu.memref_slice %arg4[%mul3A_111, %dma_wait3A_212] : memref<163840x128xf32, #tpu.memory_space<hbm>> -> memref<128x128xf32, #tpu.memory_space<hbm>>
        %dma_wait3A_214 = arith.constant 0 : i32
        %dma_wait3A_215 = arith.constant 0 : i32
        %dma_wait3A_216 = tpu.memref_slice %arg6[%run_scoped3A_112, %dma_wait3A_214, %dma_wait3A_215] : memref<5x128x128xf32, #tpu.memory_space<vmem>> -> memref<1x128x128xf32, #tpu.memory_space<vmem>>
        %dma_wait3A_217 = tpu.memref_squeeze %dma_wait3A_216 : memref<1x128x128xf32, #tpu.memory_space<vmem>> -> memref<128x128xf32, #tpu.memory_space<vmem>>
        tpu.wait_dma2 semaphore(%run_scoped3A_193 : memref<!tpu.dma_semaphore, #tpu.memory_space<semaphore_mem>>) src(%dma_wait3A_217 : memref<128x128xf32, #tpu.memory_space<vmem>>) dst(%dma_wait3A_213 : memref<128x128xf32, #tpu.memory_space<hbm>>)
        tpu.yield
      }) : () -> ()
      %lt3A_113 = arith.constant 7 : i32
      %lt3A_114 = arith.cmpi slt, %scan3A_72, %lt3A_113 : i32
      %convert_element_type3A_115 = arith.extui %lt3A_114 : i1 to i32
      %cond3A_116 = arith.constant 0 : i32
      %cond3A_117 = arith.cmpi ne, %convert_element_type3A_115, %cond3A_116 : i32
      scf.if %cond3A_117 {
        %add3A_193 = arith.constant 5 : i32
        %add3A_194 = arith.addi %add3A_96, %add3A_193 : i32
        %dma_start3A_195 = arith.constant 0 : i32
        %dma_start3A_196 = arith.constant 1 : i32
        %dma_start3A_197 = arith.constant 0 : i32
        %dma_start3A_198 = arith.constant 0 : i32
        %dma_start3A_199 = tpu.memref_slice %arg6[%dma_start3A_196, %dma_start3A_197, %dma_start3A_198] : memref<5x128x128xf32, #tpu.memory_space<vmem>> -> memref<1x128x128xf32, #tpu.memory_space<vmem>>
        %dma_start3A_200 = tpu.memref_squeeze %dma_start3A_199 : memref<1x128x128xf32, #tpu.memory_space<vmem>> -> memref<128x128xf32, #tpu.memory_space<vmem>>
        %dma_start3A_201 = arith.constant 0 : i32
        %dma_start3A_202 = tpu.memref_slice %arg5[%add3A_194, %dma_start3A_195, %dma_start3A_201] : memref<40x1x128xi32, #tpu.memory_space<vmem>> -> memref<1x1x128xi32, #tpu.memory_space<vmem>>
        %dma_start3A_203 = tpu.memref_squeeze %dma_start3A_202 : memref<1x1x128xi32, #tpu.memory_space<vmem>> -> memref<128xi32, #tpu.memory_space<vmem>>
        %dma_start3A_204 = arith.constant 0 : i32
        %dma_start3A_205 = arith.constant 0 : i32
        %dma_start3A_206 = tpu.memref_slice %arg2[%dma_start3A_204, %dma_start3A_205] : memref<10000x128xf32, #tpu.memory_space<hbm>> -> memref<10000x128xf32, #tpu.memory_space<hbm>>
        tpu.enqueue_indirect_dma source(%dma_start3A_206 : memref<10000x128xf32, #tpu.memory_space<hbm>>) target(%dma_start3A_200 : memref<128x128xf32, #tpu.memory_space<vmem>>) offsets(%dma_start3A_203 : memref<128xi32, #tpu.memory_space<vmem>>) semaphore(%arg8 : memref<!tpu.dma_semaphore, #tpu.memory_space<semaphore_mem>>)
      } else {
      }
      %mul3A_118 = arith.constant 5 : i32
      %mul3A_119 = arith.muli %scan3A_72, %mul3A_118 : i32
      %add3A_120 = arith.constant 2 : i32
      %add3A_121 = arith.addi %mul3A_119, %add3A_120 : i32
      %dma_wait3A_122 = arith.constant 0 : i32
      %dma_wait3A_123 = arith.constant 2 : i32
      %dma_wait3A_124 = arith.constant 0 : i32
      %dma_wait3A_125 = arith.constant 0 : i32
      %dma_wait3A_126 = tpu.memref_slice %arg6[%dma_wait3A_123, %dma_wait3A_124, %dma_wait3A_125] : memref<5x128x128xf32, #tpu.memory_space<vmem>> -> memref<1x128x128xf32, #tpu.memory_space<vmem>>
      %dma_wait3A_127 = tpu.memref_squeeze %dma_wait3A_126 : memref<1x128x128xf32, #tpu.memory_space<vmem>> -> memref<128x128xf32, #tpu.memory_space<vmem>>
      %dma_wait3A_128 = arith.constant 0 : i32
      %dma_wait3A_129 = tpu.memref_slice %arg5[%add3A_121, %dma_wait3A_122, %dma_wait3A_128] : memref<40x1x128xi32, #tpu.memory_space<vmem>> -> memref<1x1x128xi32, #tpu.memory_space<vmem>>
      %dma_wait3A_130 = tpu.memref_squeeze %dma_wait3A_129 : memref<1x1x128xi32, #tpu.memory_space<vmem>> -> memref<128xi32, #tpu.memory_space<vmem>>
      %dma_wait3A_131 = arith.constant 0 : i32
      %dma_wait3A_132 = arith.constant 0 : i32
      %dma_wait3A_133 = tpu.memref_slice %arg2[%dma_wait3A_131, %dma_wait3A_132] : memref<10000x128xf32, #tpu.memory_space<hbm>> -> memref<10000x128xf32, #tpu.memory_space<hbm>>
      tpu.wait_indirect_dma semaphore(%arg9 : memref<!tpu.dma_semaphore, #tpu.memory_space<semaphore_mem>>) src(%dma_wait3A_133 : memref<10000x128xf32, #tpu.memory_space<hbm>>) dst(%dma_wait3A_127 : memref<128x128xf32, #tpu.memory_space<vmem>>)
      %add3A_134 = arith.addi %mul3A_2, %add3A_121 : i32
      %mul3A_135 = arith.constant 128 : i32
      %mul3A_136 = arith.muli %add3A_134, %mul3A_135 : i32
      %run_scoped3A_137 = arith.constant 2 : i32
      "tpu.region"() ({
        %run_scoped3A_193 = tpu.sem_alloc : memref<!tpu.dma_semaphore, #tpu.memory_space<semaphore_mem>>
        %dma_start3A_194 = arith.constant 0 : i32
        %dma_start3A_195 = arith.constant 0 : i32
        %dma_start3A_196 = tpu.memref_slice %arg6[%run_scoped3A_137, %dma_start3A_194, %dma_start3A_195] : memref<5x128x128xf32, #tpu.memory_space<vmem>> -> memref<1x128x128xf32, #tpu.memory_space<vmem>>
        %dma_start3A_197 = tpu.memref_squeeze %dma_start3A_196 : memref<1x128x128xf32, #tpu.memory_space<vmem>> -> memref<128x128xf32, #tpu.memory_space<vmem>>
        %dma_start3A_198 = arith.constant 0 : i32
        %dma_start3A_199 = tpu.memref_slice %arg4[%mul3A_136, %dma_start3A_198] : memref<163840x128xf32, #tpu.memory_space<hbm>> -> memref<128x128xf32, #tpu.memory_space<hbm>>
        %dma_start3A_200 = arith.constant 0 : i32
        %dma_start3A_201 = tpu.memref_slice %arg4[%mul3A_136, %dma_start3A_200] : memref<163840x128xf32, #tpu.memory_space<hbm>> -> memref<128x128xf32, #tpu.memory_space<hbm>>
        %dma_start3A_202 = arith.constant 0 : i32
        %dma_start3A_203 = arith.constant 0 : i32
        %dma_start3A_204 = tpu.memref_slice %arg6[%run_scoped3A_137, %dma_start3A_202, %dma_start3A_203] : memref<5x128x128xf32, #tpu.memory_space<vmem>> -> memref<1x128x128xf32, #tpu.memory_space<vmem>>
        %dma_start3A_205 = tpu.memref_squeeze %dma_start3A_204 : memref<1x128x128xf32, #tpu.memory_space<vmem>> -> memref<128x128xf32, #tpu.memory_space<vmem>>
        tpu.enqueue_dma source(%dma_start3A_205 : memref<128x128xf32, #tpu.memory_space<vmem>>) target(%dma_start3A_201 : memref<128x128xf32, #tpu.memory_space<hbm>>) target_semaphore(%run_scoped3A_193 : memref<!tpu.dma_semaphore, #tpu.memory_space<semaphore_mem>>)
        %dma_wait3A_206 = arith.constant 0 : i32
        %dma_wait3A_207 = arith.constant 0 : i32
        %dma_wait3A_208 = tpu.memref_slice %arg6[%run_scoped3A_137, %dma_wait3A_206, %dma_wait3A_207] : memref<5x128x128xf32, #tpu.memory_space<vmem>> -> memref<1x128x128xf32, #tpu.memory_space<vmem>>
        %dma_wait3A_209 = tpu.memref_squeeze %dma_wait3A_208 : memref<1x128x128xf32, #tpu.memory_space<vmem>> -> memref<128x128xf32, #tpu.memory_space<vmem>>
        %dma_wait3A_210 = arith.constant 0 : i32
        %dma_wait3A_211 = tpu.memref_slice %arg4[%mul3A_136, %dma_wait3A_210] : memref<163840x128xf32, #tpu.memory_space<hbm>> -> memref<128x128xf32, #tpu.memory_space<hbm>>
        %dma_wait3A_212 = arith.constant 0 : i32
        %dma_wait3A_213 = tpu.memref_slice %arg4[%mul3A_136, %dma_wait3A_212] : memref<163840x128xf32, #tpu.memory_space<hbm>> -> memref<128x128xf32, #tpu.memory_space<hbm>>
        %dma_wait3A_214 = arith.constant 0 : i32
        %dma_wait3A_215 = arith.constant 0 : i32
        %dma_wait3A_216 = tpu.memref_slice %arg6[%run_scoped3A_137, %dma_wait3A_214, %dma_wait3A_215] : memref<5x128x128xf32, #tpu.memory_space<vmem>> -> memref<1x128x128xf32, #tpu.memory_space<vmem>>
        %dma_wait3A_217 = tpu.memref_squeeze %dma_wait3A_216 : memref<1x128x128xf32, #tpu.memory_space<vmem>> -> memref<128x128xf32, #tpu.memory_space<vmem>>
        tpu.wait_dma2 semaphore(%run_scoped3A_193 : memref<!tpu.dma_semaphore, #tpu.memory_space<semaphore_mem>>) src(%dma_wait3A_217 : memref<128x128xf32, #tpu.memory_space<vmem>>) dst(%dma_wait3A_213 : memref<128x128xf32, #tpu.memory_space<hbm>>)
        tpu.yield
      }) : () -> ()
      %lt3A_138 = arith.constant 7 : i32
      %lt3A_139 = arith.cmpi slt, %scan3A_72, %lt3A_138 : i32
      %convert_element_type3A_140 = arith.extui %lt3A_139 : i1 to i32
      %cond3A_141 = arith.constant 0 : i32
      %cond3A_142 = arith.cmpi ne, %convert_element_type3A_140, %cond3A_141 : i32
      scf.if %cond3A_142 {
        %add3A_193 = arith.constant 5 : i32
        %add3A_194 = arith.addi %add3A_121, %add3A_193 : i32
        %dma_start3A_195 = arith.constant 0 : i32
        %dma_start3A_196 = arith.constant 2 : i32
        %dma_start3A_197 = arith.constant 0 : i32
        %dma_start3A_198 = arith.constant 0 : i32
        %dma_start3A_199 = tpu.memref_slice %arg6[%dma_start3A_196, %dma_start3A_197, %dma_start3A_198] : memref<5x128x128xf32, #tpu.memory_space<vmem>> -> memref<1x128x128xf32, #tpu.memory_space<vmem>>
        %dma_start3A_200 = tpu.memref_squeeze %dma_start3A_199 : memref<1x128x128xf32, #tpu.memory_space<vmem>> -> memref<128x128xf32, #tpu.memory_space<vmem>>
        %dma_start3A_201 = arith.constant 0 : i32
        %dma_start3A_202 = tpu.memref_slice %arg5[%add3A_194, %dma_start3A_195, %dma_start3A_201] : memref<40x1x128xi32, #tpu.memory_space<vmem>> -> memref<1x1x128xi32, #tpu.memory_space<vmem>>
        %dma_start3A_203 = tpu.memref_squeeze %dma_start3A_202 : memref<1x1x128xi32, #tpu.memory_space<vmem>> -> memref<128xi32, #tpu.memory_space<vmem>>
        %dma_start3A_204 = arith.constant 0 : i32
        %dma_start3A_205 = arith.constant 0 : i32
        %dma_start3A_206 = tpu.memref_slice %arg2[%dma_start3A_204, %dma_start3A_205] : memref<10000x128xf32, #tpu.memory_space<hbm>> -> memref<10000x128xf32, #tpu.memory_space<hbm>>
        tpu.enqueue_indirect_dma source(%dma_start3A_206 : memref<10000x128xf32, #tpu.memory_space<hbm>>) target(%dma_start3A_200 : memref<128x128xf32, #tpu.memory_space<vmem>>) offsets(%dma_start3A_203 : memref<128xi32, #tpu.memory_space<vmem>>) semaphore(%arg9 : memref<!tpu.dma_semaphore, #tpu.memory_space<semaphore_mem>>)
      } else {
      }
      %mul3A_143 = arith.constant 5 : i32
      %mul3A_144 = arith.muli %scan3A_72, %mul3A_143 : i32
      %add3A_145 = arith.constant 3 : i32
      %add3A_146 = arith.addi %mul3A_144, %add3A_145 : i32
      %dma_wait3A_147 = arith.constant 0 : i32
      %dma_wait3A_148 = arith.constant 3 : i32
      %dma_wait3A_149 = arith.constant 0 : i32
      %dma_wait3A_150 = arith.constant 0 : i32
      %dma_wait3A_151 = tpu.memref_slice %arg6[%dma_wait3A_148, %dma_wait3A_149, %dma_wait3A_150] : memref<5x128x128xf32, #tpu.memory_space<vmem>> -> memref<1x128x128xf32, #tpu.memory_space<vmem>>
      %dma_wait3A_152 = tpu.memref_squeeze %dma_wait3A_151 : memref<1x128x128xf32, #tpu.memory_space<vmem>> -> memref<128x128xf32, #tpu.memory_space<vmem>>
      %dma_wait3A_153 = arith.constant 0 : i32
      %dma_wait3A_154 = tpu.memref_slice %arg5[%add3A_146, %dma_wait3A_147, %dma_wait3A_153] : memref<40x1x128xi32, #tpu.memory_space<vmem>> -> memref<1x1x128xi32, #tpu.memory_space<vmem>>
      %dma_wait3A_155 = tpu.memref_squeeze %dma_wait3A_154 : memref<1x1x128xi32, #tpu.memory_space<vmem>> -> memref<128xi32, #tpu.memory_space<vmem>>
      %dma_wait3A_156 = arith.constant 0 : i32
      %dma_wait3A_157 = arith.constant 0 : i32
      %dma_wait3A_158 = tpu.memref_slice %arg2[%dma_wait3A_156, %dma_wait3A_157] : memref<10000x128xf32, #tpu.memory_space<hbm>> -> memref<10000x128xf32, #tpu.memory_space<hbm>>
      tpu.wait_indirect_dma semaphore(%arg10 : memref<!tpu.dma_semaphore, #tpu.memory_space<semaphore_mem>>) src(%dma_wait3A_158 : memref<10000x128xf32, #tpu.memory_space<hbm>>) dst(%dma_wait3A_152 : memref<128x128xf32, #tpu.memory_space<vmem>>)
      %add3A_159 = arith.addi %mul3A_2, %add3A_146 : i32
      %mul3A_160 = arith.constant 128 : i32
      %mul3A_161 = arith.muli %add3A_159, %mul3A_160 : i32
      %run_scoped3A_162 = arith.constant 3 : i32
      "tpu.region"() ({
        %run_scoped3A_193 = tpu.sem_alloc : memref<!tpu.dma_semaphore, #tpu.memory_space<semaphore_mem>>
        %dma_start3A_194 = arith.constant 0 : i32
        %dma_start3A_195 = arith.constant 0 : i32
        %dma_start3A_196 = tpu.memref_slice %arg6[%run_scoped3A_162, %dma_start3A_194, %dma_start3A_195] : memref<5x128x128xf32, #tpu.memory_space<vmem>> -> memref<1x128x128xf32, #tpu.memory_space<vmem>>
        %dma_start3A_197 = tpu.memref_squeeze %dma_start3A_196 : memref<1x128x128xf32, #tpu.memory_space<vmem>> -> memref<128x128xf32, #tpu.memory_space<vmem>>
        %dma_start3A_198 = arith.constant 0 : i32
        %dma_start3A_199 = tpu.memref_slice %arg4[%mul3A_161, %dma_start3A_198] : memref<163840x128xf32, #tpu.memory_space<hbm>> -> memref<128x128xf32, #tpu.memory_space<hbm>>
        %dma_start3A_200 = arith.constant 0 : i32
        %dma_start3A_201 = tpu.memref_slice %arg4[%mul3A_161, %dma_start3A_200] : memref<163840x128xf32, #tpu.memory_space<hbm>> -> memref<128x128xf32, #tpu.memory_space<hbm>>
        %dma_start3A_202 = arith.constant 0 : i32
        %dma_start3A_203 = arith.constant 0 : i32
        %dma_start3A_204 = tpu.memref_slice %arg6[%run_scoped3A_162, %dma_start3A_202, %dma_start3A_203] : memref<5x128x128xf32, #tpu.memory_space<vmem>> -> memref<1x128x128xf32, #tpu.memory_space<vmem>>
        %dma_start3A_205 = tpu.memref_squeeze %dma_start3A_204 : memref<1x128x128xf32, #tpu.memory_space<vmem>> -> memref<128x128xf32, #tpu.memory_space<vmem>>
        tpu.enqueue_dma source(%dma_start3A_205 : memref<128x128xf32, #tpu.memory_space<vmem>>) target(%dma_start3A_201 : memref<128x128xf32, #tpu.memory_space<hbm>>) target_semaphore(%run_scoped3A_193 : memref<!tpu.dma_semaphore, #tpu.memory_space<semaphore_mem>>)
        %dma_wait3A_206 = arith.constant 0 : i32
        %dma_wait3A_207 = arith.constant 0 : i32
        %dma_wait3A_208 = tpu.memref_slice %arg6[%run_scoped3A_162, %dma_wait3A_206, %dma_wait3A_207] : memref<5x128x128xf32, #tpu.memory_space<vmem>> -> memref<1x128x128xf32, #tpu.memory_space<vmem>>
        %dma_wait3A_209 = tpu.memref_squeeze %dma_wait3A_208 : memref<1x128x128xf32, #tpu.memory_space<vmem>> -> memref<128x128xf32, #tpu.memory_space<vmem>>
        %dma_wait3A_210 = arith.constant 0 : i32
        %dma_wait3A_211 = tpu.memref_slice %arg4[%mul3A_161, %dma_wait3A_210] : memref<163840x128xf32, #tpu.memory_space<hbm>> -> memref<128x128xf32, #tpu.memory_space<hbm>>
        %dma_wait3A_212 = arith.constant 0 : i32
        %dma_wait3A_213 = tpu.memref_slice %arg4[%mul3A_161, %dma_wait3A_212] : memref<163840x128xf32, #tpu.memory_space<hbm>> -> memref<128x128xf32, #tpu.memory_space<hbm>>
        %dma_wait3A_214 = arith.constant 0 : i32
        %dma_wait3A_215 = arith.constant 0 : i32
        %dma_wait3A_216 = tpu.memref_slice %arg6[%run_scoped3A_162, %dma_wait3A_214, %dma_wait3A_215] : memref<5x128x128xf32, #tpu.memory_space<vmem>> -> memref<1x128x128xf32, #tpu.memory_space<vmem>>
        %dma_wait3A_217 = tpu.memref_squeeze %dma_wait3A_216 : memref<1x128x128xf32, #tpu.memory_space<vmem>> -> memref<128x128xf32, #tpu.memory_space<vmem>>
        tpu.wait_dma2 semaphore(%run_scoped3A_193 : memref<!tpu.dma_semaphore, #tpu.memory_space<semaphore_mem>>) src(%dma_wait3A_217 : memref<128x128xf32, #tpu.memory_space<vmem>>) dst(%dma_wait3A_213 : memref<128x128xf32, #tpu.memory_space<hbm>>)
        tpu.yield
      }) : () -> ()
      %lt3A_163 = arith.constant 7 : i32
      %lt3A_164 = arith.cmpi slt, %scan3A_72, %lt3A_163 : i32
      %convert_element_type3A_165 = arith.extui %lt3A_164 : i1 to i32
      %cond3A_166 = arith.constant 0 : i32
      %cond3A_167 = arith.cmpi ne, %convert_element_type3A_165, %cond3A_166 : i32
      scf.if %cond3A_167 {
        %add3A_193 = arith.constant 5 : i32
        %add3A_194 = arith.addi %add3A_146, %add3A_193 : i32
        %dma_start3A_195 = arith.constant 0 : i32
        %dma_start3A_196 = arith.constant 3 : i32
        %dma_start3A_197 = arith.constant 0 : i32
        %dma_start3A_198 = arith.constant 0 : i32
        %dma_start3A_199 = tpu.memref_slice %arg6[%dma_start3A_196, %dma_start3A_197, %dma_start3A_198] : memref<5x128x128xf32, #tpu.memory_space<vmem>> -> memref<1x128x128xf32, #tpu.memory_space<vmem>>
        %dma_start3A_200 = tpu.memref_squeeze %dma_start3A_199 : memref<1x128x128xf32, #tpu.memory_space<vmem>> -> memref<128x128xf32, #tpu.memory_space<vmem>>
        %dma_start3A_201 = arith.constant 0 : i32
        %dma_start3A_202 = tpu.memref_slice %arg5[%add3A_194, %dma_start3A_195, %dma_start3A_201] : memref<40x1x128xi32, #tpu.memory_space<vmem>> -> memref<1x1x128xi32, #tpu.memory_space<vmem>>
        %dma_start3A_203 = tpu.memref_squeeze %dma_start3A_202 : memref<1x1x128xi32, #tpu.memory_space<vmem>> -> memref<128xi32, #tpu.memory_space<vmem>>
        %dma_start3A_204 = arith.constant 0 : i32
        %dma_start3A_205 = arith.constant 0 : i32
        %dma_start3A_206 = tpu.memref_slice %arg2[%dma_start3A_204, %dma_start3A_205] : memref<10000x128xf32, #tpu.memory_space<hbm>> -> memref<10000x128xf32, #tpu.memory_space<hbm>>
        tpu.enqueue_indirect_dma source(%dma_start3A_206 : memref<10000x128xf32, #tpu.memory_space<hbm>>) target(%dma_start3A_200 : memref<128x128xf32, #tpu.memory_space<vmem>>) offsets(%dma_start3A_203 : memref<128xi32, #tpu.memory_space<vmem>>) semaphore(%arg10 : memref<!tpu.dma_semaphore, #tpu.memory_space<semaphore_mem>>)
      } else {
      }
      %mul3A_168 = arith.constant 5 : i32
      %mul3A_169 = arith.muli %scan3A_72, %mul3A_168 : i32
      %add3A_170 = arith.constant 4 : i32
      %add3A_171 = arith.addi %mul3A_169, %add3A_170 : i32
      %dma_wait3A_172 = arith.constant 0 : i32
      %dma_wait3A_173 = arith.constant 4 : i32
      %dma_wait3A_174 = arith.constant 0 : i32
      %dma_wait3A_175 = arith.constant 0 : i32
      %dma_wait3A_176 = tpu.memref_slice %arg6[%dma_wait3A_173, %dma_wait3A_174, %dma_wait3A_175] : memref<5x128x128xf32, #tpu.memory_space<vmem>> -> memref<1x128x128xf32, #tpu.memory_space<vmem>>
      %dma_wait3A_177 = tpu.memref_squeeze %dma_wait3A_176 : memref<1x128x128xf32, #tpu.memory_space<vmem>> -> memref<128x128xf32, #tpu.memory_space<vmem>>
      %dma_wait3A_178 = arith.constant 0 : i32
      %dma_wait3A_179 = tpu.memref_slice %arg5[%add3A_171, %dma_wait3A_172, %dma_wait3A_178] : memref<40x1x128xi32, #tpu.memory_space<vmem>> -> memref<1x1x128xi32, #tpu.memory_space<vmem>>
      %dma_wait3A_180 = tpu.memref_squeeze %dma_wait3A_179 : memref<1x1x128xi32, #tpu.memory_space<vmem>> -> memref<128xi32, #tpu.memory_space<vmem>>
      %dma_wait3A_181 = arith.constant 0 : i32
      %dma_wait3A_182 = arith.constant 0 : i32
      %dma_wait3A_183 = tpu.memref_slice %arg2[%dma_wait3A_181, %dma_wait3A_182] : memref<10000x128xf32, #tpu.memory_space<hbm>> -> memref<10000x128xf32, #tpu.memory_space<hbm>>
      tpu.wait_indirect_dma semaphore(%arg11 : memref<!tpu.dma_semaphore, #tpu.memory_space<semaphore_mem>>) src(%dma_wait3A_183 : memref<10000x128xf32, #tpu.memory_space<hbm>>) dst(%dma_wait3A_177 : memref<128x128xf32, #tpu.memory_space<vmem>>)
      %add3A_184 = arith.addi %mul3A_2, %add3A_171 : i32
      %mul3A_185 = arith.constant 128 : i32
      %mul3A_186 = arith.muli %add3A_184, %mul3A_185 : i32
      %run_scoped3A_187 = arith.constant 4 : i32
      "tpu.region"() ({
        %run_scoped3A_193 = tpu.sem_alloc : memref<!tpu.dma_semaphore, #tpu.memory_space<semaphore_mem>>
        %dma_start3A_194 = arith.constant 0 : i32
        %dma_start3A_195 = arith.constant 0 : i32
        %dma_start3A_196 = tpu.memref_slice %arg6[%run_scoped3A_187, %dma_start3A_194, %dma_start3A_195] : memref<5x128x128xf32, #tpu.memory_space<vmem>> -> memref<1x128x128xf32, #tpu.memory_space<vmem>>
        %dma_start3A_197 = tpu.memref_squeeze %dma_start3A_196 : memref<1x128x128xf32, #tpu.memory_space<vmem>> -> memref<128x128xf32, #tpu.memory_space<vmem>>
        %dma_start3A_198 = arith.constant 0 : i32
        %dma_start3A_199 = tpu.memref_slice %arg4[%mul3A_186, %dma_start3A_198] : memref<163840x128xf32, #tpu.memory_space<hbm>> -> memref<128x128xf32, #tpu.memory_space<hbm>>
        %dma_start3A_200 = arith.constant 0 : i32
        %dma_start3A_201 = tpu.memref_slice %arg4[%mul3A_186, %dma_start3A_200] : memref<163840x128xf32, #tpu.memory_space<hbm>> -> memref<128x128xf32, #tpu.memory_space<hbm>>
        %dma_start3A_202 = arith.constant 0 : i32
        %dma_start3A_203 = arith.constant 0 : i32
        %dma_start3A_204 = tpu.memref_slice %arg6[%run_scoped3A_187, %dma_start3A_202, %dma_start3A_203] : memref<5x128x128xf32, #tpu.memory_space<vmem>> -> memref<1x128x128xf32, #tpu.memory_space<vmem>>
        %dma_start3A_205 = tpu.memref_squeeze %dma_start3A_204 : memref<1x128x128xf32, #tpu.memory_space<vmem>> -> memref<128x128xf32, #tpu.memory_space<vmem>>
        tpu.enqueue_dma source(%dma_start3A_205 : memref<128x128xf32, #tpu.memory_space<vmem>>) target(%dma_start3A_201 : memref<128x128xf32, #tpu.memory_space<hbm>>) target_semaphore(%run_scoped3A_193 : memref<!tpu.dma_semaphore, #tpu.memory_space<semaphore_mem>>)
        %dma_wait3A_206 = arith.constant 0 : i32
        %dma_wait3A_207 = arith.constant 0 : i32
        %dma_wait3A_208 = tpu.memref_slice %arg6[%run_scoped3A_187, %dma_wait3A_206, %dma_wait3A_207] : memref<5x128x128xf32, #tpu.memory_space<vmem>> -> memref<1x128x128xf32, #tpu.memory_space<vmem>>
        %dma_wait3A_209 = tpu.memref_squeeze %dma_wait3A_208 : memref<1x128x128xf32, #tpu.memory_space<vmem>> -> memref<128x128xf32, #tpu.memory_space<vmem>>
        %dma_wait3A_210 = arith.constant 0 : i32
        %dma_wait3A_211 = tpu.memref_slice %arg4[%mul3A_186, %dma_wait3A_210] : memref<163840x128xf32, #tpu.memory_space<hbm>> -> memref<128x128xf32, #tpu.memory_space<hbm>>
        %dma_wait3A_212 = arith.constant 0 : i32
        %dma_wait3A_213 = tpu.memref_slice %arg4[%mul3A_186, %dma_wait3A_212] : memref<163840x128xf32, #tpu.memory_space<hbm>> -> memref<128x128xf32, #tpu.memory_space<hbm>>
        %dma_wait3A_214 = arith.constant 0 : i32
        %dma_wait3A_215 = arith.constant 0 : i32
        %dma_wait3A_216 = tpu.memref_slice %arg6[%run_scoped3A_187, %dma_wait3A_214, %dma_wait3A_215] : memref<5x128x128xf32, #tpu.memory_space<vmem>> -> memref<1x128x128xf32, #tpu.memory_space<vmem>>
        %dma_wait3A_217 = tpu.memref_squeeze %dma_wait3A_216 : memref<1x128x128xf32, #tpu.memory_space<vmem>> -> memref<128x128xf32, #tpu.memory_space<vmem>>
        tpu.wait_dma2 semaphore(%run_scoped3A_193 : memref<!tpu.dma_semaphore, #tpu.memory_space<semaphore_mem>>) src(%dma_wait3A_217 : memref<128x128xf32, #tpu.memory_space<vmem>>) dst(%dma_wait3A_213 : memref<128x128xf32, #tpu.memory_space<hbm>>)
        tpu.yield
      }) : () -> ()
      %lt3A_188 = arith.constant 7 : i32
      %lt3A_189 = arith.cmpi slt, %scan3A_72, %lt3A_188 : i32
      %convert_element_type3A_190 = arith.extui %lt3A_189 : i1 to i32
      %cond3A_191 = arith.constant 0 : i32
      %cond3A_192 = arith.cmpi ne, %convert_element_type3A_190, %cond3A_191 : i32
      scf.if %cond3A_192 {
        %add3A_193 = arith.constant 5 : i32
        %add3A_194 = arith.addi %add3A_171, %add3A_193 : i32
        %dma_start3A_195 = arith.constant 0 : i32
        %dma_start3A_196 = arith.constant 4 : i32
        %dma_start3A_197 = arith.constant 0 : i32
        %dma_start3A_198 = arith.constant 0 : i32
        %dma_start3A_199 = tpu.memref_slice %arg6[%dma_start3A_196, %dma_start3A_197, %dma_start3A_198] : memref<5x128x128xf32, #tpu.memory_space<vmem>> -> memref<1x128x128xf32, #tpu.memory_space<vmem>>
        %dma_start3A_200 = tpu.memref_squeeze %dma_start3A_199 : memref<1x128x128xf32, #tpu.memory_space<vmem>> -> memref<128x128xf32, #tpu.memory_space<vmem>>
        %dma_start3A_201 = arith.constant 0 : i32
        %dma_start3A_202 = tpu.memref_slice %arg5[%add3A_194, %dma_start3A_195, %dma_start3A_201] : memref<40x1x128xi32, #tpu.memory_space<vmem>> -> memref<1x1x128xi32, #tpu.memory_space<vmem>>
        %dma_start3A_203 = tpu.memref_squeeze %dma_start3A_202 : memref<1x1x128xi32, #tpu.memory_space<vmem>> -> memref<128xi32, #tpu.memory_space<vmem>>
        %dma_start3A_204 = arith.constant 0 : i32
        %dma_start3A_205 = arith.constant 0 : i32
        %dma_start3A_206 = tpu.memref_slice %arg2[%dma_start3A_204, %dma_start3A_205] : memref<10000x128xf32, #tpu.memory_space<hbm>> -> memref<10000x128xf32, #tpu.memory_space<hbm>>
        tpu.enqueue_indirect_dma source(%dma_start3A_206 : memref<10000x128xf32, #tpu.memory_space<hbm>>) target(%dma_start3A_200 : memref<128x128xf32, #tpu.memory_space<vmem>>) offsets(%dma_start3A_203 : memref<128xi32, #tpu.memory_space<vmem>>) semaphore(%arg11 : memref<!tpu.dma_semaphore, #tpu.memory_space<semaphore_mem>>)
      } else {
      }
    }
    %scan3A_71 = arith.constant 8 : i32
    return
  }
}

#map = affine_map<(d0, d1) -> (0, 0, 0)>
module attributes {stable_mosaic.version = 14 : i64} {
  func.func @_scatter_body(%arg0: i32, %arg1: i32, %arg2: memref<5x163840x128xf32, #tpu.memory_space<hbm>>, %arg3: memref<1280x1x128xi32, #tpu.memory_space<hbm>>, %arg4: memref<6x10000x128xf32, #tpu.memory_space<hbm>>, %arg5: memref<80x1x128xi32, #tpu.memory_space<vmem>>, %arg6: memref<2x128x128xf32, #tpu.memory_space<vmem>>, %arg7: memref<48x128xf32, #tpu.memory_space<vmem>>, %arg8: memref<10000x128xf32, #tpu.memory_space<vmem_shared>>, %arg9: memref<!tpu.dma_semaphore, #tpu.memory_space<semaphore_mem>>, %arg10: memref<!tpu.dma_semaphore, #tpu.memory_space<semaphore_mem>>) attributes {dimension_semantics = [#tpu.dimension_semantics<core_parallel>, #tpu.dimension_semantics<subcore_parallel>], iteration_bounds = array<i64: 2, 16>, scalar_prefetch = 0 : i64, scratch_operands = 6 : i64, tpu.core_type = #tpu.core_type<sc_vector_subcore>, window_params = [{transform_indices = #map}, {transform_indices = #map}, {transform_indices = #map}]} {
    %mul3A = arith.constant 80 : i32
    %mul3A_0 = arith.muli %arg1, %mul3A : i32
    %scan3A = arith.constant 0 : i32
    %scan3A_1 = arith.constant 0 : i32
    %scan3A_2 = arith.constant 384 : i32
    %scan3A_3 = arith.addi %scan3A_1, %scan3A_2 : i32
    %scan3A_4 = arith.constant 1 : i32
    scf.for %scan3A_357 = %scan3A_1 to %scan3A_3 step %scan3A_4  : i32 {
      %jit3A = arith.constant 8 : i32
      %div3A = arith.divsi %scan3A_357, %jit3A : i32
      %sign3A = arith.constant 0 : i32
      %sign3A_358 = arith.cmpi sgt, %scan3A_357, %sign3A : i32
      %sign3A_359 = arith.extui %sign3A_358 : i1 to i32
      %sign3A_360 = arith.constant 0 : i32
      %sign3A_361 = arith.cmpi slt, %scan3A_357, %sign3A_360 : i32
      %sign3A_362 = arith.extui %sign3A_361 : i1 to i32
      %sign3A_363 = arith.subi %sign3A_359, %sign3A_362 : i32
      %sign3A_364 = arith.constant 0 : i32
      %sign3A_365 = arith.cmpi sgt, %jit3A, %sign3A_364 : i32
      %sign3A_366 = arith.extui %sign3A_365 : i1 to i32
      %sign3A_367 = arith.constant 0 : i32
      %sign3A_368 = arith.cmpi slt, %jit3A, %sign3A_367 : i32
      %sign3A_369 = arith.extui %sign3A_368 : i1 to i32
      %sign3A_370 = arith.subi %sign3A_366, %sign3A_369 : i32
      %ne3A = arith.cmpi ne, %sign3A_363, %sign3A_370 : i32
      %rem3A = arith.remsi %scan3A_357, %jit3A : i32
      %ne3A_371 = arith.constant 0 : i32
      %ne3A_372 = arith.cmpi ne, %rem3A, %ne3A_371 : i32
      %and3A = arith.andi %ne3A, %ne3A_372 : i1
      %sub3A = arith.constant 1 : i32
      %sub3A_373 = arith.subi %div3A, %sub3A : i32
      %select_n3A = arith.select %and3A, %sub3A_373, %div3A : i32
      %jit3A_374 = arith.constant 8 : i32
      %eq3A_375 = arith.constant 0 : i32
      %eq3A_376 = arith.cmpi eq, %jit3A_374, %eq3A_375 : i32
      %jit3A_377 = arith.constant 1 : i32
      %select_n3A_378 = arith.select %eq3A_376, %jit3A_377, %jit3A_374 : i32
      %rem3A_379 = arith.remsi %scan3A_357, %select_n3A_378 : i32
      %ne3A_380 = arith.constant 0 : i32
      %ne3A_381 = arith.cmpi ne, %rem3A_379, %ne3A_380 : i32
      %lt3A = arith.constant 0 : i32
      %lt3A_382 = arith.cmpi slt, %rem3A_379, %lt3A : i32
      %lt3A_383 = arith.constant 0 : i32
      %lt3A_384 = arith.cmpi slt, %select_n3A_378, %lt3A_383 : i32
      %ne3A_385 = arith.xori %lt3A_382, %lt3A_384 : i1
      %and3A_386 = arith.andi %ne3A_385, %ne3A_381 : i1
      %add3A_387 = arith.addi %rem3A_379, %select_n3A_378 : i32
      %select_n3A_388 = arith.select %and3A_386, %add3A_387, %rem3A_379 : i32
      %broadcast_in_dim3A = arith.constant 0.000000e+00 : f32
      %broadcast_in_dim3A_389 = vector.broadcast %broadcast_in_dim3A : f32 to vector<16xf32>
      %mul3A_390 = arith.constant 16 : i32
      %mul3A_391 = arith.muli %select_n3A_388, %mul3A_390 : i32
      %swap3A = arith.index_cast %select_n3A : i32 to index
      %swap3A_392 = arith.index_cast %mul3A_391 : i32 to index
      %swap3A_393 = tpu.vector_load %arg7[%swap3A, %swap3A_392] {strides = array<i32>} : memref<48x128xf32, #tpu.memory_space<vmem>>, vector<1x16xf32>,
      %swap3A_394 = vector.shape_cast %swap3A_393 : vector<1x16xf32> to vector<16xf32>
      %swap3A_395 = vector.shape_cast %broadcast_in_dim3A_389 : vector<16xf32> to vector<1x16xf32>
      tpu.vector_store %arg7[%swap3A, %swap3A_392], %swap3A_395 {strides = array<i32>} : memref<48x128xf32, #tpu.memory_space<vmem>>, vector<1x16xf32>,
    }
    %scan3A_5 = arith.constant 384 : i32
    "tpu.region"() ({
      %run_scoped3A = tpu.sem_alloc : memref<!tpu.dma_semaphore, #tpu.memory_space<semaphore_mem>>
      %dma_start3A_357 = arith.constant 0 : i32
      %dma_start3A_358 = arith.constant 0 : i32
      %dma_start3A_359 = tpu.memref_slice %arg3[%mul3A_0, %dma_start3A_357, %dma_start3A_358] : memref<1280x1x128xi32, #tpu.memory_space<hbm>> -> memref<80x1x128xi32, #tpu.memory_space<hbm>>
      %dma_start3A_360 = arith.constant 0 : i32
      %dma_start3A_361 = arith.constant 0 : i32
      %dma_start3A_362 = tpu.memref_slice %arg3[%mul3A_0, %dma_start3A_360, %dma_start3A_361] : memref<1280x1x128xi32, #tpu.memory_space<hbm>> -> memref<80x1x128xi32, #tpu.memory_space<hbm>>
      tpu.enqueue_dma source(%dma_start3A_362 : memref<80x1x128xi32, #tpu.memory_space<hbm>>) target(%arg5 : memref<80x1x128xi32, #tpu.memory_space<vmem>>) target_semaphore(%run_scoped3A : memref<!tpu.dma_semaphore, #tpu.memory_space<semaphore_mem>>)
      %dma_wait3A = arith.constant 0 : i32
      %dma_wait3A_363 = arith.constant 0 : i32
      %dma_wait3A_364 = tpu.memref_slice %arg3[%mul3A_0, %dma_wait3A, %dma_wait3A_363] : memref<1280x1x128xi32, #tpu.memory_space<hbm>> -> memref<80x1x128xi32, #tpu.memory_space<hbm>>
      %dma_wait3A_365 = arith.constant 0 : i32
      %dma_wait3A_366 = arith.constant 0 : i32
      %dma_wait3A_367 = tpu.memref_slice %arg3[%mul3A_0, %dma_wait3A_365, %dma_wait3A_366] : memref<1280x1x128xi32, #tpu.memory_space<hbm>> -> memref<80x1x128xi32, #tpu.memory_space<hbm>>
      tpu.wait_dma2 semaphore(%run_scoped3A : memref<!tpu.dma_semaphore, #tpu.memory_space<semaphore_mem>>) src(%dma_wait3A_367 : memref<80x1x128xi32, #tpu.memory_space<hbm>>) dst(%arg5 : memref<80x1x128xi32, #tpu.memory_space<vmem>>)
      tpu.yield
    }) : () -> ()
    %mul3A_6 = arith.constant 2 : i32
    %mul3A_7 = arith.muli %arg0, %mul3A_6 : i32
    %add3A = arith.constant 0 : i32
    %add3A_8 = arith.addi %mul3A_7, %add3A : i32
    %mul3A_9 = arith.constant 624 : i32
    %mul3A_10 = arith.muli %arg1, %mul3A_9 : i32
    %add3A_11 = arith.constant 0 : i32
    %add3A_12 = arith.addi %mul3A_10, %add3A_11 : i32
    "tpu.region"() ({
      %run_scoped3A = tpu.sem_alloc : memref<!tpu.dma_semaphore, #tpu.memory_space<semaphore_mem>>
      %dma_start3A_357 = arith.constant 0 : i32
      %dma_start3A_358 = tpu.memref_slice %arg8[%add3A_12, %dma_start3A_357] : memref<10000x128xf32, #tpu.memory_space<vmem_shared>> -> memref<48x128xf32, #tpu.memory_space<vmem_shared>>
      %dma_start3A_359 = arith.constant 0 : i32
      %dma_start3A_360 = tpu.memref_slice %arg8[%add3A_12, %dma_start3A_359] : memref<10000x128xf32, #tpu.memory_space<vmem_shared>> -> memref<48x128xf32, #tpu.memory_space<vmem_shared>>
      tpu.enqueue_dma source(%arg7 : memref<48x128xf32, #tpu.memory_space<vmem>>) target(%dma_start3A_360 : memref<48x128xf32, #tpu.memory_space<vmem_shared>>) target_semaphore(%run_scoped3A : memref<!tpu.dma_semaphore, #tpu.memory_space<semaphore_mem>>)
      %dma_wait3A = arith.constant 0 : i32
      %dma_wait3A_361 = tpu.memref_slice %arg8[%add3A_12, %dma_wait3A] : memref<10000x128xf32, #tpu.memory_space<vmem_shared>> -> memref<48x128xf32, #tpu.memory_space<vmem_shared>>
      %dma_wait3A_362 = arith.constant 0 : i32
      %dma_wait3A_363 = tpu.memref_slice %arg8[%add3A_12, %dma_wait3A_362] : memref<10000x128xf32, #tpu.memory_space<vmem_shared>> -> memref<48x128xf32, #tpu.memory_space<vmem_shared>>
      tpu.wait_dma2 semaphore(%run_scoped3A : memref<!tpu.dma_semaphore, #tpu.memory_space<semaphore_mem>>) src(%arg7 : memref<48x128xf32, #tpu.memory_space<vmem>>) dst(%dma_wait3A_363 : memref<48x128xf32, #tpu.memory_space<vmem_shared>>)
      tpu.yield
    }) : () -> ()
    %mul3A_13 = arith.constant 624 : i32
    %mul3A_14 = arith.muli %arg1, %mul3A_13 : i32
    %add3A_15 = arith.constant 48 : i32
    %add3A_16 = arith.addi %mul3A_14, %add3A_15 : i32
    "tpu.region"() ({
      %run_scoped3A = tpu.sem_alloc : memref<!tpu.dma_semaphore, #tpu.memory_space<semaphore_mem>>
      %dma_start3A_357 = arith.constant 0 : i32
      %dma_start3A_358 = tpu.memref_slice %arg8[%add3A_16, %dma_start3A_357] : memref<10000x128xf32, #tpu.memory_space<vmem_shared>> -> memref<48x128xf32, #tpu.memory_space<vmem_shared>>
      %dma_start3A_359 = arith.constant 0 : i32
      %dma_start3A_360 = tpu.memref_slice %arg8[%add3A_16, %dma_start3A_359] : memref<10000x128xf32, #tpu.memory_space<vmem_shared>> -> memref<48x128xf32, #tpu.memory_space<vmem_shared>>
      tpu.enqueue_dma source(%arg7 : memref<48x128xf32, #tpu.memory_space<vmem>>) target(%dma_start3A_360 : memref<48x128xf32, #tpu.memory_space<vmem_shared>>) target_semaphore(%run_scoped3A : memref<!tpu.dma_semaphore, #tpu.memory_space<semaphore_mem>>)
      %dma_wait3A = arith.constant 0 : i32
      %dma_wait3A_361 = tpu.memref_slice %arg8[%add3A_16, %dma_wait3A] : memref<10000x128xf32, #tpu.memory_space<vmem_shared>> -> memref<48x128xf32, #tpu.memory_space<vmem_shared>>
      %dma_wait3A_362 = arith.constant 0 : i32
      %dma_wait3A_363 = tpu.memref_slice %arg8[%add3A_16, %dma_wait3A_362] : memref<10000x128xf32, #tpu.memory_space<vmem_shared>> -> memref<48x128xf32, #tpu.memory_space<vmem_shared>>
      tpu.wait_dma2 semaphore(%run_scoped3A : memref<!tpu.dma_semaphore, #tpu.memory_space<semaphore_mem>>) src(%arg7 : memref<48x128xf32, #tpu.memory_space<vmem>>) dst(%dma_wait3A_363 : memref<48x128xf32, #tpu.memory_space<vmem_shared>>)
      tpu.yield
    }) : () -> ()
    %mul3A_17 = arith.constant 624 : i32
    %mul3A_18 = arith.muli %arg1, %mul3A_17 : i32
    %add3A_19 = arith.constant 96 : i32
    %add3A_20 = arith.addi %mul3A_18, %add3A_19 : i32
    "tpu.region"() ({
      %run_scoped3A = tpu.sem_alloc : memref<!tpu.dma_semaphore, #tpu.memory_space<semaphore_mem>>
      %dma_start3A_357 = arith.constant 0 : i32
      %dma_start3A_358 = tpu.memref_slice %arg8[%add3A_20, %dma_start3A_357] : memref<10000x128xf32, #tpu.memory_space<vmem_shared>> -> memref<48x128xf32, #tpu.memory_space<vmem_shared>>
      %dma_start3A_359 = arith.constant 0 : i32
      %dma_start3A_360 = tpu.memref_slice %arg8[%add3A_20, %dma_start3A_359] : memref<10000x128xf32, #tpu.memory_space<vmem_shared>> -> memref<48x128xf32, #tpu.memory_space<vmem_shared>>
      tpu.enqueue_dma source(%arg7 : memref<48x128xf32, #tpu.memory_space<vmem>>) target(%dma_start3A_360 : memref<48x128xf32, #tpu.memory_space<vmem_shared>>) target_semaphore(%run_scoped3A : memref<!tpu.dma_semaphore, #tpu.memory_space<semaphore_mem>>)
      %dma_wait3A = arith.constant 0 : i32
      %dma_wait3A_361 = tpu.memref_slice %arg8[%add3A_20, %dma_wait3A] : memref<10000x128xf32, #tpu.memory_space<vmem_shared>> -> memref<48x128xf32, #tpu.memory_space<vmem_shared>>
      %dma_wait3A_362 = arith.constant 0 : i32
      %dma_wait3A_363 = tpu.memref_slice %arg8[%add3A_20, %dma_wait3A_362] : memref<10000x128xf32, #tpu.memory_space<vmem_shared>> -> memref<48x128xf32, #tpu.memory_space<vmem_shared>>
      tpu.wait_dma2 semaphore(%run_scoped3A : memref<!tpu.dma_semaphore, #tpu.memory_space<semaphore_mem>>) src(%arg7 : memref<48x128xf32, #tpu.memory_space<vmem>>) dst(%dma_wait3A_363 : memref<48x128xf32, #tpu.memory_space<vmem_shared>>)
      tpu.yield
    }) : () -> ()
    %mul3A_21 = arith.constant 624 : i32
    %mul3A_22 = arith.muli %arg1, %mul3A_21 : i32
    %add3A_23 = arith.constant 144 : i32
    %add3A_24 = arith.addi %mul3A_22, %add3A_23 : i32
    "tpu.region"() ({
      %run_scoped3A = tpu.sem_alloc : memref<!tpu.dma_semaphore, #tpu.memory_space<semaphore_mem>>
      %dma_start3A_357 = arith.constant 0 : i32
      %dma_start3A_358 = tpu.memref_slice %arg8[%add3A_24, %dma_start3A_357] : memref<10000x128xf32, #tpu.memory_space<vmem_shared>> -> memref<48x128xf32, #tpu.memory_space<vmem_shared>>
      %dma_start3A_359 = arith.constant 0 : i32
      %dma_start3A_360 = tpu.memref_slice %arg8[%add3A_24, %dma_start3A_359] : memref<10000x128xf32, #tpu.memory_space<vmem_shared>> -> memref<48x128xf32, #tpu.memory_space<vmem_shared>>
      tpu.enqueue_dma source(%arg7 : memref<48x128xf32, #tpu.memory_space<vmem>>) target(%dma_start3A_360 : memref<48x128xf32, #tpu.memory_space<vmem_shared>>) target_semaphore(%run_scoped3A : memref<!tpu.dma_semaphore, #tpu.memory_space<semaphore_mem>>)
      %dma_wait3A = arith.constant 0 : i32
      %dma_wait3A_361 = tpu.memref_slice %arg8[%add3A_24, %dma_wait3A] : memref<10000x128xf32, #tpu.memory_space<vmem_shared>> -> memref<48x128xf32, #tpu.memory_space<vmem_shared>>
      %dma_wait3A_362 = arith.constant 0 : i32
      %dma_wait3A_363 = tpu.memref_slice %arg8[%add3A_24, %dma_wait3A_362] : memref<10000x128xf32, #tpu.memory_space<vmem_shared>> -> memref<48x128xf32, #tpu.memory_space<vmem_shared>>
      tpu.wait_dma2 semaphore(%run_scoped3A : memref<!tpu.dma_semaphore, #tpu.memory_space<semaphore_mem>>) src(%arg7 : memref<48x128xf32, #tpu.memory_space<vmem>>) dst(%dma_wait3A_363 : memref<48x128xf32, #tpu.memory_space<vmem_shared>>)
      tpu.yield
    }) : () -> ()
    %mul3A_25 = arith.constant 624 : i32
    %mul3A_26 = arith.muli %arg1, %mul3A_25 : i32
    %add3A_27 = arith.constant 192 : i32
    %add3A_28 = arith.addi %mul3A_26, %add3A_27 : i32
    "tpu.region"() ({
      %run_scoped3A = tpu.sem_alloc : memref<!tpu.dma_semaphore, #tpu.memory_space<semaphore_mem>>
      %dma_start3A_357 = arith.constant 0 : i32
      %dma_start3A_358 = tpu.memref_slice %arg8[%add3A_28, %dma_start3A_357] : memref<10000x128xf32, #tpu.memory_space<vmem_shared>> -> memref<48x128xf32, #tpu.memory_space<vmem_shared>>
      %dma_start3A_359 = arith.constant 0 : i32
      %dma_start3A_360 = tpu.memref_slice %arg8[%add3A_28, %dma_start3A_359] : memref<10000x128xf32, #tpu.memory_space<vmem_shared>> -> memref<48x128xf32, #tpu.memory_space<vmem_shared>>
      tpu.enqueue_dma source(%arg7 : memref<48x128xf32, #tpu.memory_space<vmem>>) target(%dma_start3A_360 : memref<48x128xf32, #tpu.memory_space<vmem_shared>>) target_semaphore(%run_scoped3A : memref<!tpu.dma_semaphore, #tpu.memory_space<semaphore_mem>>)
      %dma_wait3A = arith.constant 0 : i32
      %dma_wait3A_361 = tpu.memref_slice %arg8[%add3A_28, %dma_wait3A] : memref<10000x128xf32, #tpu.memory_space<vmem_shared>> -> memref<48x128xf32, #tpu.memory_space<vmem_shared>>
      %dma_wait3A_362 = arith.constant 0 : i32
      %dma_wait3A_363 = tpu.memref_slice %arg8[%add3A_28, %dma_wait3A_362] : memref<10000x128xf32, #tpu.memory_space<vmem_shared>> -> memref<48x128xf32, #tpu.memory_space<vmem_shared>>
      tpu.wait_dma2 semaphore(%run_scoped3A : memref<!tpu.dma_semaphore, #tpu.memory_space<semaphore_mem>>) src(%arg7 : memref<48x128xf32, #tpu.memory_space<vmem>>) dst(%dma_wait3A_363 : memref<48x128xf32, #tpu.memory_space<vmem_shared>>)
      tpu.yield
    }) : () -> ()
    %mul3A_29 = arith.constant 624 : i32
    %mul3A_30 = arith.muli %arg1, %mul3A_29 : i32
    %add3A_31 = arith.constant 240 : i32
    %add3A_32 = arith.addi %mul3A_30, %add3A_31 : i32
    "tpu.region"() ({
      %run_scoped3A = tpu.sem_alloc : memref<!tpu.dma_semaphore, #tpu.memory_space<semaphore_mem>>
      %dma_start3A_357 = arith.constant 0 : i32
      %dma_start3A_358 = tpu.memref_slice %arg8[%add3A_32, %dma_start3A_357] : memref<10000x128xf32, #tpu.memory_space<vmem_shared>> -> memref<48x128xf32, #tpu.memory_space<vmem_shared>>
      %dma_start3A_359 = arith.constant 0 : i32
      %dma_start3A_360 = tpu.memref_slice %arg8[%add3A_32, %dma_start3A_359] : memref<10000x128xf32, #tpu.memory_space<vmem_shared>> -> memref<48x128xf32, #tpu.memory_space<vmem_shared>>
      tpu.enqueue_dma source(%arg7 : memref<48x128xf32, #tpu.memory_space<vmem>>) target(%dma_start3A_360 : memref<48x128xf32, #tpu.memory_space<vmem_shared>>) target_semaphore(%run_scoped3A : memref<!tpu.dma_semaphore, #tpu.memory_space<semaphore_mem>>)
      %dma_wait3A = arith.constant 0 : i32
      %dma_wait3A_361 = tpu.memref_slice %arg8[%add3A_32, %dma_wait3A] : memref<10000x128xf32, #tpu.memory_space<vmem_shared>> -> memref<48x128xf32, #tpu.memory_space<vmem_shared>>
      %dma_wait3A_362 = arith.constant 0 : i32
      %dma_wait3A_363 = tpu.memref_slice %arg8[%add3A_32, %dma_wait3A_362] : memref<10000x128xf32, #tpu.memory_space<vmem_shared>> -> memref<48x128xf32, #tpu.memory_space<vmem_shared>>
      tpu.wait_dma2 semaphore(%run_scoped3A : memref<!tpu.dma_semaphore, #tpu.memory_space<semaphore_mem>>) src(%arg7 : memref<48x128xf32, #tpu.memory_space<vmem>>) dst(%dma_wait3A_363 : memref<48x128xf32, #tpu.memory_space<vmem_shared>>)
      tpu.yield
    }) : () -> ()
    %mul3A_33 = arith.constant 624 : i32
    %mul3A_34 = arith.muli %arg1, %mul3A_33 : i32
    %add3A_35 = arith.constant 288 : i32
    %add3A_36 = arith.addi %mul3A_34, %add3A_35 : i32
    "tpu.region"() ({
      %run_scoped3A = tpu.sem_alloc : memref<!tpu.dma_semaphore, #tpu.memory_space<semaphore_mem>>
      %dma_start3A_357 = arith.constant 0 : i32
      %dma_start3A_358 = tpu.memref_slice %arg8[%add3A_36, %dma_start3A_357] : memref<10000x128xf32, #tpu.memory_space<vmem_shared>> -> memref<48x128xf32, #tpu.memory_space<vmem_shared>>
      %dma_start3A_359 = arith.constant 0 : i32
      %dma_start3A_360 = tpu.memref_slice %arg8[%add3A_36, %dma_start3A_359] : memref<10000x128xf32, #tpu.memory_space<vmem_shared>> -> memref<48x128xf32, #tpu.memory_space<vmem_shared>>
      tpu.enqueue_dma source(%arg7 : memref<48x128xf32, #tpu.memory_space<vmem>>) target(%dma_start3A_360 : memref<48x128xf32, #tpu.memory_space<vmem_shared>>) target_semaphore(%run_scoped3A : memref<!tpu.dma_semaphore, #tpu.memory_space<semaphore_mem>>)
      %dma_wait3A = arith.constant 0 : i32
      %dma_wait3A_361 = tpu.memref_slice %arg8[%add3A_36, %dma_wait3A] : memref<10000x128xf32, #tpu.memory_space<vmem_shared>> -> memref<48x128xf32, #tpu.memory_space<vmem_shared>>
      %dma_wait3A_362 = arith.constant 0 : i32
      %dma_wait3A_363 = tpu.memref_slice %arg8[%add3A_36, %dma_wait3A_362] : memref<10000x128xf32, #tpu.memory_space<vmem_shared>> -> memref<48x128xf32, #tpu.memory_space<vmem_shared>>
      tpu.wait_dma2 semaphore(%run_scoped3A : memref<!tpu.dma_semaphore, #tpu.memory_space<semaphore_mem>>) src(%arg7 : memref<48x128xf32, #tpu.memory_space<vmem>>) dst(%dma_wait3A_363 : memref<48x128xf32, #tpu.memory_space<vmem_shared>>)
      tpu.yield
    }) : () -> ()
    %mul3A_37 = arith.constant 624 : i32
    %mul3A_38 = arith.muli %arg1, %mul3A_37 : i32
    %add3A_39 = arith.constant 336 : i32
    %add3A_40 = arith.addi %mul3A_38, %add3A_39 : i32
    "tpu.region"() ({
      %run_scoped3A = tpu.sem_alloc : memref<!tpu.dma_semaphore, #tpu.memory_space<semaphore_mem>>
      %dma_start3A_357 = arith.constant 0 : i32
      %dma_start3A_358 = tpu.memref_slice %arg8[%add3A_40, %dma_start3A_357] : memref<10000x128xf32, #tpu.memory_space<vmem_shared>> -> memref<48x128xf32, #tpu.memory_space<vmem_shared>>
      %dma_start3A_359 = arith.constant 0 : i32
      %dma_start3A_360 = tpu.memref_slice %arg8[%add3A_40, %dma_start3A_359] : memref<10000x128xf32, #tpu.memory_space<vmem_shared>> -> memref<48x128xf32, #tpu.memory_space<vmem_shared>>
      tpu.enqueue_dma source(%arg7 : memref<48x128xf32, #tpu.memory_space<vmem>>) target(%dma_start3A_360 : memref<48x128xf32, #tpu.memory_space<vmem_shared>>) target_semaphore(%run_scoped3A : memref<!tpu.dma_semaphore, #tpu.memory_space<semaphore_mem>>)
      %dma_wait3A = arith.constant 0 : i32
      %dma_wait3A_361 = tpu.memref_slice %arg8[%add3A_40, %dma_wait3A] : memref<10000x128xf32, #tpu.memory_space<vmem_shared>> -> memref<48x128xf32, #tpu.memory_space<vmem_shared>>
      %dma_wait3A_362 = arith.constant 0 : i32
      %dma_wait3A_363 = tpu.memref_slice %arg8[%add3A_40, %dma_wait3A_362] : memref<10000x128xf32, #tpu.memory_space<vmem_shared>> -> memref<48x128xf32, #tpu.memory_space<vmem_shared>>
      tpu.wait_dma2 semaphore(%run_scoped3A : memref<!tpu.dma_semaphore, #tpu.memory_space<semaphore_mem>>) src(%arg7 : memref<48x128xf32, #tpu.memory_space<vmem>>) dst(%dma_wait3A_363 : memref<48x128xf32, #tpu.memory_space<vmem_shared>>)
      tpu.yield
    }) : () -> ()
    %mul3A_41 = arith.constant 624 : i32
    %mul3A_42 = arith.muli %arg1, %mul3A_41 : i32
    %add3A_43 = arith.constant 384 : i32
    %add3A_44 = arith.addi %mul3A_42, %add3A_43 : i32
    "tpu.region"() ({
      %run_scoped3A = tpu.sem_alloc : memref<!tpu.dma_semaphore, #tpu.memory_space<semaphore_mem>>
      %dma_start3A_357 = arith.constant 0 : i32
      %dma_start3A_358 = tpu.memref_slice %arg8[%add3A_44, %dma_start3A_357] : memref<10000x128xf32, #tpu.memory_space<vmem_shared>> -> memref<48x128xf32, #tpu.memory_space<vmem_shared>>
      %dma_start3A_359 = arith.constant 0 : i32
      %dma_start3A_360 = tpu.memref_slice %arg8[%add3A_44, %dma_start3A_359] : memref<10000x128xf32, #tpu.memory_space<vmem_shared>> -> memref<48x128xf32, #tpu.memory_space<vmem_shared>>
      tpu.enqueue_dma source(%arg7 : memref<48x128xf32, #tpu.memory_space<vmem>>) target(%dma_start3A_360 : memref<48x128xf32, #tpu.memory_space<vmem_shared>>) target_semaphore(%run_scoped3A : memref<!tpu.dma_semaphore, #tpu.memory_space<semaphore_mem>>)
      %dma_wait3A = arith.constant 0 : i32
      %dma_wait3A_361 = tpu.memref_slice %arg8[%add3A_44, %dma_wait3A] : memref<10000x128xf32, #tpu.memory_space<vmem_shared>> -> memref<48x128xf32, #tpu.memory_space<vmem_shared>>
      %dma_wait3A_362 = arith.constant 0 : i32
      %dma_wait3A_363 = tpu.memref_slice %arg8[%add3A_44, %dma_wait3A_362] : memref<10000x128xf32, #tpu.memory_space<vmem_shared>> -> memref<48x128xf32, #tpu.memory_space<vmem_shared>>
      tpu.wait_dma2 semaphore(%run_scoped3A : memref<!tpu.dma_semaphore, #tpu.memory_space<semaphore_mem>>) src(%arg7 : memref<48x128xf32, #tpu.memory_space<vmem>>) dst(%dma_wait3A_363 : memref<48x128xf32, #tpu.memory_space<vmem_shared>>)
      tpu.yield
    }) : () -> ()
    %mul3A_45 = arith.constant 624 : i32
    %mul3A_46 = arith.muli %arg1, %mul3A_45 : i32
    %add3A_47 = arith.constant 432 : i32
    %add3A_48 = arith.addi %mul3A_46, %add3A_47 : i32
    "tpu.region"() ({
      %run_scoped3A = tpu.sem_alloc : memref<!tpu.dma_semaphore, #tpu.memory_space<semaphore_mem>>
      %dma_start3A_357 = arith.constant 0 : i32
      %dma_start3A_358 = tpu.memref_slice %arg8[%add3A_48, %dma_start3A_357] : memref<10000x128xf32, #tpu.memory_space<vmem_shared>> -> memref<48x128xf32, #tpu.memory_space<vmem_shared>>
      %dma_start3A_359 = arith.constant 0 : i32
      %dma_start3A_360 = tpu.memref_slice %arg8[%add3A_48, %dma_start3A_359] : memref<10000x128xf32, #tpu.memory_space<vmem_shared>> -> memref<48x128xf32, #tpu.memory_space<vmem_shared>>
      tpu.enqueue_dma source(%arg7 : memref<48x128xf32, #tpu.memory_space<vmem>>) target(%dma_start3A_360 : memref<48x128xf32, #tpu.memory_space<vmem_shared>>) target_semaphore(%run_scoped3A : memref<!tpu.dma_semaphore, #tpu.memory_space<semaphore_mem>>)
      %dma_wait3A = arith.constant 0 : i32
      %dma_wait3A_361 = tpu.memref_slice %arg8[%add3A_48, %dma_wait3A] : memref<10000x128xf32, #tpu.memory_space<vmem_shared>> -> memref<48x128xf32, #tpu.memory_space<vmem_shared>>
      %dma_wait3A_362 = arith.constant 0 : i32
      %dma_wait3A_363 = tpu.memref_slice %arg8[%add3A_48, %dma_wait3A_362] : memref<10000x128xf32, #tpu.memory_space<vmem_shared>> -> memref<48x128xf32, #tpu.memory_space<vmem_shared>>
      tpu.wait_dma2 semaphore(%run_scoped3A : memref<!tpu.dma_semaphore, #tpu.memory_space<semaphore_mem>>) src(%arg7 : memref<48x128xf32, #tpu.memory_space<vmem>>) dst(%dma_wait3A_363 : memref<48x128xf32, #tpu.memory_space<vmem_shared>>)
      tpu.yield
    }) : () -> ()
    %mul3A_49 = arith.constant 624 : i32
    %mul3A_50 = arith.muli %arg1, %mul3A_49 : i32
    %add3A_51 = arith.constant 480 : i32
    %add3A_52 = arith.addi %mul3A_50, %add3A_51 : i32
    "tpu.region"() ({
      %run_scoped3A = tpu.sem_alloc : memref<!tpu.dma_semaphore, #tpu.memory_space<semaphore_mem>>
      %dma_start3A_357 = arith.constant 0 : i32
      %dma_start3A_358 = tpu.memref_slice %arg8[%add3A_52, %dma_start3A_357] : memref<10000x128xf32, #tpu.memory_space<vmem_shared>> -> memref<48x128xf32, #tpu.memory_space<vmem_shared>>
      %dma_start3A_359 = arith.constant 0 : i32
      %dma_start3A_360 = tpu.memref_slice %arg8[%add3A_52, %dma_start3A_359] : memref<10000x128xf32, #tpu.memory_space<vmem_shared>> -> memref<48x128xf32, #tpu.memory_space<vmem_shared>>
      tpu.enqueue_dma source(%arg7 : memref<48x128xf32, #tpu.memory_space<vmem>>) target(%dma_start3A_360 : memref<48x128xf32, #tpu.memory_space<vmem_shared>>) target_semaphore(%run_scoped3A : memref<!tpu.dma_semaphore, #tpu.memory_space<semaphore_mem>>)
      %dma_wait3A = arith.constant 0 : i32
      %dma_wait3A_361 = tpu.memref_slice %arg8[%add3A_52, %dma_wait3A] : memref<10000x128xf32, #tpu.memory_space<vmem_shared>> -> memref<48x128xf32, #tpu.memory_space<vmem_shared>>
      %dma_wait3A_362 = arith.constant 0 : i32
      %dma_wait3A_363 = tpu.memref_slice %arg8[%add3A_52, %dma_wait3A_362] : memref<10000x128xf32, #tpu.memory_space<vmem_shared>> -> memref<48x128xf32, #tpu.memory_space<vmem_shared>>
      tpu.wait_dma2 semaphore(%run_scoped3A : memref<!tpu.dma_semaphore, #tpu.memory_space<semaphore_mem>>) src(%arg7 : memref<48x128xf32, #tpu.memory_space<vmem>>) dst(%dma_wait3A_363 : memref<48x128xf32, #tpu.memory_space<vmem_shared>>)
      tpu.yield
    }) : () -> ()
    %mul3A_53 = arith.constant 624 : i32
    %mul3A_54 = arith.muli %arg1, %mul3A_53 : i32
    %add3A_55 = arith.constant 528 : i32
    %add3A_56 = arith.addi %mul3A_54, %add3A_55 : i32
    "tpu.region"() ({
      %run_scoped3A = tpu.sem_alloc : memref<!tpu.dma_semaphore, #tpu.memory_space<semaphore_mem>>
      %dma_start3A_357 = arith.constant 0 : i32
      %dma_start3A_358 = tpu.memref_slice %arg8[%add3A_56, %dma_start3A_357] : memref<10000x128xf32, #tpu.memory_space<vmem_shared>> -> memref<48x128xf32, #tpu.memory_space<vmem_shared>>
      %dma_start3A_359 = arith.constant 0 : i32
      %dma_start3A_360 = tpu.memref_slice %arg8[%add3A_56, %dma_start3A_359] : memref<10000x128xf32, #tpu.memory_space<vmem_shared>> -> memref<48x128xf32, #tpu.memory_space<vmem_shared>>
      tpu.enqueue_dma source(%arg7 : memref<48x128xf32, #tpu.memory_space<vmem>>) target(%dma_start3A_360 : memref<48x128xf32, #tpu.memory_space<vmem_shared>>) target_semaphore(%run_scoped3A : memref<!tpu.dma_semaphore, #tpu.memory_space<semaphore_mem>>)
      %dma_wait3A = arith.constant 0 : i32
      %dma_wait3A_361 = tpu.memref_slice %arg8[%add3A_56, %dma_wait3A] : memref<10000x128xf32, #tpu.memory_space<vmem_shared>> -> memref<48x128xf32, #tpu.memory_space<vmem_shared>>
      %dma_wait3A_362 = arith.constant 0 : i32
      %dma_wait3A_363 = tpu.memref_slice %arg8[%add3A_56, %dma_wait3A_362] : memref<10000x128xf32, #tpu.memory_space<vmem_shared>> -> memref<48x128xf32, #tpu.memory_space<vmem_shared>>
      tpu.wait_dma2 semaphore(%run_scoped3A : memref<!tpu.dma_semaphore, #tpu.memory_space<semaphore_mem>>) src(%arg7 : memref<48x128xf32, #tpu.memory_space<vmem>>) dst(%dma_wait3A_363 : memref<48x128xf32, #tpu.memory_space<vmem_shared>>)
      tpu.yield
    }) : () -> ()
    %mul3A_57 = arith.constant 624 : i32
    %mul3A_58 = arith.muli %arg1, %mul3A_57 : i32
    %add3A_59 = arith.constant 576 : i32
    %add3A_60 = arith.addi %mul3A_58, %add3A_59 : i32
    "tpu.region"() ({
      %run_scoped3A = tpu.sem_alloc : memref<!tpu.dma_semaphore, #tpu.memory_space<semaphore_mem>>
      %dma_start3A_357 = arith.constant 0 : i32
      %dma_start3A_358 = tpu.memref_slice %arg8[%add3A_60, %dma_start3A_357] : memref<10000x128xf32, #tpu.memory_space<vmem_shared>> -> memref<48x128xf32, #tpu.memory_space<vmem_shared>>
      %dma_start3A_359 = arith.constant 0 : i32
      %dma_start3A_360 = tpu.memref_slice %arg8[%add3A_60, %dma_start3A_359] : memref<10000x128xf32, #tpu.memory_space<vmem_shared>> -> memref<48x128xf32, #tpu.memory_space<vmem_shared>>
      tpu.enqueue_dma source(%arg7 : memref<48x128xf32, #tpu.memory_space<vmem>>) target(%dma_start3A_360 : memref<48x128xf32, #tpu.memory_space<vmem_shared>>) target_semaphore(%run_scoped3A : memref<!tpu.dma_semaphore, #tpu.memory_space<semaphore_mem>>)
      %dma_wait3A = arith.constant 0 : i32
      %dma_wait3A_361 = tpu.memref_slice %arg8[%add3A_60, %dma_wait3A] : memref<10000x128xf32, #tpu.memory_space<vmem_shared>> -> memref<48x128xf32, #tpu.memory_space<vmem_shared>>
      %dma_wait3A_362 = arith.constant 0 : i32
      %dma_wait3A_363 = tpu.memref_slice %arg8[%add3A_60, %dma_wait3A_362] : memref<10000x128xf32, #tpu.memory_space<vmem_shared>> -> memref<48x128xf32, #tpu.memory_space<vmem_shared>>
      tpu.wait_dma2 semaphore(%run_scoped3A : memref<!tpu.dma_semaphore, #tpu.memory_space<semaphore_mem>>) src(%arg7 : memref<48x128xf32, #tpu.memory_space<vmem>>) dst(%dma_wait3A_363 : memref<48x128xf32, #tpu.memory_space<vmem_shared>>)
      tpu.yield
    }) : () -> ()
    %eq3A = arith.constant 0 : i32
    %eq3A_61 = arith.cmpi eq, %arg1, %eq3A : i32
    %convert_element_type3A = arith.extui %eq3A_61 : i1 to i32
    %cond3A = arith.constant 0 : i32
    %cond3A_62 = arith.cmpi ne, %convert_element_type3A, %cond3A : i32
    scf.if %cond3A_62 {
      "tpu.region"() ({
        %run_scoped3A = tpu.sem_alloc : memref<!tpu.dma_semaphore, #tpu.memory_space<semaphore_mem>>
        %dma_start3A_357 = arith.constant 0 : i32
        %dma_start3A_358 = arith.constant 0 : i32
        %dma_start3A_359 = tpu.memref_slice %arg7[%dma_start3A_357, %dma_start3A_358] : memref<48x128xf32, #tpu.memory_space<vmem>> -> memref<16x128xf32, #tpu.memory_space<vmem>>
        %dma_start3A_360 = arith.constant 9984 : i32
        %dma_start3A_361 = arith.constant 0 : i32
        %dma_start3A_362 = tpu.memref_slice %arg8[%dma_start3A_360, %dma_start3A_361] : memref<10000x128xf32, #tpu.memory_space<vmem_shared>> -> memref<16x128xf32, #tpu.memory_space<vmem_shared>>
        %dma_start3A_363 = arith.constant 9984 : i32
        %dma_start3A_364 = arith.constant 0 : i32
        %dma_start3A_365 = tpu.memref_slice %arg8[%dma_start3A_363, %dma_start3A_364] : memref<10000x128xf32, #tpu.memory_space<vmem_shared>> -> memref<16x128xf32, #tpu.memory_space<vmem_shared>>
        %dma_start3A_366 = arith.constant 0 : i32
        %dma_start3A_367 = arith.constant 0 : i32
        %dma_start3A_368 = tpu.memref_slice %arg7[%dma_start3A_366, %dma_start3A_367] : memref<48x128xf32, #tpu.memory_space<vmem>> -> memref<16x128xf32, #tpu.memory_space<vmem>>
        tpu.enqueue_dma source(%dma_start3A_368 : memref<16x128xf32, #tpu.memory_space<vmem>>) target(%dma_start3A_365 : memref<16x128xf32, #tpu.memory_space<vmem_shared>>) target_semaphore(%run_scoped3A : memref<!tpu.dma_semaphore, #tpu.memory_space<semaphore_mem>>)
        %dma_wait3A = arith.constant 0 : i32
        %dma_wait3A_369 = arith.constant 0 : i32
        %dma_wait3A_370 = tpu.memref_slice %arg7[%dma_wait3A, %dma_wait3A_369] : memref<48x128xf32, #tpu.memory_space<vmem>> -> memref<16x128xf32, #tpu.memory_space<vmem>>
        %dma_wait3A_371 = arith.constant 9984 : i32
        %dma_wait3A_372 = arith.constant 0 : i32
        %dma_wait3A_373 = tpu.memref_slice %arg8[%dma_wait3A_371, %dma_wait3A_372] : memref<10000x128xf32, #tpu.memory_space<vmem_shared>> -> memref<16x128xf32, #tpu.memory_space<vmem_shared>>
        %dma_wait3A_374 = arith.constant 9984 : i32
        %dma_wait3A_375 = arith.constant 0 : i32
        %dma_wait3A_376 = tpu.memref_slice %arg8[%dma_wait3A_374, %dma_wait3A_375] : memref<10000x128xf32, #tpu.memory_space<vmem_shared>> -> memref<16x128xf32, #tpu.memory_space<vmem_shared>>
        %dma_wait3A_377 = arith.constant 0 : i32
        %dma_wait3A_378 = arith.constant 0 : i32
        %dma_wait3A_379 = tpu.memref_slice %arg7[%dma_wait3A_377, %dma_wait3A_378] : memref<48x128xf32, #tpu.memory_space<vmem>> -> memref<16x128xf32, #tpu.memory_space<vmem>>
        tpu.wait_dma2 semaphore(%run_scoped3A : memref<!tpu.dma_semaphore, #tpu.memory_space<semaphore_mem>>) src(%dma_wait3A_379 : memref<16x128xf32, #tpu.memory_space<vmem>>) dst(%dma_wait3A_376 : memref<16x128xf32, #tpu.memory_space<vmem_shared>>)
        tpu.yield
      }) : () -> ()
    } else {
    }
    %barrier3A = arith.constant 0 : index
    tpu.barrier barrier_id(%barrier3A)
    %add3A_63 = arith.constant 0 : i32
    %add3A_64 = arith.addi %mul3A_0, %add3A_63 : i32
    %add3A_65 = arith.constant 0 : i32
    %add3A_66 = arith.addi %add3A_64, %add3A_65 : i32
    %mul3A_67 = arith.constant 128 : i32
    %mul3A_68 = arith.muli %add3A_66, %mul3A_67 : i32
    %dma_start3A = arith.constant 0 : i32
    %dma_start3A_69 = arith.constant 0 : i32
    %dma_start3A_70 = arith.constant 0 : i32
    %dma_start3A_71 = tpu.memref_slice %arg6[%dma_start3A, %dma_start3A_69, %dma_start3A_70] : memref<2x128x128xf32, #tpu.memory_space<vmem>> -> memref<1x128x128xf32, #tpu.memory_space<vmem>>
    %dma_start3A_72 = tpu.memref_squeeze %dma_start3A_71 : memref<1x128x128xf32, #tpu.memory_space<vmem>> -> memref<128x128xf32, #tpu.memory_space<vmem>>
    %dma_start3A_73 = arith.constant 0 : i32
    %dma_start3A_74 = tpu.memref_slice %arg2[%add3A_8, %mul3A_68, %dma_start3A_73] : memref<5x163840x128xf32, #tpu.memory_space<hbm>> -> memref<1x128x128xf32, #tpu.memory_space<hbm>>
    %dma_start3A_75 = tpu.memref_squeeze %dma_start3A_74 : memref<1x128x128xf32, #tpu.memory_space<hbm>> -> memref<128x128xf32, #tpu.memory_space<hbm>>
    %dma_start3A_76 = arith.constant 0 : i32
    %dma_start3A_77 = arith.constant 0 : i32
    %dma_start3A_78 = tpu.memref_slice %arg6[%dma_start3A, %dma_start3A_76, %dma_start3A_77] : memref<2x128x128xf32, #tpu.memory_space<vmem>> -> memref<1x128x128xf32, #tpu.memory_space<vmem>>
    %dma_start3A_79 = tpu.memref_squeeze %dma_start3A_78 : memref<1x128x128xf32, #tpu.memory_space<vmem>> -> memref<128x128xf32, #tpu.memory_space<vmem>>
    %dma_start3A_80 = arith.constant 0 : i32
    %dma_start3A_81 = tpu.memref_slice %arg2[%add3A_8, %mul3A_68, %dma_start3A_80] : memref<5x163840x128xf32, #tpu.memory_space<hbm>> -> memref<1x128x128xf32, #tpu.memory_space<hbm>>
    %dma_start3A_82 = tpu.memref_squeeze %dma_start3A_81 : memref<1x128x128xf32, #tpu.memory_space<hbm>> -> memref<128x128xf32, #tpu.memory_space<hbm>>
    tpu.enqueue_dma source(%dma_start3A_82 : memref<128x128xf32, #tpu.memory_space<hbm>>) target(%dma_start3A_79 : memref<128x128xf32, #tpu.memory_space<vmem>>) target_semaphore(%arg9 : memref<!tpu.dma_semaphore, #tpu.memory_space<semaphore_mem>>)
    %add3A_83 = arith.constant 0 : i32
    %add3A_84 = arith.addi %mul3A_0, %add3A_83 : i32
    %add3A_85 = arith.constant 1 : i32
    %add3A_86 = arith.addi %add3A_84, %add3A_85 : i32
    %mul3A_87 = arith.constant 128 : i32
    %mul3A_88 = arith.muli %add3A_86, %mul3A_87 : i32
    %dma_start3A_89 = arith.constant 1 : i32
    %dma_start3A_90 = arith.constant 0 : i32
    %dma_start3A_91 = arith.constant 0 : i32
    %dma_start3A_92 = tpu.memref_slice %arg6[%dma_start3A_89, %dma_start3A_90, %dma_start3A_91] : memref<2x128x128xf32, #tpu.memory_space<vmem>> -> memref<1x128x128xf32, #tpu.memory_space<vmem>>
    %dma_start3A_93 = tpu.memref_squeeze %dma_start3A_92 : memref<1x128x128xf32, #tpu.memory_space<vmem>> -> memref<128x128xf32, #tpu.memory_space<vmem>>
    %dma_start3A_94 = arith.constant 0 : i32
    %dma_start3A_95 = tpu.memref_slice %arg2[%add3A_8, %mul3A_88, %dma_start3A_94] : memref<5x163840x128xf32, #tpu.memory_space<hbm>> -> memref<1x128x128xf32, #tpu.memory_space<hbm>>
    %dma_start3A_96 = tpu.memref_squeeze %dma_start3A_95 : memref<1x128x128xf32, #tpu.memory_space<hbm>> -> memref<128x128xf32, #tpu.memory_space<hbm>>
    %dma_start3A_97 = arith.constant 0 : i32
    %dma_start3A_98 = arith.constant 0 : i32
    %dma_start3A_99 = tpu.memref_slice %arg6[%dma_start3A_89, %dma_start3A_97, %dma_start3A_98] : memref<2x128x128xf32, #tpu.memory_space<vmem>> -> memref<1x128x128xf32, #tpu.memory_space<vmem>>
    %dma_start3A_100 = tpu.memref_squeeze %dma_start3A_99 : memref<1x128x128xf32, #tpu.memory_space<vmem>> -> memref<128x128xf32, #tpu.memory_space<vmem>>
    %dma_start3A_101 = arith.constant 0 : i32
    %dma_start3A_102 = tpu.memref_slice %arg2[%add3A_8, %mul3A_88, %dma_start3A_101] : memref<5x163840x128xf32, #tpu.memory_space<hbm>> -> memref<1x128x128xf32, #tpu.memory_space<hbm>>
    %dma_start3A_103 = tpu.memref_squeeze %dma_start3A_102 : memref<1x128x128xf32, #tpu.memory_space<hbm>> -> memref<128x128xf32, #tpu.memory_space<hbm>>
    tpu.enqueue_dma source(%dma_start3A_103 : memref<128x128xf32, #tpu.memory_space<hbm>>) target(%dma_start3A_100 : memref<128x128xf32, #tpu.memory_space<vmem>>) target_semaphore(%arg10 : memref<!tpu.dma_semaphore, #tpu.memory_space<semaphore_mem>>)
    %scan3A_104 = arith.constant 0 : i32
    %scan3A_105 = arith.constant 0 : i32
    %scan3A_106 = arith.constant 40 : i32
    %scan3A_107 = arith.addi %scan3A_105, %scan3A_106 : i32
    %scan3A_108 = arith.constant 1 : i32
    scf.for %scan3A_357 = %scan3A_105 to %scan3A_107 step %scan3A_108  : i32 {
      %mul3A_358 = arith.constant 2 : i32
      %mul3A_359 = arith.muli %scan3A_357, %mul3A_358 : i32
      %add3A_360 = arith.constant 0 : i32
      %add3A_361 = arith.addi %add3A_360, %mul3A_359 : i32
      %add3A_362 = arith.constant 0 : i32
      %add3A_363 = arith.addi %add3A_361, %add3A_362 : i32
      %add3A_364 = arith.addi %mul3A_0, %add3A_363 : i32
      %mul3A_365 = arith.constant 128 : i32
      %mul3A_366 = arith.muli %add3A_364, %mul3A_365 : i32
      %dma_wait3A = arith.constant 0 : i32
      %dma_wait3A_367 = arith.constant 0 : i32
      %dma_wait3A_368 = arith.constant 0 : i32
      %dma_wait3A_369 = tpu.memref_slice %arg6[%dma_wait3A, %dma_wait3A_367, %dma_wait3A_368] : memref<2x128x128xf32, #tpu.memory_space<vmem>> -> memref<1x128x128xf32, #tpu.memory_space<vmem>>
      %dma_wait3A_370 = tpu.memref_squeeze %dma_wait3A_369 : memref<1x128x128xf32, #tpu.memory_space<vmem>> -> memref<128x128xf32, #tpu.memory_space<vmem>>
      %dma_wait3A_371 = arith.constant 0 : i32
      %dma_wait3A_372 = tpu.memref_slice %arg2[%add3A_8, %mul3A_366, %dma_wait3A_371] : memref<5x163840x128xf32, #tpu.memory_space<hbm>> -> memref<1x128x128xf32, #tpu.memory_space<hbm>>
      %dma_wait3A_373 = tpu.memref_squeeze %dma_wait3A_372 : memref<1x128x128xf32, #tpu.memory_space<hbm>> -> memref<128x128xf32, #tpu.memory_space<hbm>>
      %dma_wait3A_374 = arith.constant 0 : i32
      %dma_wait3A_375 = arith.constant 0 : i32
      %dma_wait3A_376 = tpu.memref_slice %arg6[%dma_wait3A, %dma_wait3A_374, %dma_wait3A_375] : memref<2x128x128xf32, #tpu.memory_space<vmem>> -> memref<1x128x128xf32, #tpu.memory_space<vmem>>
      %dma_wait3A_377 = tpu.memref_squeeze %dma_wait3A_376 : memref<1x128x128xf32, #tpu.memory_space<vmem>> -> memref<128x128xf32, #tpu.memory_space<vmem>>
      %dma_wait3A_378 = arith.constant 0 : i32
      %dma_wait3A_379 = tpu.memref_slice %arg2[%add3A_8, %mul3A_366, %dma_wait3A_378] : memref<5x163840x128xf32, #tpu.memory_space<hbm>> -> memref<1x128x128xf32, #tpu.memory_space<hbm>>
      %dma_wait3A_380 = tpu.memref_squeeze %dma_wait3A_379 : memref<1x128x128xf32, #tpu.memory_space<hbm>> -> memref<128x128xf32, #tpu.memory_space<hbm>>
      tpu.wait_dma2 semaphore(%arg9 : memref<!tpu.dma_semaphore, #tpu.memory_space<semaphore_mem>>) src(%dma_wait3A_380 : memref<128x128xf32, #tpu.memory_space<hbm>>) dst(%dma_wait3A_377 : memref<128x128xf32, #tpu.memory_space<vmem>>)
      %run_scoped3A = arith.constant 0 : i32
      %run_scoped3A_381 = arith.constant 0 : i32
      "tpu.region"() ({
        %run_scoped3A_417 = tpu.sem_alloc : memref<!tpu.dma_semaphore, #tpu.memory_space<semaphore_mem>>
        %dma_start3A_418 = arith.constant 0 : i32
        %dma_start3A_419 = arith.constant 0 : i32
        %dma_start3A_420 = tpu.memref_slice %arg6[%run_scoped3A, %dma_start3A_418, %dma_start3A_419] : memref<2x128x128xf32, #tpu.memory_space<vmem>> -> memref<1x128x128xf32, #tpu.memory_space<vmem>>
        %dma_start3A_421 = tpu.memref_squeeze %dma_start3A_420 : memref<1x128x128xf32, #tpu.memory_space<vmem>> -> memref<128x128xf32, #tpu.memory_space<vmem>>
        %dma_start3A_422 = arith.constant 0 : i32
        %dma_start3A_423 = tpu.memref_slice %arg5[%add3A_363, %run_scoped3A_381, %dma_start3A_422] : memref<80x1x128xi32, #tpu.memory_space<vmem>> -> memref<1x1x128xi32, #tpu.memory_space<vmem>>
        %dma_start3A_424 = tpu.memref_squeeze %dma_start3A_423 : memref<1x1x128xi32, #tpu.memory_space<vmem>> -> memref<128xi32, #tpu.memory_space<vmem>>
        %dma_start3A_425 = arith.constant 0 : i32
        %dma_start3A_426 = arith.constant 0 : i32
        %dma_start3A_427 = tpu.memref_slice %arg8[%dma_start3A_425, %dma_start3A_426] : memref<10000x128xf32, #tpu.memory_space<vmem_shared>> -> memref<10000x128xf32, #tpu.memory_space<vmem_shared>>
        tpu.enqueue_indirect_dma source(%dma_start3A_421 : memref<128x128xf32, #tpu.memory_space<vmem>>) target(%dma_start3A_427 : memref<10000x128xf32, #tpu.memory_space<vmem_shared>>) offsets(%dma_start3A_424 : memref<128xi32, #tpu.memory_space<vmem>>) semaphore(%run_scoped3A_417 : memref<!tpu.dma_semaphore, #tpu.memory_space<semaphore_mem>>) {add = true}
        %dma_wait3A_428 = arith.constant 0 : i32
        %dma_wait3A_429 = arith.constant 0 : i32
        %dma_wait3A_430 = tpu.memref_slice %arg6[%run_scoped3A, %dma_wait3A_428, %dma_wait3A_429] : memref<2x128x128xf32, #tpu.memory_space<vmem>> -> memref<1x128x128xf32, #tpu.memory_space<vmem>>
        %dma_wait3A_431 = tpu.memref_squeeze %dma_wait3A_430 : memref<1x128x128xf32, #tpu.memory_space<vmem>> -> memref<128x128xf32, #tpu.memory_space<vmem>>
        %dma_wait3A_432 = arith.constant 0 : i32
        %dma_wait3A_433 = tpu.memref_slice %arg5[%add3A_363, %run_scoped3A_381, %dma_wait3A_432] : memref<80x1x128xi32, #tpu.memory_space<vmem>> -> memref<1x1x128xi32, #tpu.memory_space<vmem>>
        %dma_wait3A_434 = tpu.memref_squeeze %dma_wait3A_433 : memref<1x1x128xi32, #tpu.memory_space<vmem>> -> memref<128xi32, #tpu.memory_space<vmem>>
        %dma_wait3A_435 = arith.constant 0 : i32
        %dma_wait3A_436 = arith.constant 0 : i32
        %dma_wait3A_437 = tpu.memref_slice %arg8[%dma_wait3A_435, %dma_wait3A_436] : memref<10000x128xf32, #tpu.memory_space<vmem_shared>> -> memref<10000x128xf32, #tpu.memory_space<vmem_shared>>
        tpu.wait_indirect_dma semaphore(%run_scoped3A_417 : memref<!tpu.dma_semaphore, #tpu.memory_space<semaphore_mem>>) src(%dma_wait3A_431 : memref<128x128xf32, #tpu.memory_space<vmem>>) dst(%dma_wait3A_437 : memref<10000x128xf32, #tpu.memory_space<vmem_shared>>)
        tpu.yield
      }) : () -> ()
      %lt3A = arith.constant 39 : i32
      %lt3A_382 = arith.cmpi slt, %scan3A_357, %lt3A : i32
      %convert_element_type3A_383 = arith.extui %lt3A_382 : i1 to i32
      %cond3A_384 = arith.constant 0 : i32
      %cond3A_385 = arith.cmpi ne, %convert_element_type3A_383, %cond3A_384 : i32
      scf.if %cond3A_385 {
        %add3A_417 = arith.addi %mul3A_0, %add3A_363 : i32
        %add3A_418 = arith.constant 2 : i32
        %add3A_419 = arith.addi %add3A_417, %add3A_418 : i32
        %mul3A_420 = arith.constant 128 : i32
        %mul3A_421 = arith.muli %add3A_419, %mul3A_420 : i32
        %dma_start3A_422 = arith.constant 0 : i32
        %dma_start3A_423 = arith.constant 0 : i32
        %dma_start3A_424 = arith.constant 0 : i32
        %dma_start3A_425 = tpu.memref_slice %arg6[%dma_start3A_422, %dma_start3A_423, %dma_start3A_424] : memref<2x128x128xf32, #tpu.memory_space<vmem>> -> memref<1x128x128xf32, #tpu.memory_space<vmem>>
        %dma_start3A_426 = tpu.memref_squeeze %dma_start3A_425 : memref<1x128x128xf32, #tpu.memory_space<vmem>> -> memref<128x128xf32, #tpu.memory_space<vmem>>
        %dma_start3A_427 = arith.constant 0 : i32
        %dma_start3A_428 = tpu.memref_slice %arg2[%add3A_8, %mul3A_421, %dma_start3A_427] : memref<5x163840x128xf32, #tpu.memory_space<hbm>> -> memref<1x128x128xf32, #tpu.memory_space<hbm>>
        %dma_start3A_429 = tpu.memref_squeeze %dma_start3A_428 : memref<1x128x128xf32, #tpu.memory_space<hbm>> -> memref<128x128xf32, #tpu.memory_space<hbm>>
        %dma_start3A_430 = arith.constant 0 : i32
        %dma_start3A_431 = arith.constant 0 : i32
        %dma_start3A_432 = tpu.memref_slice %arg6[%dma_start3A_422, %dma_start3A_430, %dma_start3A_431] : memref<2x128x128xf32, #tpu.memory_space<vmem>> -> memref<1x128x128xf32, #tpu.memory_space<vmem>>
        %dma_start3A_433 = tpu.memref_squeeze %dma_start3A_432 : memref<1x128x128xf32, #tpu.memory_space<vmem>> -> memref<128x128xf32, #tpu.memory_space<vmem>>
        %dma_start3A_434 = arith.constant 0 : i32
        %dma_start3A_435 = tpu.memref_slice %arg2[%add3A_8, %mul3A_421, %dma_start3A_434] : memref<5x163840x128xf32, #tpu.memory_space<hbm>> -> memref<1x128x128xf32, #tpu.memory_space<hbm>>
        %dma_start3A_436 = tpu.memref_squeeze %dma_start3A_435 : memref<1x128x128xf32, #tpu.memory_space<hbm>> -> memref<128x128xf32, #tpu.memory_space<hbm>>
        tpu.enqueue_dma source(%dma_start3A_436 : memref<128x128xf32, #tpu.memory_space<hbm>>) target(%dma_start3A_433 : memref<128x128xf32, #tpu.memory_space<vmem>>) target_semaphore(%arg9 : memref<!tpu.dma_semaphore, #tpu.memory_space<semaphore_mem>>)
      } else {
      }
      %mul3A_386 = arith.constant 2 : i32
      %mul3A_387 = arith.muli %scan3A_357, %mul3A_386 : i32
      %add3A_388 = arith.constant 0 : i32
      %add3A_389 = arith.addi %add3A_388, %mul3A_387 : i32
      %add3A_390 = arith.constant 1 : i32
      %add3A_391 = arith.addi %add3A_389, %add3A_390 : i32
      %add3A_392 = arith.addi %mul3A_0, %add3A_391 : i32
      %mul3A_393 = arith.constant 128 : i32
      %mul3A_394 = arith.muli %add3A_392, %mul3A_393 : i32
      %dma_wait3A_395 = arith.constant 1 : i32
      %dma_wait3A_396 = arith.constant 0 : i32
      %dma_wait3A_397 = arith.constant 0 : i32
      %dma_wait3A_398 = tpu.memref_slice %arg6[%dma_wait3A_395, %dma_wait3A_396, %dma_wait3A_397] : memref<2x128x128xf32, #tpu.memory_space<vmem>> -> memref<1x128x128xf32, #tpu.memory_space<vmem>>
      %dma_wait3A_399 = tpu.memref_squeeze %dma_wait3A_398 : memref<1x128x128xf32, #tpu.memory_space<vmem>> -> memref<128x128xf32, #tpu.memory_space<vmem>>
      %dma_wait3A_400 = arith.constant 0 : i32
      %dma_wait3A_401 = tpu.memref_slice %arg2[%add3A_8, %mul3A_394, %dma_wait3A_400] : memref<5x163840x128xf32, #tpu.memory_space<hbm>> -> memref<1x128x128xf32, #tpu.memory_space<hbm>>
      %dma_wait3A_402 = tpu.memref_squeeze %dma_wait3A_401 : memref<1x128x128xf32, #tpu.memory_space<hbm>> -> memref<128x128xf32, #tpu.memory_space<hbm>>
      %dma_wait3A_403 = arith.constant 0 : i32
      %dma_wait3A_404 = arith.constant 0 : i32
      %dma_wait3A_405 = tpu.memref_slice %arg6[%dma_wait3A_395, %dma_wait3A_403, %dma_wait3A_404] : memref<2x128x128xf32, #tpu.memory_space<vmem>> -> memref<1x128x128xf32, #tpu.memory_space<vmem>>
      %dma_wait3A_406 = tpu.memref_squeeze %dma_wait3A_405 : memref<1x128x128xf32, #tpu.memory_space<vmem>> -> memref<128x128xf32, #tpu.memory_space<vmem>>
      %dma_wait3A_407 = arith.constant 0 : i32
      %dma_wait3A_408 = tpu.memref_slice %arg2[%add3A_8, %mul3A_394, %dma_wait3A_407] : memref<5x163840x128xf32, #tpu.memory_space<hbm>> -> memref<1x128x128xf32, #tpu.memory_space<hbm>>
      %dma_wait3A_409 = tpu.memref_squeeze %dma_wait3A_408 : memref<1x128x128xf32, #tpu.memory_space<hbm>> -> memref<128x128xf32, #tpu.memory_space<hbm>>
      tpu.wait_dma2 semaphore(%arg10 : memref<!tpu.dma_semaphore, #tpu.memory_space<semaphore_mem>>) src(%dma_wait3A_409 : memref<128x128xf32, #tpu.memory_space<hbm>>) dst(%dma_wait3A_406 : memref<128x128xf32, #tpu.memory_space<vmem>>)
      %run_scoped3A_410 = arith.constant 1 : i32
      %run_scoped3A_411 = arith.constant 0 : i32
      "tpu.region"() ({
        %run_scoped3A_417 = tpu.sem_alloc : memref<!tpu.dma_semaphore, #tpu.memory_space<semaphore_mem>>
        %dma_start3A_418 = arith.constant 0 : i32
        %dma_start3A_419 = arith.constant 0 : i32
        %dma_start3A_420 = tpu.memref_slice %arg6[%run_scoped3A_410, %dma_start3A_418, %dma_start3A_419] : memref<2x128x128xf32, #tpu.memory_space<vmem>> -> memref<1x128x128xf32, #tpu.memory_space<vmem>>
        %dma_start3A_421 = tpu.memref_squeeze %dma_start3A_420 : memref<1x128x128xf32, #tpu.memory_space<vmem>> -> memref<128x128xf32, #tpu.memory_space<vmem>>
        %dma_start3A_422 = arith.constant 0 : i32
        %dma_start3A_423 = tpu.memref_slice %arg5[%add3A_391, %run_scoped3A_411, %dma_start3A_422] : memref<80x1x128xi32, #tpu.memory_space<vmem>> -> memref<1x1x128xi32, #tpu.memory_space<vmem>>
        %dma_start3A_424 = tpu.memref_squeeze %dma_start3A_423 : memref<1x1x128xi32, #tpu.memory_space<vmem>> -> memref<128xi32, #tpu.memory_space<vmem>>
        %dma_start3A_425 = arith.constant 0 : i32
        %dma_start3A_426 = arith.constant 0 : i32
        %dma_start3A_427 = tpu.memref_slice %arg8[%dma_start3A_425, %dma_start3A_426] : memref<10000x128xf32, #tpu.memory_space<vmem_shared>> -> memref<10000x128xf32, #tpu.memory_space<vmem_shared>>
        tpu.enqueue_indirect_dma source(%dma_start3A_421 : memref<128x128xf32, #tpu.memory_space<vmem>>) target(%dma_start3A_427 : memref<10000x128xf32, #tpu.memory_space<vmem_shared>>) offsets(%dma_start3A_424 : memref<128xi32, #tpu.memory_space<vmem>>) semaphore(%run_scoped3A_417 : memref<!tpu.dma_semaphore, #tpu.memory_space<semaphore_mem>>) {add = true}
        %dma_wait3A_428 = arith.constant 0 : i32
        %dma_wait3A_429 = arith.constant 0 : i32
        %dma_wait3A_430 = tpu.memref_slice %arg6[%run_scoped3A_410, %dma_wait3A_428, %dma_wait3A_429] : memref<2x128x128xf32, #tpu.memory_space<vmem>> -> memref<1x128x128xf32, #tpu.memory_space<vmem>>
        %dma_wait3A_431 = tpu.memref_squeeze %dma_wait3A_430 : memref<1x128x128xf32, #tpu.memory_space<vmem>> -> memref<128x128xf32, #tpu.memory_space<vmem>>
        %dma_wait3A_432 = arith.constant 0 : i32
        %dma_wait3A_433 = tpu.memref_slice %arg5[%add3A_391, %run_scoped3A_411, %dma_wait3A_432] : memref<80x1x128xi32, #tpu.memory_space<vmem>> -> memref<1x1x128xi32, #tpu.memory_space<vmem>>
        %dma_wait3A_434 = tpu.memref_squeeze %dma_wait3A_433 : memref<1x1x128xi32, #tpu.memory_space<vmem>> -> memref<128xi32, #tpu.memory_space<vmem>>
        %dma_wait3A_435 = arith.constant 0 : i32
        %dma_wait3A_436 = arith.constant 0 : i32
        %dma_wait3A_437 = tpu.memref_slice %arg8[%dma_wait3A_435, %dma_wait3A_436] : memref<10000x128xf32, #tpu.memory_space<vmem_shared>> -> memref<10000x128xf32, #tpu.memory_space<vmem_shared>>
        tpu.wait_indirect_dma semaphore(%run_scoped3A_417 : memref<!tpu.dma_semaphore, #tpu.memory_space<semaphore_mem>>) src(%dma_wait3A_431 : memref<128x128xf32, #tpu.memory_space<vmem>>) dst(%dma_wait3A_437 : memref<10000x128xf32, #tpu.memory_space<vmem_shared>>)
        tpu.yield
      }) : () -> ()
      %lt3A_412 = arith.constant 39 : i32
      %lt3A_413 = arith.cmpi slt, %scan3A_357, %lt3A_412 : i32
      %convert_element_type3A_414 = arith.extui %lt3A_413 : i1 to i32
      %cond3A_415 = arith.constant 0 : i32
      %cond3A_416 = arith.cmpi ne, %convert_element_type3A_414, %cond3A_415 : i32
      scf.if %cond3A_416 {
        %add3A_417 = arith.addi %mul3A_0, %add3A_391 : i32
        %add3A_418 = arith.constant 2 : i32
        %add3A_419 = arith.addi %add3A_417, %add3A_418 : i32
        %mul3A_420 = arith.constant 128 : i32
        %mul3A_421 = arith.muli %add3A_419, %mul3A_420 : i32
        %dma_start3A_422 = arith.constant 1 : i32
        %dma_start3A_423 = arith.constant 0 : i32
        %dma_start3A_424 = arith.constant 0 : i32
        %dma_start3A_425 = tpu.memref_slice %arg6[%dma_start3A_422, %dma_start3A_423, %dma_start3A_424] : memref<2x128x128xf32, #tpu.memory_space<vmem>> -> memref<1x128x128xf32, #tpu.memory_space<vmem>>
        %dma_start3A_426 = tpu.memref_squeeze %dma_start3A_425 : memref<1x128x128xf32, #tpu.memory_space<vmem>> -> memref<128x128xf32, #tpu.memory_space<vmem>>
        %dma_start3A_427 = arith.constant 0 : i32
        %dma_start3A_428 = tpu.memref_slice %arg2[%add3A_8, %mul3A_421, %dma_start3A_427] : memref<5x163840x128xf32, #tpu.memory_space<hbm>> -> memref<1x128x128xf32, #tpu.memory_space<hbm>>
        %dma_start3A_429 = tpu.memref_squeeze %dma_start3A_428 : memref<1x128x128xf32, #tpu.memory_space<hbm>> -> memref<128x128xf32, #tpu.memory_space<hbm>>
        %dma_start3A_430 = arith.constant 0 : i32
        %dma_start3A_431 = arith.constant 0 : i32
        %dma_start3A_432 = tpu.memref_slice %arg6[%dma_start3A_422, %dma_start3A_430, %dma_start3A_431] : memref<2x128x128xf32, #tpu.memory_space<vmem>> -> memref<1x128x128xf32, #tpu.memory_space<vmem>>
        %dma_start3A_433 = tpu.memref_squeeze %dma_start3A_432 : memref<1x128x128xf32, #tpu.memory_space<vmem>> -> memref<128x128xf32, #tpu.memory_space<vmem>>
        %dma_start3A_434 = arith.constant 0 : i32
        %dma_start3A_435 = tpu.memref_slice %arg2[%add3A_8, %mul3A_421, %dma_start3A_434] : memref<5x163840x128xf32, #tpu.memory_space<hbm>> -> memref<1x128x128xf32, #tpu.memory_space<hbm>>
        %dma_start3A_436 = tpu.memref_squeeze %dma_start3A_435 : memref<1x128x128xf32, #tpu.memory_space<hbm>> -> memref<128x128xf32, #tpu.memory_space<hbm>>
        tpu.enqueue_dma source(%dma_start3A_436 : memref<128x128xf32, #tpu.memory_space<hbm>>) target(%dma_start3A_433 : memref<128x128xf32, #tpu.memory_space<vmem>>) target_semaphore(%arg10 : memref<!tpu.dma_semaphore, #tpu.memory_space<semaphore_mem>>)
      } else {
      }
    }
    %scan3A_109 = arith.constant 40 : i32
    %barrier3A_110 = arith.constant 0 : index
    tpu.barrier barrier_id(%barrier3A_110)
    %mul3A_111 = arith.constant 624 : i32
    %mul3A_112 = arith.muli %arg1, %mul3A_111 : i32
    "tpu.region"() ({
      %run_scoped3A = tpu.sem_alloc : memref<!tpu.dma_semaphore, #tpu.memory_space<semaphore_mem>>
      %dma_start3A_357 = arith.constant 0 : i32
      %dma_start3A_358 = tpu.memref_slice %arg4[%add3A_8, %mul3A_112, %dma_start3A_357] : memref<6x10000x128xf32, #tpu.memory_space<hbm>> -> memref<1x624x128xf32, #tpu.memory_space<hbm>>
      %dma_start3A_359 = tpu.memref_squeeze %dma_start3A_358 : memref<1x624x128xf32, #tpu.memory_space<hbm>> -> memref<624x128xf32, #tpu.memory_space<hbm>>
      %dma_start3A_360 = arith.constant 0 : i32
      %dma_start3A_361 = tpu.memref_slice %arg8[%mul3A_112, %dma_start3A_360] : memref<10000x128xf32, #tpu.memory_space<vmem_shared>> -> memref<624x128xf32, #tpu.memory_space<vmem_shared>>
      tpu.enqueue_dma source(%dma_start3A_361 : memref<624x128xf32, #tpu.memory_space<vmem_shared>>) target(%dma_start3A_359 : memref<624x128xf32, #tpu.memory_space<hbm>>) target_semaphore(%run_scoped3A : memref<!tpu.dma_semaphore, #tpu.memory_space<semaphore_mem>>)
      %dma_wait3A = arith.constant 0 : i32
      %dma_wait3A_362 = tpu.memref_slice %arg4[%add3A_8, %mul3A_112, %dma_wait3A] : memref<6x10000x128xf32, #tpu.memory_space<hbm>> -> memref<1x624x128xf32, #tpu.memory_space<hbm>>
      %dma_wait3A_363 = tpu.memref_squeeze %dma_wait3A_362 : memref<1x624x128xf32, #tpu.memory_space<hbm>> -> memref<624x128xf32, #tpu.memory_space<hbm>>
      %dma_wait3A_364 = arith.constant 0 : i32
      %dma_wait3A_365 = tpu.memref_slice %arg8[%mul3A_112, %dma_wait3A_364] : memref<10000x128xf32, #tpu.memory_space<vmem_shared>> -> memref<624x128xf32, #tpu.memory_space<vmem_shared>>
      tpu.wait_dma2 semaphore(%run_scoped3A : memref<!tpu.dma_semaphore, #tpu.memory_space<semaphore_mem>>) src(%dma_wait3A_365 : memref<624x128xf32, #tpu.memory_space<vmem_shared>>) dst(%dma_wait3A_363 : memref<624x128xf32, #tpu.memory_space<hbm>>)
      tpu.yield
    }) : () -> ()
    %eq3A_113 = arith.constant 0 : i32
    %eq3A_114 = arith.cmpi eq, %arg1, %eq3A_113 : i32
    %convert_element_type3A_115 = arith.extui %eq3A_114 : i1 to i32
    %cond3A_116 = arith.constant 0 : i32
    %cond3A_117 = arith.cmpi ne, %convert_element_type3A_115, %cond3A_116 : i32
    scf.if %cond3A_117 {
      "tpu.region"() ({
        %run_scoped3A = tpu.sem_alloc : memref<!tpu.dma_semaphore, #tpu.memory_space<semaphore_mem>>
        %dma_start3A_357 = arith.constant 9984 : i32
        %dma_start3A_358 = arith.constant 0 : i32
        %dma_start3A_359 = tpu.memref_slice %arg4[%add3A_8, %dma_start3A_357, %dma_start3A_358] : memref<6x10000x128xf32, #tpu.memory_space<hbm>> -> memref<1x16x128xf32, #tpu.memory_space<hbm>>
        %dma_start3A_360 = tpu.memref_squeeze %dma_start3A_359 : memref<1x16x128xf32, #tpu.memory_space<hbm>> -> memref<16x128xf32, #tpu.memory_space<hbm>>
        %dma_start3A_361 = arith.constant 9984 : i32
        %dma_start3A_362 = arith.constant 0 : i32
        %dma_start3A_363 = tpu.memref_slice %arg8[%dma_start3A_361, %dma_start3A_362] : memref<10000x128xf32, #tpu.memory_space<vmem_shared>> -> memref<16x128xf32, #tpu.memory_space<vmem_shared>>
        tpu.enqueue_dma source(%dma_start3A_363 : memref<16x128xf32, #tpu.memory_space<vmem_shared>>) target(%dma_start3A_360 : memref<16x128xf32, #tpu.memory_space<hbm>>) target_semaphore(%run_scoped3A : memref<!tpu.dma_semaphore, #tpu.memory_space<semaphore_mem>>)
        %dma_wait3A = arith.constant 9984 : i32
        %dma_wait3A_364 = arith.constant 0 : i32
        %dma_wait3A_365 = tpu.memref_slice %arg4[%add3A_8, %dma_wait3A, %dma_wait3A_364] : memref<6x10000x128xf32, #tpu.memory_space<hbm>> -> memref<1x16x128xf32, #tpu.memory_space<hbm>>
        %dma_wait3A_366 = tpu.memref_squeeze %dma_wait3A_365 : memref<1x16x128xf32, #tpu.memory_space<hbm>> -> memref<16x128xf32, #tpu.memory_space<hbm>>
        %dma_wait3A_367 = arith.constant 9984 : i32
        %dma_wait3A_368 = arith.constant 0 : i32
        %dma_wait3A_369 = tpu.memref_slice %arg8[%dma_wait3A_367, %dma_wait3A_368] : memref<10000x128xf32, #tpu.memory_space<vmem_shared>> -> memref<16x128xf32, #tpu.memory_space<vmem_shared>>
        tpu.wait_dma2 semaphore(%run_scoped3A : memref<!tpu.dma_semaphore, #tpu.memory_space<semaphore_mem>>) src(%dma_wait3A_369 : memref<16x128xf32, #tpu.memory_space<vmem_shared>>) dst(%dma_wait3A_366 : memref<16x128xf32, #tpu.memory_space<hbm>>)
        tpu.yield
      }) : () -> ()
    } else {
    }
    %barrier3A_118 = arith.constant 0 : index
    tpu.barrier barrier_id(%barrier3A_118)
    %mul3A_119 = arith.constant 2 : i32
    %mul3A_120 = arith.muli %arg0, %mul3A_119 : i32
    %add3A_121 = arith.constant 1 : i32
    %add3A_122 = arith.addi %mul3A_120, %add3A_121 : i32
    %mul3A_123 = arith.constant 624 : i32
    %mul3A_124 = arith.muli %arg1, %mul3A_123 : i32
    %add3A_125 = arith.constant 0 : i32
    %add3A_126 = arith.addi %mul3A_124, %add3A_125 : i32
    "tpu.region"() ({
      %run_scoped3A = tpu.sem_alloc : memref<!tpu.dma_semaphore, #tpu.memory_space<semaphore_mem>>
      %dma_start3A_357 = arith.constant 0 : i32
      %dma_start3A_358 = tpu.memref_slice %arg8[%add3A_126, %dma_start3A_357] : memref<10000x128xf32, #tpu.memory_space<vmem_shared>> -> memref<48x128xf32, #tpu.memory_space<vmem_shared>>
      %dma_start3A_359 = arith.constant 0 : i32
      %dma_start3A_360 = tpu.memref_slice %arg8[%add3A_126, %dma_start3A_359] : memref<10000x128xf32, #tpu.memory_space<vmem_shared>> -> memref<48x128xf32, #tpu.memory_space<vmem_shared>>
      tpu.enqueue_dma source(%arg7 : memref<48x128xf32, #tpu.memory_space<vmem>>) target(%dma_start3A_360 : memref<48x128xf32, #tpu.memory_space<vmem_shared>>) target_semaphore(%run_scoped3A : memref<!tpu.dma_semaphore, #tpu.memory_space<semaphore_mem>>)
      %dma_wait3A = arith.constant 0 : i32
      %dma_wait3A_361 = tpu.memref_slice %arg8[%add3A_126, %dma_wait3A] : memref<10000x128xf32, #tpu.memory_space<vmem_shared>> -> memref<48x128xf32, #tpu.memory_space<vmem_shared>>
      %dma_wait3A_362 = arith.constant 0 : i32
      %dma_wait3A_363 = tpu.memref_slice %arg8[%add3A_126, %dma_wait3A_362] : memref<10000x128xf32, #tpu.memory_space<vmem_shared>> -> memref<48x128xf32, #tpu.memory_space<vmem_shared>>
      tpu.wait_dma2 semaphore(%run_scoped3A : memref<!tpu.dma_semaphore, #tpu.memory_space<semaphore_mem>>) src(%arg7 : memref<48x128xf32, #tpu.memory_space<vmem>>) dst(%dma_wait3A_363 : memref<48x128xf32, #tpu.memory_space<vmem_shared>>)
      tpu.yield
    }) : () -> ()
    %mul3A_127 = arith.constant 624 : i32
    %mul3A_128 = arith.muli %arg1, %mul3A_127 : i32
    %add3A_129 = arith.constant 48 : i32
    %add3A_130 = arith.addi %mul3A_128, %add3A_129 : i32
    "tpu.region"() ({
      %run_scoped3A = tpu.sem_alloc : memref<!tpu.dma_semaphore, #tpu.memory_space<semaphore_mem>>
      %dma_start3A_357 = arith.constant 0 : i32
      %dma_start3A_358 = tpu.memref_slice %arg8[%add3A_130, %dma_start3A_357] : memref<10000x128xf32, #tpu.memory_space<vmem_shared>> -> memref<48x128xf32, #tpu.memory_space<vmem_shared>>
      %dma_start3A_359 = arith.constant 0 : i32
      %dma_start3A_360 = tpu.memref_slice %arg8[%add3A_130, %dma_start3A_359] : memref<10000x128xf32, #tpu.memory_space<vmem_shared>> -> memref<48x128xf32, #tpu.memory_space<vmem_shared>>
      tpu.enqueue_dma source(%arg7 : memref<48x128xf32, #tpu.memory_space<vmem>>) target(%dma_start3A_360 : memref<48x128xf32, #tpu.memory_space<vmem_shared>>) target_semaphore(%run_scoped3A : memref<!tpu.dma_semaphore, #tpu.memory_space<semaphore_mem>>)
      %dma_wait3A = arith.constant 0 : i32
      %dma_wait3A_361 = tpu.memref_slice %arg8[%add3A_130, %dma_wait3A] : memref<10000x128xf32, #tpu.memory_space<vmem_shared>> -> memref<48x128xf32, #tpu.memory_space<vmem_shared>>
      %dma_wait3A_362 = arith.constant 0 : i32
      %dma_wait3A_363 = tpu.memref_slice %arg8[%add3A_130, %dma_wait3A_362] : memref<10000x128xf32, #tpu.memory_space<vmem_shared>> -> memref<48x128xf32, #tpu.memory_space<vmem_shared>>
      tpu.wait_dma2 semaphore(%run_scoped3A : memref<!tpu.dma_semaphore, #tpu.memory_space<semaphore_mem>>) src(%arg7 : memref<48x128xf32, #tpu.memory_space<vmem>>) dst(%dma_wait3A_363 : memref<48x128xf32, #tpu.memory_space<vmem_shared>>)
      tpu.yield
    }) : () -> ()
    %mul3A_131 = arith.constant 624 : i32
    %mul3A_132 = arith.muli %arg1, %mul3A_131 : i32
    %add3A_133 = arith.constant 96 : i32
    %add3A_134 = arith.addi %mul3A_132, %add3A_133 : i32
    "tpu.region"() ({
      %run_scoped3A = tpu.sem_alloc : memref<!tpu.dma_semaphore, #tpu.memory_space<semaphore_mem>>
      %dma_start3A_357 = arith.constant 0 : i32
      %dma_start3A_358 = tpu.memref_slice %arg8[%add3A_134, %dma_start3A_357] : memref<10000x128xf32, #tpu.memory_space<vmem_shared>> -> memref<48x128xf32, #tpu.memory_space<vmem_shared>>
      %dma_start3A_359 = arith.constant 0 : i32
      %dma_start3A_360 = tpu.memref_slice %arg8[%add3A_134, %dma_start3A_359] : memref<10000x128xf32, #tpu.memory_space<vmem_shared>> -> memref<48x128xf32, #tpu.memory_space<vmem_shared>>
      tpu.enqueue_dma source(%arg7 : memref<48x128xf32, #tpu.memory_space<vmem>>) target(%dma_start3A_360 : memref<48x128xf32, #tpu.memory_space<vmem_shared>>) target_semaphore(%run_scoped3A : memref<!tpu.dma_semaphore, #tpu.memory_space<semaphore_mem>>)
      %dma_wait3A = arith.constant 0 : i32
      %dma_wait3A_361 = tpu.memref_slice %arg8[%add3A_134, %dma_wait3A] : memref<10000x128xf32, #tpu.memory_space<vmem_shared>> -> memref<48x128xf32, #tpu.memory_space<vmem_shared>>
      %dma_wait3A_362 = arith.constant 0 : i32
      %dma_wait3A_363 = tpu.memref_slice %arg8[%add3A_134, %dma_wait3A_362] : memref<10000x128xf32, #tpu.memory_space<vmem_shared>> -> memref<48x128xf32, #tpu.memory_space<vmem_shared>>
      tpu.wait_dma2 semaphore(%run_scoped3A : memref<!tpu.dma_semaphore, #tpu.memory_space<semaphore_mem>>) src(%arg7 : memref<48x128xf32, #tpu.memory_space<vmem>>) dst(%dma_wait3A_363 : memref<48x128xf32, #tpu.memory_space<vmem_shared>>)
      tpu.yield
    }) : () -> ()
    %mul3A_135 = arith.constant 624 : i32
    %mul3A_136 = arith.muli %arg1, %mul3A_135 : i32
    %add3A_137 = arith.constant 144 : i32
    %add3A_138 = arith.addi %mul3A_136, %add3A_137 : i32
    "tpu.region"() ({
      %run_scoped3A = tpu.sem_alloc : memref<!tpu.dma_semaphore, #tpu.memory_space<semaphore_mem>>
      %dma_start3A_357 = arith.constant 0 : i32
      %dma_start3A_358 = tpu.memref_slice %arg8[%add3A_138, %dma_start3A_357] : memref<10000x128xf32, #tpu.memory_space<vmem_shared>> -> memref<48x128xf32, #tpu.memory_space<vmem_shared>>
      %dma_start3A_359 = arith.constant 0 : i32
      %dma_start3A_360 = tpu.memref_slice %arg8[%add3A_138, %dma_start3A_359] : memref<10000x128xf32, #tpu.memory_space<vmem_shared>> -> memref<48x128xf32, #tpu.memory_space<vmem_shared>>
      tpu.enqueue_dma source(%arg7 : memref<48x128xf32, #tpu.memory_space<vmem>>) target(%dma_start3A_360 : memref<48x128xf32, #tpu.memory_space<vmem_shared>>) target_semaphore(%run_scoped3A : memref<!tpu.dma_semaphore, #tpu.memory_space<semaphore_mem>>)
      %dma_wait3A = arith.constant 0 : i32
      %dma_wait3A_361 = tpu.memref_slice %arg8[%add3A_138, %dma_wait3A] : memref<10000x128xf32, #tpu.memory_space<vmem_shared>> -> memref<48x128xf32, #tpu.memory_space<vmem_shared>>
      %dma_wait3A_362 = arith.constant 0 : i32
      %dma_wait3A_363 = tpu.memref_slice %arg8[%add3A_138, %dma_wait3A_362] : memref<10000x128xf32, #tpu.memory_space<vmem_shared>> -> memref<48x128xf32, #tpu.memory_space<vmem_shared>>
      tpu.wait_dma2 semaphore(%run_scoped3A : memref<!tpu.dma_semaphore, #tpu.memory_space<semaphore_mem>>) src(%arg7 : memref<48x128xf32, #tpu.memory_space<vmem>>) dst(%dma_wait3A_363 : memref<48x128xf32, #tpu.memory_space<vmem_shared>>)
      tpu.yield
    }) : () -> ()
    %mul3A_139 = arith.constant 624 : i32
    %mul3A_140 = arith.muli %arg1, %mul3A_139 : i32
    %add3A_141 = arith.constant 192 : i32
    %add3A_142 = arith.addi %mul3A_140, %add3A_141 : i32
    "tpu.region"() ({
      %run_scoped3A = tpu.sem_alloc : memref<!tpu.dma_semaphore, #tpu.memory_space<semaphore_mem>>
      %dma_start3A_357 = arith.constant 0 : i32
      %dma_start3A_358 = tpu.memref_slice %arg8[%add3A_142, %dma_start3A_357] : memref<10000x128xf32, #tpu.memory_space<vmem_shared>> -> memref<48x128xf32, #tpu.memory_space<vmem_shared>>
      %dma_start3A_359 = arith.constant 0 : i32
      %dma_start3A_360 = tpu.memref_slice %arg8[%add3A_142, %dma_start3A_359] : memref<10000x128xf32, #tpu.memory_space<vmem_shared>> -> memref<48x128xf32, #tpu.memory_space<vmem_shared>>
      tpu.enqueue_dma source(%arg7 : memref<48x128xf32, #tpu.memory_space<vmem>>) target(%dma_start3A_360 : memref<48x128xf32, #tpu.memory_space<vmem_shared>>) target_semaphore(%run_scoped3A : memref<!tpu.dma_semaphore, #tpu.memory_space<semaphore_mem>>)
      %dma_wait3A = arith.constant 0 : i32
      %dma_wait3A_361 = tpu.memref_slice %arg8[%add3A_142, %dma_wait3A] : memref<10000x128xf32, #tpu.memory_space<vmem_shared>> -> memref<48x128xf32, #tpu.memory_space<vmem_shared>>
      %dma_wait3A_362 = arith.constant 0 : i32
      %dma_wait3A_363 = tpu.memref_slice %arg8[%add3A_142, %dma_wait3A_362] : memref<10000x128xf32, #tpu.memory_space<vmem_shared>> -> memref<48x128xf32, #tpu.memory_space<vmem_shared>>
      tpu.wait_dma2 semaphore(%run_scoped3A : memref<!tpu.dma_semaphore, #tpu.memory_space<semaphore_mem>>) src(%arg7 : memref<48x128xf32, #tpu.memory_space<vmem>>) dst(%dma_wait3A_363 : memref<48x128xf32, #tpu.memory_space<vmem_shared>>)
      tpu.yield
    }) : () -> ()
    %mul3A_143 = arith.constant 624 : i32
    %mul3A_144 = arith.muli %arg1, %mul3A_143 : i32
    %add3A_145 = arith.constant 240 : i32
    %add3A_146 = arith.addi %mul3A_144, %add3A_145 : i32
    "tpu.region"() ({
      %run_scoped3A = tpu.sem_alloc : memref<!tpu.dma_semaphore, #tpu.memory_space<semaphore_mem>>
      %dma_start3A_357 = arith.constant 0 : i32
      %dma_start3A_358 = tpu.memref_slice %arg8[%add3A_146, %dma_start3A_357] : memref<10000x128xf32, #tpu.memory_space<vmem_shared>> -> memref<48x128xf32, #tpu.memory_space<vmem_shared>>
      %dma_start3A_359 = arith.constant 0 : i32
      %dma_start3A_360 = tpu.memref_slice %arg8[%add3A_146, %dma_start3A_359] : memref<10000x128xf32, #tpu.memory_space<vmem_shared>> -> memref<48x128xf32, #tpu.memory_space<vmem_shared>>
      tpu.enqueue_dma source(%arg7 : memref<48x128xf32, #tpu.memory_space<vmem>>) target(%dma_start3A_360 : memref<48x128xf32, #tpu.memory_space<vmem_shared>>) target_semaphore(%run_scoped3A : memref<!tpu.dma_semaphore, #tpu.memory_space<semaphore_mem>>)
      %dma_wait3A = arith.constant 0 : i32
      %dma_wait3A_361 = tpu.memref_slice %arg8[%add3A_146, %dma_wait3A] : memref<10000x128xf32, #tpu.memory_space<vmem_shared>> -> memref<48x128xf32, #tpu.memory_space<vmem_shared>>
      %dma_wait3A_362 = arith.constant 0 : i32
      %dma_wait3A_363 = tpu.memref_slice %arg8[%add3A_146, %dma_wait3A_362] : memref<10000x128xf32, #tpu.memory_space<vmem_shared>> -> memref<48x128xf32, #tpu.memory_space<vmem_shared>>
      tpu.wait_dma2 semaphore(%run_scoped3A : memref<!tpu.dma_semaphore, #tpu.memory_space<semaphore_mem>>) src(%arg7 : memref<48x128xf32, #tpu.memory_space<vmem>>) dst(%dma_wait3A_363 : memref<48x128xf32, #tpu.memory_space<vmem_shared>>)
      tpu.yield
    }) : () -> ()
    %mul3A_147 = arith.constant 624 : i32
    %mul3A_148 = arith.muli %arg1, %mul3A_147 : i32
    %add3A_149 = arith.constant 288 : i32
    %add3A_150 = arith.addi %mul3A_148, %add3A_149 : i32
    "tpu.region"() ({
      %run_scoped3A = tpu.sem_alloc : memref<!tpu.dma_semaphore, #tpu.memory_space<semaphore_mem>>
      %dma_start3A_357 = arith.constant 0 : i32
      %dma_start3A_358 = tpu.memref_slice %arg8[%add3A_150, %dma_start3A_357] : memref<10000x128xf32, #tpu.memory_space<vmem_shared>> -> memref<48x128xf32, #tpu.memory_space<vmem_shared>>
      %dma_start3A_359 = arith.constant 0 : i32
      %dma_start3A_360 = tpu.memref_slice %arg8[%add3A_150, %dma_start3A_359] : memref<10000x128xf32, #tpu.memory_space<vmem_shared>> -> memref<48x128xf32, #tpu.memory_space<vmem_shared>>
      tpu.enqueue_dma source(%arg7 : memref<48x128xf32, #tpu.memory_space<vmem>>) target(%dma_start3A_360 : memref<48x128xf32, #tpu.memory_space<vmem_shared>>) target_semaphore(%run_scoped3A : memref<!tpu.dma_semaphore, #tpu.memory_space<semaphore_mem>>)
      %dma_wait3A = arith.constant 0 : i32
      %dma_wait3A_361 = tpu.memref_slice %arg8[%add3A_150, %dma_wait3A] : memref<10000x128xf32, #tpu.memory_space<vmem_shared>> -> memref<48x128xf32, #tpu.memory_space<vmem_shared>>
      %dma_wait3A_362 = arith.constant 0 : i32
      %dma_wait3A_363 = tpu.memref_slice %arg8[%add3A_150, %dma_wait3A_362] : memref<10000x128xf32, #tpu.memory_space<vmem_shared>> -> memref<48x128xf32, #tpu.memory_space<vmem_shared>>
      tpu.wait_dma2 semaphore(%run_scoped3A : memref<!tpu.dma_semaphore, #tpu.memory_space<semaphore_mem>>) src(%arg7 : memref<48x128xf32, #tpu.memory_space<vmem>>) dst(%dma_wait3A_363 : memref<48x128xf32, #tpu.memory_space<vmem_shared>>)
      tpu.yield
    }) : () -> ()
    %mul3A_151 = arith.constant 624 : i32
    %mul3A_152 = arith.muli %arg1, %mul3A_151 : i32
    %add3A_153 = arith.constant 336 : i32
    %add3A_154 = arith.addi %mul3A_152, %add3A_153 : i32
    "tpu.region"() ({
      %run_scoped3A = tpu.sem_alloc : memref<!tpu.dma_semaphore, #tpu.memory_space<semaphore_mem>>
      %dma_start3A_357 = arith.constant 0 : i32
      %dma_start3A_358 = tpu.memref_slice %arg8[%add3A_154, %dma_start3A_357] : memref<10000x128xf32, #tpu.memory_space<vmem_shared>> -> memref<48x128xf32, #tpu.memory_space<vmem_shared>>
      %dma_start3A_359 = arith.constant 0 : i32
      %dma_start3A_360 = tpu.memref_slice %arg8[%add3A_154, %dma_start3A_359] : memref<10000x128xf32, #tpu.memory_space<vmem_shared>> -> memref<48x128xf32, #tpu.memory_space<vmem_shared>>
      tpu.enqueue_dma source(%arg7 : memref<48x128xf32, #tpu.memory_space<vmem>>) target(%dma_start3A_360 : memref<48x128xf32, #tpu.memory_space<vmem_shared>>) target_semaphore(%run_scoped3A : memref<!tpu.dma_semaphore, #tpu.memory_space<semaphore_mem>>)
      %dma_wait3A = arith.constant 0 : i32
      %dma_wait3A_361 = tpu.memref_slice %arg8[%add3A_154, %dma_wait3A] : memref<10000x128xf32, #tpu.memory_space<vmem_shared>> -> memref<48x128xf32, #tpu.memory_space<vmem_shared>>
      %dma_wait3A_362 = arith.constant 0 : i32
      %dma_wait3A_363 = tpu.memref_slice %arg8[%add3A_154, %dma_wait3A_362] : memref<10000x128xf32, #tpu.memory_space<vmem_shared>> -> memref<48x128xf32, #tpu.memory_space<vmem_shared>>
      tpu.wait_dma2 semaphore(%run_scoped3A : memref<!tpu.dma_semaphore, #tpu.memory_space<semaphore_mem>>) src(%arg7 : memref<48x128xf32, #tpu.memory_space<vmem>>) dst(%dma_wait3A_363 : memref<48x128xf32, #tpu.memory_space<vmem_shared>>)
      tpu.yield
    }) : () -> ()
    %mul3A_155 = arith.constant 624 : i32
    %mul3A_156 = arith.muli %arg1, %mul3A_155 : i32
    %add3A_157 = arith.constant 384 : i32
    %add3A_158 = arith.addi %mul3A_156, %add3A_157 : i32
    "tpu.region"() ({
      %run_scoped3A = tpu.sem_alloc : memref<!tpu.dma_semaphore, #tpu.memory_space<semaphore_mem>>
      %dma_start3A_357 = arith.constant 0 : i32
      %dma_start3A_358 = tpu.memref_slice %arg8[%add3A_158, %dma_start3A_357] : memref<10000x128xf32, #tpu.memory_space<vmem_shared>> -> memref<48x128xf32, #tpu.memory_space<vmem_shared>>
      %dma_start3A_359 = arith.constant 0 : i32
      %dma_start3A_360 = tpu.memref_slice %arg8[%add3A_158, %dma_start3A_359] : memref<10000x128xf32, #tpu.memory_space<vmem_shared>> -> memref<48x128xf32, #tpu.memory_space<vmem_shared>>
      tpu.enqueue_dma source(%arg7 : memref<48x128xf32, #tpu.memory_space<vmem>>) target(%dma_start3A_360 : memref<48x128xf32, #tpu.memory_space<vmem_shared>>) target_semaphore(%run_scoped3A : memref<!tpu.dma_semaphore, #tpu.memory_space<semaphore_mem>>)
      %dma_wait3A = arith.constant 0 : i32
      %dma_wait3A_361 = tpu.memref_slice %arg8[%add3A_158, %dma_wait3A] : memref<10000x128xf32, #tpu.memory_space<vmem_shared>> -> memref<48x128xf32, #tpu.memory_space<vmem_shared>>
      %dma_wait3A_362 = arith.constant 0 : i32
      %dma_wait3A_363 = tpu.memref_slice %arg8[%add3A_158, %dma_wait3A_362] : memref<10000x128xf32, #tpu.memory_space<vmem_shared>> -> memref<48x128xf32, #tpu.memory_space<vmem_shared>>
      tpu.wait_dma2 semaphore(%run_scoped3A : memref<!tpu.dma_semaphore, #tpu.memory_space<semaphore_mem>>) src(%arg7 : memref<48x128xf32, #tpu.memory_space<vmem>>) dst(%dma_wait3A_363 : memref<48x128xf32, #tpu.memory_space<vmem_shared>>)
      tpu.yield
    }) : () -> ()
    %mul3A_159 = arith.constant 624 : i32
    %mul3A_160 = arith.muli %arg1, %mul3A_159 : i32
    %add3A_161 = arith.constant 432 : i32
    %add3A_162 = arith.addi %mul3A_160, %add3A_161 : i32
    "tpu.region"() ({
      %run_scoped3A = tpu.sem_alloc : memref<!tpu.dma_semaphore, #tpu.memory_space<semaphore_mem>>
      %dma_start3A_357 = arith.constant 0 : i32
      %dma_start3A_358 = tpu.memref_slice %arg8[%add3A_162, %dma_start3A_357] : memref<10000x128xf32, #tpu.memory_space<vmem_shared>> -> memref<48x128xf32, #tpu.memory_space<vmem_shared>>
      %dma_start3A_359 = arith.constant 0 : i32
      %dma_start3A_360 = tpu.memref_slice %arg8[%add3A_162, %dma_start3A_359] : memref<10000x128xf32, #tpu.memory_space<vmem_shared>> -> memref<48x128xf32, #tpu.memory_space<vmem_shared>>
      tpu.enqueue_dma source(%arg7 : memref<48x128xf32, #tpu.memory_space<vmem>>) target(%dma_start3A_360 : memref<48x128xf32, #tpu.memory_space<vmem_shared>>) target_semaphore(%run_scoped3A : memref<!tpu.dma_semaphore, #tpu.memory_space<semaphore_mem>>)
      %dma_wait3A = arith.constant 0 : i32
      %dma_wait3A_361 = tpu.memref_slice %arg8[%add3A_162, %dma_wait3A] : memref<10000x128xf32, #tpu.memory_space<vmem_shared>> -> memref<48x128xf32, #tpu.memory_space<vmem_shared>>
      %dma_wait3A_362 = arith.constant 0 : i32
      %dma_wait3A_363 = tpu.memref_slice %arg8[%add3A_162, %dma_wait3A_362] : memref<10000x128xf32, #tpu.memory_space<vmem_shared>> -> memref<48x128xf32, #tpu.memory_space<vmem_shared>>
      tpu.wait_dma2 semaphore(%run_scoped3A : memref<!tpu.dma_semaphore, #tpu.memory_space<semaphore_mem>>) src(%arg7 : memref<48x128xf32, #tpu.memory_space<vmem>>) dst(%dma_wait3A_363 : memref<48x128xf32, #tpu.memory_space<vmem_shared>>)
      tpu.yield
    }) : () -> ()
    %mul3A_163 = arith.constant 624 : i32
    %mul3A_164 = arith.muli %arg1, %mul3A_163 : i32
    %add3A_165 = arith.constant 480 : i32
    %add3A_166 = arith.addi %mul3A_164, %add3A_165 : i32
    "tpu.region"() ({
      %run_scoped3A = tpu.sem_alloc : memref<!tpu.dma_semaphore, #tpu.memory_space<semaphore_mem>>
      %dma_start3A_357 = arith.constant 0 : i32
      %dma_start3A_358 = tpu.memref_slice %arg8[%add3A_166, %dma_start3A_357] : memref<10000x128xf32, #tpu.memory_space<vmem_shared>> -> memref<48x128xf32, #tpu.memory_space<vmem_shared>>
      %dma_start3A_359 = arith.constant 0 : i32
      %dma_start3A_360 = tpu.memref_slice %arg8[%add3A_166, %dma_start3A_359] : memref<10000x128xf32, #tpu.memory_space<vmem_shared>> -> memref<48x128xf32, #tpu.memory_space<vmem_shared>>
      tpu.enqueue_dma source(%arg7 : memref<48x128xf32, #tpu.memory_space<vmem>>) target(%dma_start3A_360 : memref<48x128xf32, #tpu.memory_space<vmem_shared>>) target_semaphore(%run_scoped3A : memref<!tpu.dma_semaphore, #tpu.memory_space<semaphore_mem>>)
      %dma_wait3A = arith.constant 0 : i32
      %dma_wait3A_361 = tpu.memref_slice %arg8[%add3A_166, %dma_wait3A] : memref<10000x128xf32, #tpu.memory_space<vmem_shared>> -> memref<48x128xf32, #tpu.memory_space<vmem_shared>>
      %dma_wait3A_362 = arith.constant 0 : i32
      %dma_wait3A_363 = tpu.memref_slice %arg8[%add3A_166, %dma_wait3A_362] : memref<10000x128xf32, #tpu.memory_space<vmem_shared>> -> memref<48x128xf32, #tpu.memory_space<vmem_shared>>
      tpu.wait_dma2 semaphore(%run_scoped3A : memref<!tpu.dma_semaphore, #tpu.memory_space<semaphore_mem>>) src(%arg7 : memref<48x128xf32, #tpu.memory_space<vmem>>) dst(%dma_wait3A_363 : memref<48x128xf32, #tpu.memory_space<vmem_shared>>)
      tpu.yield
    }) : () -> ()
    %mul3A_167 = arith.constant 624 : i32
    %mul3A_168 = arith.muli %arg1, %mul3A_167 : i32
    %add3A_169 = arith.constant 528 : i32
    %add3A_170 = arith.addi %mul3A_168, %add3A_169 : i32
    "tpu.region"() ({
      %run_scoped3A = tpu.sem_alloc : memref<!tpu.dma_semaphore, #tpu.memory_space<semaphore_mem>>
      %dma_start3A_357 = arith.constant 0 : i32
      %dma_start3A_358 = tpu.memref_slice %arg8[%add3A_170, %dma_start3A_357] : memref<10000x128xf32, #tpu.memory_space<vmem_shared>> -> memref<48x128xf32, #tpu.memory_space<vmem_shared>>
      %dma_start3A_359 = arith.constant 0 : i32
      %dma_start3A_360 = tpu.memref_slice %arg8[%add3A_170, %dma_start3A_359] : memref<10000x128xf32, #tpu.memory_space<vmem_shared>> -> memref<48x128xf32, #tpu.memory_space<vmem_shared>>
      tpu.enqueue_dma source(%arg7 : memref<48x128xf32, #tpu.memory_space<vmem>>) target(%dma_start3A_360 : memref<48x128xf32, #tpu.memory_space<vmem_shared>>) target_semaphore(%run_scoped3A : memref<!tpu.dma_semaphore, #tpu.memory_space<semaphore_mem>>)
      %dma_wait3A = arith.constant 0 : i32
      %dma_wait3A_361 = tpu.memref_slice %arg8[%add3A_170, %dma_wait3A] : memref<10000x128xf32, #tpu.memory_space<vmem_shared>> -> memref<48x128xf32, #tpu.memory_space<vmem_shared>>
      %dma_wait3A_362 = arith.constant 0 : i32
      %dma_wait3A_363 = tpu.memref_slice %arg8[%add3A_170, %dma_wait3A_362] : memref<10000x128xf32, #tpu.memory_space<vmem_shared>> -> memref<48x128xf32, #tpu.memory_space<vmem_shared>>
      tpu.wait_dma2 semaphore(%run_scoped3A : memref<!tpu.dma_semaphore, #tpu.memory_space<semaphore_mem>>) src(%arg7 : memref<48x128xf32, #tpu.memory_space<vmem>>) dst(%dma_wait3A_363 : memref<48x128xf32, #tpu.memory_space<vmem_shared>>)
      tpu.yield
    }) : () -> ()
    %mul3A_171 = arith.constant 624 : i32
    %mul3A_172 = arith.muli %arg1, %mul3A_171 : i32
    %add3A_173 = arith.constant 576 : i32
    %add3A_174 = arith.addi %mul3A_172, %add3A_173 : i32
    "tpu.region"() ({
      %run_scoped3A = tpu.sem_alloc : memref<!tpu.dma_semaphore, #tpu.memory_space<semaphore_mem>>
      %dma_start3A_357 = arith.constant 0 : i32
      %dma_start3A_358 = tpu.memref_slice %arg8[%add3A_174, %dma_start3A_357] : memref<10000x128xf32, #tpu.memory_space<vmem_shared>> -> memref<48x128xf32, #tpu.memory_space<vmem_shared>>
      %dma_start3A_359 = arith.constant 0 : i32
      %dma_start3A_360 = tpu.memref_slice %arg8[%add3A_174, %dma_start3A_359] : memref<10000x128xf32, #tpu.memory_space<vmem_shared>> -> memref<48x128xf32, #tpu.memory_space<vmem_shared>>
      tpu.enqueue_dma source(%arg7 : memref<48x128xf32, #tpu.memory_space<vmem>>) target(%dma_start3A_360 : memref<48x128xf32, #tpu.memory_space<vmem_shared>>) target_semaphore(%run_scoped3A : memref<!tpu.dma_semaphore, #tpu.memory_space<semaphore_mem>>)
      %dma_wait3A = arith.constant 0 : i32
      %dma_wait3A_361 = tpu.memref_slice %arg8[%add3A_174, %dma_wait3A] : memref<10000x128xf32, #tpu.memory_space<vmem_shared>> -> memref<48x128xf32, #tpu.memory_space<vmem_shared>>
      %dma_wait3A_362 = arith.constant 0 : i32
      %dma_wait3A_363 = tpu.memref_slice %arg8[%add3A_174, %dma_wait3A_362] : memref<10000x128xf32, #tpu.memory_space<vmem_shared>> -> memref<48x128xf32, #tpu.memory_space<vmem_shared>>
      tpu.wait_dma2 semaphore(%run_scoped3A : memref<!tpu.dma_semaphore, #tpu.memory_space<semaphore_mem>>) src(%arg7 : memref<48x128xf32, #tpu.memory_space<vmem>>) dst(%dma_wait3A_363 : memref<48x128xf32, #tpu.memory_space<vmem_shared>>)
      tpu.yield
    }) : () -> ()
    %eq3A_175 = arith.constant 0 : i32
    %eq3A_176 = arith.cmpi eq, %arg1, %eq3A_175 : i32
    %convert_element_type3A_177 = arith.extui %eq3A_176 : i1 to i32
    %cond3A_178 = arith.constant 0 : i32
    %cond3A_179 = arith.cmpi ne, %convert_element_type3A_177, %cond3A_178 : i32
    scf.if %cond3A_179 {
      "tpu.region"() ({
        %run_scoped3A = tpu.sem_alloc : memref<!tpu.dma_semaphore, #tpu.memory_space<semaphore_mem>>
        %dma_start3A_357 = arith.constant 0 : i32
        %dma_start3A_358 = arith.constant 0 : i32
        %dma_start3A_359 = tpu.memref_slice %arg7[%dma_start3A_357, %dma_start3A_358] : memref<48x128xf32, #tpu.memory_space<vmem>> -> memref<16x128xf32, #tpu.memory_space<vmem>>
        %dma_start3A_360 = arith.constant 9984 : i32
        %dma_start3A_361 = arith.constant 0 : i32
        %dma_start3A_362 = tpu.memref_slice %arg8[%dma_start3A_360, %dma_start3A_361] : memref<10000x128xf32, #tpu.memory_space<vmem_shared>> -> memref<16x128xf32, #tpu.memory_space<vmem_shared>>
        %dma_start3A_363 = arith.constant 9984 : i32
        %dma_start3A_364 = arith.constant 0 : i32
        %dma_start3A_365 = tpu.memref_slice %arg8[%dma_start3A_363, %dma_start3A_364] : memref<10000x128xf32, #tpu.memory_space<vmem_shared>> -> memref<16x128xf32, #tpu.memory_space<vmem_shared>>
        %dma_start3A_366 = arith.constant 0 : i32
        %dma_start3A_367 = arith.constant 0 : i32
        %dma_start3A_368 = tpu.memref_slice %arg7[%dma_start3A_366, %dma_start3A_367] : memref<48x128xf32, #tpu.memory_space<vmem>> -> memref<16x128xf32, #tpu.memory_space<vmem>>
        tpu.enqueue_dma source(%dma_start3A_368 : memref<16x128xf32, #tpu.memory_space<vmem>>) target(%dma_start3A_365 : memref<16x128xf32, #tpu.memory_space<vmem_shared>>) target_semaphore(%run_scoped3A : memref<!tpu.dma_semaphore, #tpu.memory_space<semaphore_mem>>)
        %dma_wait3A = arith.constant 0 : i32
        %dma_wait3A_369 = arith.constant 0 : i32
        %dma_wait3A_370 = tpu.memref_slice %arg7[%dma_wait3A, %dma_wait3A_369] : memref<48x128xf32, #tpu.memory_space<vmem>> -> memref<16x128xf32, #tpu.memory_space<vmem>>
        %dma_wait3A_371 = arith.constant 9984 : i32
        %dma_wait3A_372 = arith.constant 0 : i32
        %dma_wait3A_373 = tpu.memref_slice %arg8[%dma_wait3A_371, %dma_wait3A_372] : memref<10000x128xf32, #tpu.memory_space<vmem_shared>> -> memref<16x128xf32, #tpu.memory_space<vmem_shared>>
        %dma_wait3A_374 = arith.constant 9984 : i32
        %dma_wait3A_375 = arith.constant 0 : i32
        %dma_wait3A_376 = tpu.memref_slice %arg8[%dma_wait3A_374, %dma_wait3A_375] : memref<10000x128xf32, #tpu.memory_space<vmem_shared>> -> memref<16x128xf32, #tpu.memory_space<vmem_shared>>
        %dma_wait3A_377 = arith.constant 0 : i32
        %dma_wait3A_378 = arith.constant 0 : i32
        %dma_wait3A_379 = tpu.memref_slice %arg7[%dma_wait3A_377, %dma_wait3A_378] : memref<48x128xf32, #tpu.memory_space<vmem>> -> memref<16x128xf32, #tpu.memory_space<vmem>>
        tpu.wait_dma2 semaphore(%run_scoped3A : memref<!tpu.dma_semaphore, #tpu.memory_space<semaphore_mem>>) src(%dma_wait3A_379 : memref<16x128xf32, #tpu.memory_space<vmem>>) dst(%dma_wait3A_376 : memref<16x128xf32, #tpu.memory_space<vmem_shared>>)
        tpu.yield
      }) : () -> ()
    } else {
    }
    %barrier3A_180 = arith.constant 0 : index
    tpu.barrier barrier_id(%barrier3A_180)
    %add3A_181 = arith.constant 0 : i32
    %add3A_182 = arith.addi %mul3A_0, %add3A_181 : i32
    %add3A_183 = arith.constant 0 : i32
    %add3A_184 = arith.addi %add3A_182, %add3A_183 : i32
    %mul3A_185 = arith.constant 128 : i32
    %mul3A_186 = arith.muli %add3A_184, %mul3A_185 : i32
    %dma_start3A_187 = arith.constant 0 : i32
    %dma_start3A_188 = arith.constant 0 : i32
    %dma_start3A_189 = arith.constant 0 : i32
    %dma_start3A_190 = tpu.memref_slice %arg6[%dma_start3A_187, %dma_start3A_188, %dma_start3A_189] : memref<2x128x128xf32, #tpu.memory_space<vmem>> -> memref<1x128x128xf32, #tpu.memory_space<vmem>>
    %dma_start3A_191 = tpu.memref_squeeze %dma_start3A_190 : memref<1x128x128xf32, #tpu.memory_space<vmem>> -> memref<128x128xf32, #tpu.memory_space<vmem>>
    %dma_start3A_192 = arith.constant 0 : i32
    %dma_start3A_193 = tpu.memref_slice %arg2[%add3A_122, %mul3A_186, %dma_start3A_192] : memref<5x163840x128xf32, #tpu.memory_space<hbm>> -> memref<1x128x128xf32, #tpu.memory_space<hbm>>
    %dma_start3A_194 = tpu.memref_squeeze %dma_start3A_193 : memref<1x128x128xf32, #tpu.memory_space<hbm>> -> memref<128x128xf32, #tpu.memory_space<hbm>>
    %dma_start3A_195 = arith.constant 0 : i32
    %dma_start3A_196 = arith.constant 0 : i32
    %dma_start3A_197 = tpu.memref_slice %arg6[%dma_start3A_187, %dma_start3A_195, %dma_start3A_196] : memref<2x128x128xf32, #tpu.memory_space<vmem>> -> memref<1x128x128xf32, #tpu.memory_space<vmem>>
    %dma_start3A_198 = tpu.memref_squeeze %dma_start3A_197 : memref<1x128x128xf32, #tpu.memory_space<vmem>> -> memref<128x128xf32, #tpu.memory_space<vmem>>
    %dma_start3A_199 = arith.constant 0 : i32
    %dma_start3A_200 = tpu.memref_slice %arg2[%add3A_122, %mul3A_186, %dma_start3A_199] : memref<5x163840x128xf32, #tpu.memory_space<hbm>> -> memref<1x128x128xf32, #tpu.memory_space<hbm>>
    %dma_start3A_201 = tpu.memref_squeeze %dma_start3A_200 : memref<1x128x128xf32, #tpu.memory_space<hbm>> -> memref<128x128xf32, #tpu.memory_space<hbm>>
    tpu.enqueue_dma source(%dma_start3A_201 : memref<128x128xf32, #tpu.memory_space<hbm>>) target(%dma_start3A_198 : memref<128x128xf32, #tpu.memory_space<vmem>>) target_semaphore(%arg9 : memref<!tpu.dma_semaphore, #tpu.memory_space<semaphore_mem>>)
    %add3A_202 = arith.constant 0 : i32
    %add3A_203 = arith.addi %mul3A_0, %add3A_202 : i32
    %add3A_204 = arith.constant 1 : i32
    %add3A_205 = arith.addi %add3A_203, %add3A_204 : i32
    %mul3A_206 = arith.constant 128 : i32
    %mul3A_207 = arith.muli %add3A_205, %mul3A_206 : i32
    %dma_start3A_208 = arith.constant 1 : i32
    %dma_start3A_209 = arith.constant 0 : i32
    %dma_start3A_210 = arith.constant 0 : i32
    %dma_start3A_211 = tpu.memref_slice %arg6[%dma_start3A_208, %dma_start3A_209, %dma_start3A_210] : memref<2x128x128xf32, #tpu.memory_space<vmem>> -> memref<1x128x128xf32, #tpu.memory_space<vmem>>
    %dma_start3A_212 = tpu.memref_squeeze %dma_start3A_211 : memref<1x128x128xf32, #tpu.memory_space<vmem>> -> memref<128x128xf32, #tpu.memory_space<vmem>>
    %dma_start3A_213 = arith.constant 0 : i32
    %dma_start3A_214 = tpu.memref_slice %arg2[%add3A_122, %mul3A_207, %dma_start3A_213] : memref<5x163840x128xf32, #tpu.memory_space<hbm>> -> memref<1x128x128xf32, #tpu.memory_space<hbm>>
    %dma_start3A_215 = tpu.memref_squeeze %dma_start3A_214 : memref<1x128x128xf32, #tpu.memory_space<hbm>> -> memref<128x128xf32, #tpu.memory_space<hbm>>
    %dma_start3A_216 = arith.constant 0 : i32
    %dma_start3A_217 = arith.constant 0 : i32
    %dma_start3A_218 = tpu.memref_slice %arg6[%dma_start3A_208, %dma_start3A_216, %dma_start3A_217] : memref<2x128x128xf32, #tpu.memory_space<vmem>> -> memref<1x128x128xf32, #tpu.memory_space<vmem>>
    %dma_start3A_219 = tpu.memref_squeeze %dma_start3A_218 : memref<1x128x128xf32, #tpu.memory_space<vmem>> -> memref<128x128xf32, #tpu.memory_space<vmem>>
    %dma_start3A_220 = arith.constant 0 : i32
    %dma_start3A_221 = tpu.memref_slice %arg2[%add3A_122, %mul3A_207, %dma_start3A_220] : memref<5x163840x128xf32, #tpu.memory_space<hbm>> -> memref<1x128x128xf32, #tpu.memory_space<hbm>>
    %dma_start3A_222 = tpu.memref_squeeze %dma_start3A_221 : memref<1x128x128xf32, #tpu.memory_space<hbm>> -> memref<128x128xf32, #tpu.memory_space<hbm>>
    tpu.enqueue_dma source(%dma_start3A_222 : memref<128x128xf32, #tpu.memory_space<hbm>>) target(%dma_start3A_219 : memref<128x128xf32, #tpu.memory_space<vmem>>) target_semaphore(%arg10 : memref<!tpu.dma_semaphore, #tpu.memory_space<semaphore_mem>>)
    %scan3A_223 = arith.constant 0 : i32
    %scan3A_224 = arith.constant 0 : i32
    %scan3A_225 = arith.constant 40 : i32
    %scan3A_226 = arith.addi %scan3A_224, %scan3A_225 : i32
    %scan3A_227 = arith.constant 1 : i32
    scf.for %scan3A_357 = %scan3A_224 to %scan3A_226 step %scan3A_227  : i32 {
      %mul3A_358 = arith.constant 2 : i32
      %mul3A_359 = arith.muli %scan3A_357, %mul3A_358 : i32
      %add3A_360 = arith.constant 0 : i32
      %add3A_361 = arith.addi %add3A_360, %mul3A_359 : i32
      %add3A_362 = arith.constant 0 : i32
      %add3A_363 = arith.addi %add3A_361, %add3A_362 : i32
      %add3A_364 = arith.addi %mul3A_0, %add3A_363 : i32
      %mul3A_365 = arith.constant 128 : i32
      %mul3A_366 = arith.muli %add3A_364, %mul3A_365 : i32
      %dma_wait3A = arith.constant 0 : i32
      %dma_wait3A_367 = arith.constant 0 : i32
      %dma_wait3A_368 = arith.constant 0 : i32
      %dma_wait3A_369 = tpu.memref_slice %arg6[%dma_wait3A, %dma_wait3A_367, %dma_wait3A_368] : memref<2x128x128xf32, #tpu.memory_space<vmem>> -> memref<1x128x128xf32, #tpu.memory_space<vmem>>
      %dma_wait3A_370 = tpu.memref_squeeze %dma_wait3A_369 : memref<1x128x128xf32, #tpu.memory_space<vmem>> -> memref<128x128xf32, #tpu.memory_space<vmem>>
      %dma_wait3A_371 = arith.constant 0 : i32
      %dma_wait3A_372 = tpu.memref_slice %arg2[%add3A_122, %mul3A_366, %dma_wait3A_371] : memref<5x163840x128xf32, #tpu.memory_space<hbm>> -> memref<1x128x128xf32, #tpu.memory_space<hbm>>
      %dma_wait3A_373 = tpu.memref_squeeze %dma_wait3A_372 : memref<1x128x128xf32, #tpu.memory_space<hbm>> -> memref<128x128xf32, #tpu.memory_space<hbm>>
      %dma_wait3A_374 = arith.constant 0 : i32
      %dma_wait3A_375 = arith.constant 0 : i32
      %dma_wait3A_376 = tpu.memref_slice %arg6[%dma_wait3A, %dma_wait3A_374, %dma_wait3A_375] : memref<2x128x128xf32, #tpu.memory_space<vmem>> -> memref<1x128x128xf32, #tpu.memory_space<vmem>>
      %dma_wait3A_377 = tpu.memref_squeeze %dma_wait3A_376 : memref<1x128x128xf32, #tpu.memory_space<vmem>> -> memref<128x128xf32, #tpu.memory_space<vmem>>
      %dma_wait3A_378 = arith.constant 0 : i32
      %dma_wait3A_379 = tpu.memref_slice %arg2[%add3A_122, %mul3A_366, %dma_wait3A_378] : memref<5x163840x128xf32, #tpu.memory_space<hbm>> -> memref<1x128x128xf32, #tpu.memory_space<hbm>>
      %dma_wait3A_380 = tpu.memref_squeeze %dma_wait3A_379 : memref<1x128x128xf32, #tpu.memory_space<hbm>> -> memref<128x128xf32, #tpu.memory_space<hbm>>
      tpu.wait_dma2 semaphore(%arg9 : memref<!tpu.dma_semaphore, #tpu.memory_space<semaphore_mem>>) src(%dma_wait3A_380 : memref<128x128xf32, #tpu.memory_space<hbm>>) dst(%dma_wait3A_377 : memref<128x128xf32, #tpu.memory_space<vmem>>)
      %run_scoped3A = arith.constant 0 : i32
      %run_scoped3A_381 = arith.constant 0 : i32
      "tpu.region"() ({
        %run_scoped3A_417 = tpu.sem_alloc : memref<!tpu.dma_semaphore, #tpu.memory_space<semaphore_mem>>
        %dma_start3A_418 = arith.constant 0 : i32
        %dma_start3A_419 = arith.constant 0 : i32
        %dma_start3A_420 = tpu.memref_slice %arg6[%run_scoped3A, %dma_start3A_418, %dma_start3A_419] : memref<2x128x128xf32, #tpu.memory_space<vmem>> -> memref<1x128x128xf32, #tpu.memory_space<vmem>>
        %dma_start3A_421 = tpu.memref_squeeze %dma_start3A_420 : memref<1x128x128xf32, #tpu.memory_space<vmem>> -> memref<128x128xf32, #tpu.memory_space<vmem>>
        %dma_start3A_422 = arith.constant 0 : i32
        %dma_start3A_423 = tpu.memref_slice %arg5[%add3A_363, %run_scoped3A_381, %dma_start3A_422] : memref<80x1x128xi32, #tpu.memory_space<vmem>> -> memref<1x1x128xi32, #tpu.memory_space<vmem>>
        %dma_start3A_424 = tpu.memref_squeeze %dma_start3A_423 : memref<1x1x128xi32, #tpu.memory_space<vmem>> -> memref<128xi32, #tpu.memory_space<vmem>>
        %dma_start3A_425 = arith.constant 0 : i32
        %dma_start3A_426 = arith.constant 0 : i32
        %dma_start3A_427 = tpu.memref_slice %arg8[%dma_start3A_425, %dma_start3A_426] : memref<10000x128xf32, #tpu.memory_space<vmem_shared>> -> memref<10000x128xf32, #tpu.memory_space<vmem_shared>>
        tpu.enqueue_indirect_dma source(%dma_start3A_421 : memref<128x128xf32, #tpu.memory_space<vmem>>) target(%dma_start3A_427 : memref<10000x128xf32, #tpu.memory_space<vmem_shared>>) offsets(%dma_start3A_424 : memref<128xi32, #tpu.memory_space<vmem>>) semaphore(%run_scoped3A_417 : memref<!tpu.dma_semaphore, #tpu.memory_space<semaphore_mem>>) {add = true}
        %dma_wait3A_428 = arith.constant 0 : i32
        %dma_wait3A_429 = arith.constant 0 : i32
        %dma_wait3A_430 = tpu.memref_slice %arg6[%run_scoped3A, %dma_wait3A_428, %dma_wait3A_429] : memref<2x128x128xf32, #tpu.memory_space<vmem>> -> memref<1x128x128xf32, #tpu.memory_space<vmem>>
        %dma_wait3A_431 = tpu.memref_squeeze %dma_wait3A_430 : memref<1x128x128xf32, #tpu.memory_space<vmem>> -> memref<128x128xf32, #tpu.memory_space<vmem>>
        %dma_wait3A_432 = arith.constant 0 : i32
        %dma_wait3A_433 = tpu.memref_slice %arg5[%add3A_363, %run_scoped3A_381, %dma_wait3A_432] : memref<80x1x128xi32, #tpu.memory_space<vmem>> -> memref<1x1x128xi32, #tpu.memory_space<vmem>>
        %dma_wait3A_434 = tpu.memref_squeeze %dma_wait3A_433 : memref<1x1x128xi32, #tpu.memory_space<vmem>> -> memref<128xi32, #tpu.memory_space<vmem>>
        %dma_wait3A_435 = arith.constant 0 : i32
        %dma_wait3A_436 = arith.constant 0 : i32
        %dma_wait3A_437 = tpu.memref_slice %arg8[%dma_wait3A_435, %dma_wait3A_436] : memref<10000x128xf32, #tpu.memory_space<vmem_shared>> -> memref<10000x128xf32, #tpu.memory_space<vmem_shared>>
        tpu.wait_indirect_dma semaphore(%run_scoped3A_417 : memref<!tpu.dma_semaphore, #tpu.memory_space<semaphore_mem>>) src(%dma_wait3A_431 : memref<128x128xf32, #tpu.memory_space<vmem>>) dst(%dma_wait3A_437 : memref<10000x128xf32, #tpu.memory_space<vmem_shared>>)
        tpu.yield
      }) : () -> ()
      %lt3A = arith.constant 39 : i32
      %lt3A_382 = arith.cmpi slt, %scan3A_357, %lt3A : i32
      %convert_element_type3A_383 = arith.extui %lt3A_382 : i1 to i32
      %cond3A_384 = arith.constant 0 : i32
      %cond3A_385 = arith.cmpi ne, %convert_element_type3A_383, %cond3A_384 : i32
      scf.if %cond3A_385 {
        %add3A_417 = arith.addi %mul3A_0, %add3A_363 : i32
        %add3A_418 = arith.constant 2 : i32
        %add3A_419 = arith.addi %add3A_417, %add3A_418 : i32
        %mul3A_420 = arith.constant 128 : i32
        %mul3A_421 = arith.muli %add3A_419, %mul3A_420 : i32
        %dma_start3A_422 = arith.constant 0 : i32
        %dma_start3A_423 = arith.constant 0 : i32
        %dma_start3A_424 = arith.constant 0 : i32
        %dma_start3A_425 = tpu.memref_slice %arg6[%dma_start3A_422, %dma_start3A_423, %dma_start3A_424] : memref<2x128x128xf32, #tpu.memory_space<vmem>> -> memref<1x128x128xf32, #tpu.memory_space<vmem>>
        %dma_start3A_426 = tpu.memref_squeeze %dma_start3A_425 : memref<1x128x128xf32, #tpu.memory_space<vmem>> -> memref<128x128xf32, #tpu.memory_space<vmem>>
        %dma_start3A_427 = arith.constant 0 : i32
        %dma_start3A_428 = tpu.memref_slice %arg2[%add3A_122, %mul3A_421, %dma_start3A_427] : memref<5x163840x128xf32, #tpu.memory_space<hbm>> -> memref<1x128x128xf32, #tpu.memory_space<hbm>>
        %dma_start3A_429 = tpu.memref_squeeze %dma_start3A_428 : memref<1x128x128xf32, #tpu.memory_space<hbm>> -> memref<128x128xf32, #tpu.memory_space<hbm>>
        %dma_start3A_430 = arith.constant 0 : i32
        %dma_start3A_431 = arith.constant 0 : i32
        %dma_start3A_432 = tpu.memref_slice %arg6[%dma_start3A_422, %dma_start3A_430, %dma_start3A_431] : memref<2x128x128xf32, #tpu.memory_space<vmem>> -> memref<1x128x128xf32, #tpu.memory_space<vmem>>
        %dma_start3A_433 = tpu.memref_squeeze %dma_start3A_432 : memref<1x128x128xf32, #tpu.memory_space<vmem>> -> memref<128x128xf32, #tpu.memory_space<vmem>>
        %dma_start3A_434 = arith.constant 0 : i32
        %dma_start3A_435 = tpu.memref_slice %arg2[%add3A_122, %mul3A_421, %dma_start3A_434] : memref<5x163840x128xf32, #tpu.memory_space<hbm>> -> memref<1x128x128xf32, #tpu.memory_space<hbm>>
        %dma_start3A_436 = tpu.memref_squeeze %dma_start3A_435 : memref<1x128x128xf32, #tpu.memory_space<hbm>> -> memref<128x128xf32, #tpu.memory_space<hbm>>
        tpu.enqueue_dma source(%dma_start3A_436 : memref<128x128xf32, #tpu.memory_space<hbm>>) target(%dma_start3A_433 : memref<128x128xf32, #tpu.memory_space<vmem>>) target_semaphore(%arg9 : memref<!tpu.dma_semaphore, #tpu.memory_space<semaphore_mem>>)
      } else {
      }
      %mul3A_386 = arith.constant 2 : i32
      %mul3A_387 = arith.muli %scan3A_357, %mul3A_386 : i32
      %add3A_388 = arith.constant 0 : i32
      %add3A_389 = arith.addi %add3A_388, %mul3A_387 : i32
      %add3A_390 = arith.constant 1 : i32
      %add3A_391 = arith.addi %add3A_389, %add3A_390 : i32
      %add3A_392 = arith.addi %mul3A_0, %add3A_391 : i32
      %mul3A_393 = arith.constant 128 : i32
      %mul3A_394 = arith.muli %add3A_392, %mul3A_393 : i32
      %dma_wait3A_395 = arith.constant 1 : i32
      %dma_wait3A_396 = arith.constant 0 : i32
      %dma_wait3A_397 = arith.constant 0 : i32
      %dma_wait3A_398 = tpu.memref_slice %arg6[%dma_wait3A_395, %dma_wait3A_396, %dma_wait3A_397] : memref<2x128x128xf32, #tpu.memory_space<vmem>> -> memref<1x128x128xf32, #tpu.memory_space<vmem>>
      %dma_wait3A_399 = tpu.memref_squeeze %dma_wait3A_398 : memref<1x128x128xf32, #tpu.memory_space<vmem>> -> memref<128x128xf32, #tpu.memory_space<vmem>>
      %dma_wait3A_400 = arith.constant 0 : i32
      %dma_wait3A_401 = tpu.memref_slice %arg2[%add3A_122, %mul3A_394, %dma_wait3A_400] : memref<5x163840x128xf32, #tpu.memory_space<hbm>> -> memref<1x128x128xf32, #tpu.memory_space<hbm>>
      %dma_wait3A_402 = tpu.memref_squeeze %dma_wait3A_401 : memref<1x128x128xf32, #tpu.memory_space<hbm>> -> memref<128x128xf32, #tpu.memory_space<hbm>>
      %dma_wait3A_403 = arith.constant 0 : i32
      %dma_wait3A_404 = arith.constant 0 : i32
      %dma_wait3A_405 = tpu.memref_slice %arg6[%dma_wait3A_395, %dma_wait3A_403, %dma_wait3A_404] : memref<2x128x128xf32, #tpu.memory_space<vmem>> -> memref<1x128x128xf32, #tpu.memory_space<vmem>>
      %dma_wait3A_406 = tpu.memref_squeeze %dma_wait3A_405 : memref<1x128x128xf32, #tpu.memory_space<vmem>> -> memref<128x128xf32, #tpu.memory_space<vmem>>
      %dma_wait3A_407 = arith.constant 0 : i32
      %dma_wait3A_408 = tpu.memref_slice %arg2[%add3A_122, %mul3A_394, %dma_wait3A_407] : memref<5x163840x128xf32, #tpu.memory_space<hbm>> -> memref<1x128x128xf32, #tpu.memory_space<hbm>>
      %dma_wait3A_409 = tpu.memref_squeeze %dma_wait3A_408 : memref<1x128x128xf32, #tpu.memory_space<hbm>> -> memref<128x128xf32, #tpu.memory_space<hbm>>
      tpu.wait_dma2 semaphore(%arg10 : memref<!tpu.dma_semaphore, #tpu.memory_space<semaphore_mem>>) src(%dma_wait3A_409 : memref<128x128xf32, #tpu.memory_space<hbm>>) dst(%dma_wait3A_406 : memref<128x128xf32, #tpu.memory_space<vmem>>)
      %run_scoped3A_410 = arith.constant 1 : i32
      %run_scoped3A_411 = arith.constant 0 : i32
      "tpu.region"() ({
        %run_scoped3A_417 = tpu.sem_alloc : memref<!tpu.dma_semaphore, #tpu.memory_space<semaphore_mem>>
        %dma_start3A_418 = arith.constant 0 : i32
        %dma_start3A_419 = arith.constant 0 : i32
        %dma_start3A_420 = tpu.memref_slice %arg6[%run_scoped3A_410, %dma_start3A_418, %dma_start3A_419] : memref<2x128x128xf32, #tpu.memory_space<vmem>> -> memref<1x128x128xf32, #tpu.memory_space<vmem>>
        %dma_start3A_421 = tpu.memref_squeeze %dma_start3A_420 : memref<1x128x128xf32, #tpu.memory_space<vmem>> -> memref<128x128xf32, #tpu.memory_space<vmem>>
        %dma_start3A_422 = arith.constant 0 : i32
        %dma_start3A_423 = tpu.memref_slice %arg5[%add3A_391, %run_scoped3A_411, %dma_start3A_422] : memref<80x1x128xi32, #tpu.memory_space<vmem>> -> memref<1x1x128xi32, #tpu.memory_space<vmem>>
        %dma_start3A_424 = tpu.memref_squeeze %dma_start3A_423 : memref<1x1x128xi32, #tpu.memory_space<vmem>> -> memref<128xi32, #tpu.memory_space<vmem>>
        %dma_start3A_425 = arith.constant 0 : i32
        %dma_start3A_426 = arith.constant 0 : i32
        %dma_start3A_427 = tpu.memref_slice %arg8[%dma_start3A_425, %dma_start3A_426] : memref<10000x128xf32, #tpu.memory_space<vmem_shared>> -> memref<10000x128xf32, #tpu.memory_space<vmem_shared>>
        tpu.enqueue_indirect_dma source(%dma_start3A_421 : memref<128x128xf32, #tpu.memory_space<vmem>>) target(%dma_start3A_427 : memref<10000x128xf32, #tpu.memory_space<vmem_shared>>) offsets(%dma_start3A_424 : memref<128xi32, #tpu.memory_space<vmem>>) semaphore(%run_scoped3A_417 : memref<!tpu.dma_semaphore, #tpu.memory_space<semaphore_mem>>) {add = true}
        %dma_wait3A_428 = arith.constant 0 : i32
        %dma_wait3A_429 = arith.constant 0 : i32
        %dma_wait3A_430 = tpu.memref_slice %arg6[%run_scoped3A_410, %dma_wait3A_428, %dma_wait3A_429] : memref<2x128x128xf32, #tpu.memory_space<vmem>> -> memref<1x128x128xf32, #tpu.memory_space<vmem>>
        %dma_wait3A_431 = tpu.memref_squeeze %dma_wait3A_430 : memref<1x128x128xf32, #tpu.memory_space<vmem>> -> memref<128x128xf32, #tpu.memory_space<vmem>>
        %dma_wait3A_432 = arith.constant 0 : i32
        %dma_wait3A_433 = tpu.memref_slice %arg5[%add3A_391, %run_scoped3A_411, %dma_wait3A_432] : memref<80x1x128xi32, #tpu.memory_space<vmem>> -> memref<1x1x128xi32, #tpu.memory_space<vmem>>
        %dma_wait3A_434 = tpu.memref_squeeze %dma_wait3A_433 : memref<1x1x128xi32, #tpu.memory_space<vmem>> -> memref<128xi32, #tpu.memory_space<vmem>>
        %dma_wait3A_435 = arith.constant 0 : i32
        %dma_wait3A_436 = arith.constant 0 : i32
        %dma_wait3A_437 = tpu.memref_slice %arg8[%dma_wait3A_435, %dma_wait3A_436] : memref<10000x128xf32, #tpu.memory_space<vmem_shared>> -> memref<10000x128xf32, #tpu.memory_space<vmem_shared>>
        tpu.wait_indirect_dma semaphore(%run_scoped3A_417 : memref<!tpu.dma_semaphore, #tpu.memory_space<semaphore_mem>>) src(%dma_wait3A_431 : memref<128x128xf32, #tpu.memory_space<vmem>>) dst(%dma_wait3A_437 : memref<10000x128xf32, #tpu.memory_space<vmem_shared>>)
        tpu.yield
      }) : () -> ()
      %lt3A_412 = arith.constant 39 : i32
      %lt3A_413 = arith.cmpi slt, %scan3A_357, %lt3A_412 : i32
      %convert_element_type3A_414 = arith.extui %lt3A_413 : i1 to i32
      %cond3A_415 = arith.constant 0 : i32
      %cond3A_416 = arith.cmpi ne, %convert_element_type3A_414, %cond3A_415 : i32
      scf.if %cond3A_416 {
        %add3A_417 = arith.addi %mul3A_0, %add3A_391 : i32
        %add3A_418 = arith.constant 2 : i32
        %add3A_419 = arith.addi %add3A_417, %add3A_418 : i32
        %mul3A_420 = arith.constant 128 : i32
        %mul3A_421 = arith.muli %add3A_419, %mul3A_420 : i32
        %dma_start3A_422 = arith.constant 1 : i32
        %dma_start3A_423 = arith.constant 0 : i32
        %dma_start3A_424 = arith.constant 0 : i32
        %dma_start3A_425 = tpu.memref_slice %arg6[%dma_start3A_422, %dma_start3A_423, %dma_start3A_424] : memref<2x128x128xf32, #tpu.memory_space<vmem>> -> memref<1x128x128xf32, #tpu.memory_space<vmem>>
        %dma_start3A_426 = tpu.memref_squeeze %dma_start3A_425 : memref<1x128x128xf32, #tpu.memory_space<vmem>> -> memref<128x128xf32, #tpu.memory_space<vmem>>
        %dma_start3A_427 = arith.constant 0 : i32
        %dma_start3A_428 = tpu.memref_slice %arg2[%add3A_122, %mul3A_421, %dma_start3A_427] : memref<5x163840x128xf32, #tpu.memory_space<hbm>> -> memref<1x128x128xf32, #tpu.memory_space<hbm>>
        %dma_start3A_429 = tpu.memref_squeeze %dma_start3A_428 : memref<1x128x128xf32, #tpu.memory_space<hbm>> -> memref<128x128xf32, #tpu.memory_space<hbm>>
        %dma_start3A_430 = arith.constant 0 : i32
        %dma_start3A_431 = arith.constant 0 : i32
        %dma_start3A_432 = tpu.memref_slice %arg6[%dma_start3A_422, %dma_start3A_430, %dma_start3A_431] : memref<2x128x128xf32, #tpu.memory_space<vmem>> -> memref<1x128x128xf32, #tpu.memory_space<vmem>>
        %dma_start3A_433 = tpu.memref_squeeze %dma_start3A_432 : memref<1x128x128xf32, #tpu.memory_space<vmem>> -> memref<128x128xf32, #tpu.memory_space<vmem>>
        %dma_start3A_434 = arith.constant 0 : i32
        %dma_start3A_435 = tpu.memref_slice %arg2[%add3A_122, %mul3A_421, %dma_start3A_434] : memref<5x163840x128xf32, #tpu.memory_space<hbm>> -> memref<1x128x128xf32, #tpu.memory_space<hbm>>
        %dma_start3A_436 = tpu.memref_squeeze %dma_start3A_435 : memref<1x128x128xf32, #tpu.memory_space<hbm>> -> memref<128x128xf32, #tpu.memory_space<hbm>>
        tpu.enqueue_dma source(%dma_start3A_436 : memref<128x128xf32, #tpu.memory_space<hbm>>) target(%dma_start3A_433 : memref<128x128xf32, #tpu.memory_space<vmem>>) target_semaphore(%arg10 : memref<!tpu.dma_semaphore, #tpu.memory_space<semaphore_mem>>)
      } else {
      }
    }
    %scan3A_228 = arith.constant 40 : i32
    %barrier3A_229 = arith.constant 0 : index
    tpu.barrier barrier_id(%barrier3A_229)
    %mul3A_230 = arith.constant 624 : i32
    %mul3A_231 = arith.muli %arg1, %mul3A_230 : i32
    "tpu.region"() ({
      %run_scoped3A = tpu.sem_alloc : memref<!tpu.dma_semaphore, #tpu.memory_space<semaphore_mem>>
      %dma_start3A_357 = arith.constant 0 : i32
      %dma_start3A_358 = tpu.memref_slice %arg4[%add3A_122, %mul3A_231, %dma_start3A_357] : memref<6x10000x128xf32, #tpu.memory_space<hbm>> -> memref<1x624x128xf32, #tpu.memory_space<hbm>>
      %dma_start3A_359 = tpu.memref_squeeze %dma_start3A_358 : memref<1x624x128xf32, #tpu.memory_space<hbm>> -> memref<624x128xf32, #tpu.memory_space<hbm>>
      %dma_start3A_360 = arith.constant 0 : i32
      %dma_start3A_361 = tpu.memref_slice %arg8[%mul3A_231, %dma_start3A_360] : memref<10000x128xf32, #tpu.memory_space<vmem_shared>> -> memref<624x128xf32, #tpu.memory_space<vmem_shared>>
      tpu.enqueue_dma source(%dma_start3A_361 : memref<624x128xf32, #tpu.memory_space<vmem_shared>>) target(%dma_start3A_359 : memref<624x128xf32, #tpu.memory_space<hbm>>) target_semaphore(%run_scoped3A : memref<!tpu.dma_semaphore, #tpu.memory_space<semaphore_mem>>)
      %dma_wait3A = arith.constant 0 : i32
      %dma_wait3A_362 = tpu.memref_slice %arg4[%add3A_122, %mul3A_231, %dma_wait3A] : memref<6x10000x128xf32, #tpu.memory_space<hbm>> -> memref<1x624x128xf32, #tpu.memory_space<hbm>>
      %dma_wait3A_363 = tpu.memref_squeeze %dma_wait3A_362 : memref<1x624x128xf32, #tpu.memory_space<hbm>> -> memref<624x128xf32, #tpu.memory_space<hbm>>
      %dma_wait3A_364 = arith.constant 0 : i32
      %dma_wait3A_365 = tpu.memref_slice %arg8[%mul3A_231, %dma_wait3A_364] : memref<10000x128xf32, #tpu.memory_space<vmem_shared>> -> memref<624x128xf32, #tpu.memory_space<vmem_shared>>
      tpu.wait_dma2 semaphore(%run_scoped3A : memref<!tpu.dma_semaphore, #tpu.memory_space<semaphore_mem>>) src(%dma_wait3A_365 : memref<624x128xf32, #tpu.memory_space<vmem_shared>>) dst(%dma_wait3A_363 : memref<624x128xf32, #tpu.memory_space<hbm>>)
      tpu.yield
    }) : () -> ()
    %eq3A_232 = arith.constant 0 : i32
    %eq3A_233 = arith.cmpi eq, %arg1, %eq3A_232 : i32
    %convert_element_type3A_234 = arith.extui %eq3A_233 : i1 to i32
    %cond3A_235 = arith.constant 0 : i32
    %cond3A_236 = arith.cmpi ne, %convert_element_type3A_234, %cond3A_235 : i32
    scf.if %cond3A_236 {
      "tpu.region"() ({
        %run_scoped3A = tpu.sem_alloc : memref<!tpu.dma_semaphore, #tpu.memory_space<semaphore_mem>>
        %dma_start3A_357 = arith.constant 9984 : i32
        %dma_start3A_358 = arith.constant 0 : i32
        %dma_start3A_359 = tpu.memref_slice %arg4[%add3A_122, %dma_start3A_357, %dma_start3A_358] : memref<6x10000x128xf32, #tpu.memory_space<hbm>> -> memref<1x16x128xf32, #tpu.memory_space<hbm>>
        %dma_start3A_360 = tpu.memref_squeeze %dma_start3A_359 : memref<1x16x128xf32, #tpu.memory_space<hbm>> -> memref<16x128xf32, #tpu.memory_space<hbm>>
        %dma_start3A_361 = arith.constant 9984 : i32
        %dma_start3A_362 = arith.constant 0 : i32
        %dma_start3A_363 = tpu.memref_slice %arg8[%dma_start3A_361, %dma_start3A_362] : memref<10000x128xf32, #tpu.memory_space<vmem_shared>> -> memref<16x128xf32, #tpu.memory_space<vmem_shared>>
        tpu.enqueue_dma source(%dma_start3A_363 : memref<16x128xf32, #tpu.memory_space<vmem_shared>>) target(%dma_start3A_360 : memref<16x128xf32, #tpu.memory_space<hbm>>) target_semaphore(%run_scoped3A : memref<!tpu.dma_semaphore, #tpu.memory_space<semaphore_mem>>)
        %dma_wait3A = arith.constant 9984 : i32
        %dma_wait3A_364 = arith.constant 0 : i32
        %dma_wait3A_365 = tpu.memref_slice %arg4[%add3A_122, %dma_wait3A, %dma_wait3A_364] : memref<6x10000x128xf32, #tpu.memory_space<hbm>> -> memref<1x16x128xf32, #tpu.memory_space<hbm>>
        %dma_wait3A_366 = tpu.memref_squeeze %dma_wait3A_365 : memref<1x16x128xf32, #tpu.memory_space<hbm>> -> memref<16x128xf32, #tpu.memory_space<hbm>>
        %dma_wait3A_367 = arith.constant 9984 : i32
        %dma_wait3A_368 = arith.constant 0 : i32
        %dma_wait3A_369 = tpu.memref_slice %arg8[%dma_wait3A_367, %dma_wait3A_368] : memref<10000x128xf32, #tpu.memory_space<vmem_shared>> -> memref<16x128xf32, #tpu.memory_space<vmem_shared>>
        tpu.wait_dma2 semaphore(%run_scoped3A : memref<!tpu.dma_semaphore, #tpu.memory_space<semaphore_mem>>) src(%dma_wait3A_369 : memref<16x128xf32, #tpu.memory_space<vmem_shared>>) dst(%dma_wait3A_366 : memref<16x128xf32, #tpu.memory_space<hbm>>)
        tpu.yield
      }) : () -> ()
    } else {
    }
    %barrier3A_237 = arith.constant 0 : index
    tpu.barrier barrier_id(%barrier3A_237)
    %add3A_238 = arith.constant 4 : i32
    %add3A_239 = arith.addi %add3A_238, %arg0 : i32
    %mul3A_240 = arith.constant 40 : i32
    %mul3A_241 = arith.muli %arg0, %mul3A_240 : i32
    %mul3A_242 = arith.constant 624 : i32
    %mul3A_243 = arith.muli %arg1, %mul3A_242 : i32
    %add3A_244 = arith.constant 0 : i32
    %add3A_245 = arith.addi %mul3A_243, %add3A_244 : i32
    "tpu.region"() ({
      %run_scoped3A = tpu.sem_alloc : memref<!tpu.dma_semaphore, #tpu.memory_space<semaphore_mem>>
      %dma_start3A_357 = arith.constant 0 : i32
      %dma_start3A_358 = tpu.memref_slice %arg8[%add3A_245, %dma_start3A_357] : memref<10000x128xf32, #tpu.memory_space<vmem_shared>> -> memref<48x128xf32, #tpu.memory_space<vmem_shared>>
      %dma_start3A_359 = arith.constant 0 : i32
      %dma_start3A_360 = tpu.memref_slice %arg8[%add3A_245, %dma_start3A_359] : memref<10000x128xf32, #tpu.memory_space<vmem_shared>> -> memref<48x128xf32, #tpu.memory_space<vmem_shared>>
      tpu.enqueue_dma source(%arg7 : memref<48x128xf32, #tpu.memory_space<vmem>>) target(%dma_start3A_360 : memref<48x128xf32, #tpu.memory_space<vmem_shared>>) target_semaphore(%run_scoped3A : memref<!tpu.dma_semaphore, #tpu.memory_space<semaphore_mem>>)
      %dma_wait3A = arith.constant 0 : i32
      %dma_wait3A_361 = tpu.memref_slice %arg8[%add3A_245, %dma_wait3A] : memref<10000x128xf32, #tpu.memory_space<vmem_shared>> -> memref<48x128xf32, #tpu.memory_space<vmem_shared>>
      %dma_wait3A_362 = arith.constant 0 : i32
      %dma_wait3A_363 = tpu.memref_slice %arg8[%add3A_245, %dma_wait3A_362] : memref<10000x128xf32, #tpu.memory_space<vmem_shared>> -> memref<48x128xf32, #tpu.memory_space<vmem_shared>>
      tpu.wait_dma2 semaphore(%run_scoped3A : memref<!tpu.dma_semaphore, #tpu.memory_space<semaphore_mem>>) src(%arg7 : memref<48x128xf32, #tpu.memory_space<vmem>>) dst(%dma_wait3A_363 : memref<48x128xf32, #tpu.memory_space<vmem_shared>>)
      tpu.yield
    }) : () -> ()
    %mul3A_246 = arith.constant 624 : i32
    %mul3A_247 = arith.muli %arg1, %mul3A_246 : i32
    %add3A_248 = arith.constant 48 : i32
    %add3A_249 = arith.addi %mul3A_247, %add3A_248 : i32
    "tpu.region"() ({
      %run_scoped3A = tpu.sem_alloc : memref<!tpu.dma_semaphore, #tpu.memory_space<semaphore_mem>>
      %dma_start3A_357 = arith.constant 0 : i32
      %dma_start3A_358 = tpu.memref_slice %arg8[%add3A_249, %dma_start3A_357] : memref<10000x128xf32, #tpu.memory_space<vmem_shared>> -> memref<48x128xf32, #tpu.memory_space<vmem_shared>>
      %dma_start3A_359 = arith.constant 0 : i32
      %dma_start3A_360 = tpu.memref_slice %arg8[%add3A_249, %dma_start3A_359] : memref<10000x128xf32, #tpu.memory_space<vmem_shared>> -> memref<48x128xf32, #tpu.memory_space<vmem_shared>>
      tpu.enqueue_dma source(%arg7 : memref<48x128xf32, #tpu.memory_space<vmem>>) target(%dma_start3A_360 : memref<48x128xf32, #tpu.memory_space<vmem_shared>>) target_semaphore(%run_scoped3A : memref<!tpu.dma_semaphore, #tpu.memory_space<semaphore_mem>>)
      %dma_wait3A = arith.constant 0 : i32
      %dma_wait3A_361 = tpu.memref_slice %arg8[%add3A_249, %dma_wait3A] : memref<10000x128xf32, #tpu.memory_space<vmem_shared>> -> memref<48x128xf32, #tpu.memory_space<vmem_shared>>
      %dma_wait3A_362 = arith.constant 0 : i32
      %dma_wait3A_363 = tpu.memref_slice %arg8[%add3A_249, %dma_wait3A_362] : memref<10000x128xf32, #tpu.memory_space<vmem_shared>> -> memref<48x128xf32, #tpu.memory_space<vmem_shared>>
      tpu.wait_dma2 semaphore(%run_scoped3A : memref<!tpu.dma_semaphore, #tpu.memory_space<semaphore_mem>>) src(%arg7 : memref<48x128xf32, #tpu.memory_space<vmem>>) dst(%dma_wait3A_363 : memref<48x128xf32, #tpu.memory_space<vmem_shared>>)
      tpu.yield
    }) : () -> ()
    %mul3A_250 = arith.constant 624 : i32
    %mul3A_251 = arith.muli %arg1, %mul3A_250 : i32
    %add3A_252 = arith.constant 96 : i32
    %add3A_253 = arith.addi %mul3A_251, %add3A_252 : i32
    "tpu.region"() ({
      %run_scoped3A = tpu.sem_alloc : memref<!tpu.dma_semaphore, #tpu.memory_space<semaphore_mem>>
      %dma_start3A_357 = arith.constant 0 : i32
      %dma_start3A_358 = tpu.memref_slice %arg8[%add3A_253, %dma_start3A_357] : memref<10000x128xf32, #tpu.memory_space<vmem_shared>> -> memref<48x128xf32, #tpu.memory_space<vmem_shared>>
      %dma_start3A_359 = arith.constant 0 : i32
      %dma_start3A_360 = tpu.memref_slice %arg8[%add3A_253, %dma_start3A_359] : memref<10000x128xf32, #tpu.memory_space<vmem_shared>> -> memref<48x128xf32, #tpu.memory_space<vmem_shared>>
      tpu.enqueue_dma source(%arg7 : memref<48x128xf32, #tpu.memory_space<vmem>>) target(%dma_start3A_360 : memref<48x128xf32, #tpu.memory_space<vmem_shared>>) target_semaphore(%run_scoped3A : memref<!tpu.dma_semaphore, #tpu.memory_space<semaphore_mem>>)
      %dma_wait3A = arith.constant 0 : i32
      %dma_wait3A_361 = tpu.memref_slice %arg8[%add3A_253, %dma_wait3A] : memref<10000x128xf32, #tpu.memory_space<vmem_shared>> -> memref<48x128xf32, #tpu.memory_space<vmem_shared>>
      %dma_wait3A_362 = arith.constant 0 : i32
      %dma_wait3A_363 = tpu.memref_slice %arg8[%add3A_253, %dma_wait3A_362] : memref<10000x128xf32, #tpu.memory_space<vmem_shared>> -> memref<48x128xf32, #tpu.memory_space<vmem_shared>>
      tpu.wait_dma2 semaphore(%run_scoped3A : memref<!tpu.dma_semaphore, #tpu.memory_space<semaphore_mem>>) src(%arg7 : memref<48x128xf32, #tpu.memory_space<vmem>>) dst(%dma_wait3A_363 : memref<48x128xf32, #tpu.memory_space<vmem_shared>>)
      tpu.yield
    }) : () -> ()
    %mul3A_254 = arith.constant 624 : i32
    %mul3A_255 = arith.muli %arg1, %mul3A_254 : i32
    %add3A_256 = arith.constant 144 : i32
    %add3A_257 = arith.addi %mul3A_255, %add3A_256 : i32
    "tpu.region"() ({
      %run_scoped3A = tpu.sem_alloc : memref<!tpu.dma_semaphore, #tpu.memory_space<semaphore_mem>>
      %dma_start3A_357 = arith.constant 0 : i32
      %dma_start3A_358 = tpu.memref_slice %arg8[%add3A_257, %dma_start3A_357] : memref<10000x128xf32, #tpu.memory_space<vmem_shared>> -> memref<48x128xf32, #tpu.memory_space<vmem_shared>>
      %dma_start3A_359 = arith.constant 0 : i32
      %dma_start3A_360 = tpu.memref_slice %arg8[%add3A_257, %dma_start3A_359] : memref<10000x128xf32, #tpu.memory_space<vmem_shared>> -> memref<48x128xf32, #tpu.memory_space<vmem_shared>>
      tpu.enqueue_dma source(%arg7 : memref<48x128xf32, #tpu.memory_space<vmem>>) target(%dma_start3A_360 : memref<48x128xf32, #tpu.memory_space<vmem_shared>>) target_semaphore(%run_scoped3A : memref<!tpu.dma_semaphore, #tpu.memory_space<semaphore_mem>>)
      %dma_wait3A = arith.constant 0 : i32
      %dma_wait3A_361 = tpu.memref_slice %arg8[%add3A_257, %dma_wait3A] : memref<10000x128xf32, #tpu.memory_space<vmem_shared>> -> memref<48x128xf32, #tpu.memory_space<vmem_shared>>
      %dma_wait3A_362 = arith.constant 0 : i32
      %dma_wait3A_363 = tpu.memref_slice %arg8[%add3A_257, %dma_wait3A_362] : memref<10000x128xf32, #tpu.memory_space<vmem_shared>> -> memref<48x128xf32, #tpu.memory_space<vmem_shared>>
      tpu.wait_dma2 semaphore(%run_scoped3A : memref<!tpu.dma_semaphore, #tpu.memory_space<semaphore_mem>>) src(%arg7 : memref<48x128xf32, #tpu.memory_space<vmem>>) dst(%dma_wait3A_363 : memref<48x128xf32, #tpu.memory_space<vmem_shared>>)
      tpu.yield
    }) : () -> ()
    %mul3A_258 = arith.constant 624 : i32
    %mul3A_259 = arith.muli %arg1, %mul3A_258 : i32
    %add3A_260 = arith.constant 192 : i32
    %add3A_261 = arith.addi %mul3A_259, %add3A_260 : i32
    "tpu.region"() ({
      %run_scoped3A = tpu.sem_alloc : memref<!tpu.dma_semaphore, #tpu.memory_space<semaphore_mem>>
      %dma_start3A_357 = arith.constant 0 : i32
      %dma_start3A_358 = tpu.memref_slice %arg8[%add3A_261, %dma_start3A_357] : memref<10000x128xf32, #tpu.memory_space<vmem_shared>> -> memref<48x128xf32, #tpu.memory_space<vmem_shared>>
      %dma_start3A_359 = arith.constant 0 : i32
      %dma_start3A_360 = tpu.memref_slice %arg8[%add3A_261, %dma_start3A_359] : memref<10000x128xf32, #tpu.memory_space<vmem_shared>> -> memref<48x128xf32, #tpu.memory_space<vmem_shared>>
      tpu.enqueue_dma source(%arg7 : memref<48x128xf32, #tpu.memory_space<vmem>>) target(%dma_start3A_360 : memref<48x128xf32, #tpu.memory_space<vmem_shared>>) target_semaphore(%run_scoped3A : memref<!tpu.dma_semaphore, #tpu.memory_space<semaphore_mem>>)
      %dma_wait3A = arith.constant 0 : i32
      %dma_wait3A_361 = tpu.memref_slice %arg8[%add3A_261, %dma_wait3A] : memref<10000x128xf32, #tpu.memory_space<vmem_shared>> -> memref<48x128xf32, #tpu.memory_space<vmem_shared>>
      %dma_wait3A_362 = arith.constant 0 : i32
      %dma_wait3A_363 = tpu.memref_slice %arg8[%add3A_261, %dma_wait3A_362] : memref<10000x128xf32, #tpu.memory_space<vmem_shared>> -> memref<48x128xf32, #tpu.memory_space<vmem_shared>>
      tpu.wait_dma2 semaphore(%run_scoped3A : memref<!tpu.dma_semaphore, #tpu.memory_space<semaphore_mem>>) src(%arg7 : memref<48x128xf32, #tpu.memory_space<vmem>>) dst(%dma_wait3A_363 : memref<48x128xf32, #tpu.memory_space<vmem_shared>>)
      tpu.yield
    }) : () -> ()
    %mul3A_262 = arith.constant 624 : i32
    %mul3A_263 = arith.muli %arg1, %mul3A_262 : i32
    %add3A_264 = arith.constant 240 : i32
    %add3A_265 = arith.addi %mul3A_263, %add3A_264 : i32
    "tpu.region"() ({
      %run_scoped3A = tpu.sem_alloc : memref<!tpu.dma_semaphore, #tpu.memory_space<semaphore_mem>>
      %dma_start3A_357 = arith.constant 0 : i32
      %dma_start3A_358 = tpu.memref_slice %arg8[%add3A_265, %dma_start3A_357] : memref<10000x128xf32, #tpu.memory_space<vmem_shared>> -> memref<48x128xf32, #tpu.memory_space<vmem_shared>>
      %dma_start3A_359 = arith.constant 0 : i32
      %dma_start3A_360 = tpu.memref_slice %arg8[%add3A_265, %dma_start3A_359] : memref<10000x128xf32, #tpu.memory_space<vmem_shared>> -> memref<48x128xf32, #tpu.memory_space<vmem_shared>>
      tpu.enqueue_dma source(%arg7 : memref<48x128xf32, #tpu.memory_space<vmem>>) target(%dma_start3A_360 : memref<48x128xf32, #tpu.memory_space<vmem_shared>>) target_semaphore(%run_scoped3A : memref<!tpu.dma_semaphore, #tpu.memory_space<semaphore_mem>>)
      %dma_wait3A = arith.constant 0 : i32
      %dma_wait3A_361 = tpu.memref_slice %arg8[%add3A_265, %dma_wait3A] : memref<10000x128xf32, #tpu.memory_space<vmem_shared>> -> memref<48x128xf32, #tpu.memory_space<vmem_shared>>
      %dma_wait3A_362 = arith.constant 0 : i32
      %dma_wait3A_363 = tpu.memref_slice %arg8[%add3A_265, %dma_wait3A_362] : memref<10000x128xf32, #tpu.memory_space<vmem_shared>> -> memref<48x128xf32, #tpu.memory_space<vmem_shared>>
      tpu.wait_dma2 semaphore(%run_scoped3A : memref<!tpu.dma_semaphore, #tpu.memory_space<semaphore_mem>>) src(%arg7 : memref<48x128xf32, #tpu.memory_space<vmem>>) dst(%dma_wait3A_363 : memref<48x128xf32, #tpu.memory_space<vmem_shared>>)
      tpu.yield
    }) : () -> ()
    %mul3A_266 = arith.constant 624 : i32
    %mul3A_267 = arith.muli %arg1, %mul3A_266 : i32
    %add3A_268 = arith.constant 288 : i32
    %add3A_269 = arith.addi %mul3A_267, %add3A_268 : i32
    "tpu.region"() ({
      %run_scoped3A = tpu.sem_alloc : memref<!tpu.dma_semaphore, #tpu.memory_space<semaphore_mem>>
      %dma_start3A_357 = arith.constant 0 : i32
      %dma_start3A_358 = tpu.memref_slice %arg8[%add3A_269, %dma_start3A_357] : memref<10000x128xf32, #tpu.memory_space<vmem_shared>> -> memref<48x128xf32, #tpu.memory_space<vmem_shared>>
      %dma_start3A_359 = arith.constant 0 : i32
      %dma_start3A_360 = tpu.memref_slice %arg8[%add3A_269, %dma_start3A_359] : memref<10000x128xf32, #tpu.memory_space<vmem_shared>> -> memref<48x128xf32, #tpu.memory_space<vmem_shared>>
      tpu.enqueue_dma source(%arg7 : memref<48x128xf32, #tpu.memory_space<vmem>>) target(%dma_start3A_360 : memref<48x128xf32, #tpu.memory_space<vmem_shared>>) target_semaphore(%run_scoped3A : memref<!tpu.dma_semaphore, #tpu.memory_space<semaphore_mem>>)
      %dma_wait3A = arith.constant 0 : i32
      %dma_wait3A_361 = tpu.memref_slice %arg8[%add3A_269, %dma_wait3A] : memref<10000x128xf32, #tpu.memory_space<vmem_shared>> -> memref<48x128xf32, #tpu.memory_space<vmem_shared>>
      %dma_wait3A_362 = arith.constant 0 : i32
      %dma_wait3A_363 = tpu.memref_slice %arg8[%add3A_269, %dma_wait3A_362] : memref<10000x128xf32, #tpu.memory_space<vmem_shared>> -> memref<48x128xf32, #tpu.memory_space<vmem_shared>>
      tpu.wait_dma2 semaphore(%run_scoped3A : memref<!tpu.dma_semaphore, #tpu.memory_space<semaphore_mem>>) src(%arg7 : memref<48x128xf32, #tpu.memory_space<vmem>>) dst(%dma_wait3A_363 : memref<48x128xf32, #tpu.memory_space<vmem_shared>>)
      tpu.yield
    }) : () -> ()
    %mul3A_270 = arith.constant 624 : i32
    %mul3A_271 = arith.muli %arg1, %mul3A_270 : i32
    %add3A_272 = arith.constant 336 : i32
    %add3A_273 = arith.addi %mul3A_271, %add3A_272 : i32
    "tpu.region"() ({
      %run_scoped3A = tpu.sem_alloc : memref<!tpu.dma_semaphore, #tpu.memory_space<semaphore_mem>>
      %dma_start3A_357 = arith.constant 0 : i32
      %dma_start3A_358 = tpu.memref_slice %arg8[%add3A_273, %dma_start3A_357] : memref<10000x128xf32, #tpu.memory_space<vmem_shared>> -> memref<48x128xf32, #tpu.memory_space<vmem_shared>>
      %dma_start3A_359 = arith.constant 0 : i32
      %dma_start3A_360 = tpu.memref_slice %arg8[%add3A_273, %dma_start3A_359] : memref<10000x128xf32, #tpu.memory_space<vmem_shared>> -> memref<48x128xf32, #tpu.memory_space<vmem_shared>>
      tpu.enqueue_dma source(%arg7 : memref<48x128xf32, #tpu.memory_space<vmem>>) target(%dma_start3A_360 : memref<48x128xf32, #tpu.memory_space<vmem_shared>>) target_semaphore(%run_scoped3A : memref<!tpu.dma_semaphore, #tpu.memory_space<semaphore_mem>>)
      %dma_wait3A = arith.constant 0 : i32
      %dma_wait3A_361 = tpu.memref_slice %arg8[%add3A_273, %dma_wait3A] : memref<10000x128xf32, #tpu.memory_space<vmem_shared>> -> memref<48x128xf32, #tpu.memory_space<vmem_shared>>
      %dma_wait3A_362 = arith.constant 0 : i32
      %dma_wait3A_363 = tpu.memref_slice %arg8[%add3A_273, %dma_wait3A_362] : memref<10000x128xf32, #tpu.memory_space<vmem_shared>> -> memref<48x128xf32, #tpu.memory_space<vmem_shared>>
      tpu.wait_dma2 semaphore(%run_scoped3A : memref<!tpu.dma_semaphore, #tpu.memory_space<semaphore_mem>>) src(%arg7 : memref<48x128xf32, #tpu.memory_space<vmem>>) dst(%dma_wait3A_363 : memref<48x128xf32, #tpu.memory_space<vmem_shared>>)
      tpu.yield
    }) : () -> ()
    %mul3A_274 = arith.constant 624 : i32
    %mul3A_275 = arith.muli %arg1, %mul3A_274 : i32
    %add3A_276 = arith.constant 384 : i32
    %add3A_277 = arith.addi %mul3A_275, %add3A_276 : i32
    "tpu.region"() ({
      %run_scoped3A = tpu.sem_alloc : memref<!tpu.dma_semaphore, #tpu.memory_space<semaphore_mem>>
      %dma_start3A_357 = arith.constant 0 : i32
      %dma_start3A_358 = tpu.memref_slice %arg8[%add3A_277, %dma_start3A_357] : memref<10000x128xf32, #tpu.memory_space<vmem_shared>> -> memref<48x128xf32, #tpu.memory_space<vmem_shared>>
      %dma_start3A_359 = arith.constant 0 : i32
      %dma_start3A_360 = tpu.memref_slice %arg8[%add3A_277, %dma_start3A_359] : memref<10000x128xf32, #tpu.memory_space<vmem_shared>> -> memref<48x128xf32, #tpu.memory_space<vmem_shared>>
      tpu.enqueue_dma source(%arg7 : memref<48x128xf32, #tpu.memory_space<vmem>>) target(%dma_start3A_360 : memref<48x128xf32, #tpu.memory_space<vmem_shared>>) target_semaphore(%run_scoped3A : memref<!tpu.dma_semaphore, #tpu.memory_space<semaphore_mem>>)
      %dma_wait3A = arith.constant 0 : i32
      %dma_wait3A_361 = tpu.memref_slice %arg8[%add3A_277, %dma_wait3A] : memref<10000x128xf32, #tpu.memory_space<vmem_shared>> -> memref<48x128xf32, #tpu.memory_space<vmem_shared>>
      %dma_wait3A_362 = arith.constant 0 : i32
      %dma_wait3A_363 = tpu.memref_slice %arg8[%add3A_277, %dma_wait3A_362] : memref<10000x128xf32, #tpu.memory_space<vmem_shared>> -> memref<48x128xf32, #tpu.memory_space<vmem_shared>>
      tpu.wait_dma2 semaphore(%run_scoped3A : memref<!tpu.dma_semaphore, #tpu.memory_space<semaphore_mem>>) src(%arg7 : memref<48x128xf32, #tpu.memory_space<vmem>>) dst(%dma_wait3A_363 : memref<48x128xf32, #tpu.memory_space<vmem_shared>>)
      tpu.yield
    }) : () -> ()
    %mul3A_278 = arith.constant 624 : i32
    %mul3A_279 = arith.muli %arg1, %mul3A_278 : i32
    %add3A_280 = arith.constant 432 : i32
    %add3A_281 = arith.addi %mul3A_279, %add3A_280 : i32
    "tpu.region"() ({
      %run_scoped3A = tpu.sem_alloc : memref<!tpu.dma_semaphore, #tpu.memory_space<semaphore_mem>>
      %dma_start3A_357 = arith.constant 0 : i32
      %dma_start3A_358 = tpu.memref_slice %arg8[%add3A_281, %dma_start3A_357] : memref<10000x128xf32, #tpu.memory_space<vmem_shared>> -> memref<48x128xf32, #tpu.memory_space<vmem_shared>>
      %dma_start3A_359 = arith.constant 0 : i32
      %dma_start3A_360 = tpu.memref_slice %arg8[%add3A_281, %dma_start3A_359] : memref<10000x128xf32, #tpu.memory_space<vmem_shared>> -> memref<48x128xf32, #tpu.memory_space<vmem_shared>>
      tpu.enqueue_dma source(%arg7 : memref<48x128xf32, #tpu.memory_space<vmem>>) target(%dma_start3A_360 : memref<48x128xf32, #tpu.memory_space<vmem_shared>>) target_semaphore(%run_scoped3A : memref<!tpu.dma_semaphore, #tpu.memory_space<semaphore_mem>>)
      %dma_wait3A = arith.constant 0 : i32
      %dma_wait3A_361 = tpu.memref_slice %arg8[%add3A_281, %dma_wait3A] : memref<10000x128xf32, #tpu.memory_space<vmem_shared>> -> memref<48x128xf32, #tpu.memory_space<vmem_shared>>
      %dma_wait3A_362 = arith.constant 0 : i32
      %dma_wait3A_363 = tpu.memref_slice %arg8[%add3A_281, %dma_wait3A_362] : memref<10000x128xf32, #tpu.memory_space<vmem_shared>> -> memref<48x128xf32, #tpu.memory_space<vmem_shared>>
      tpu.wait_dma2 semaphore(%run_scoped3A : memref<!tpu.dma_semaphore, #tpu.memory_space<semaphore_mem>>) src(%arg7 : memref<48x128xf32, #tpu.memory_space<vmem>>) dst(%dma_wait3A_363 : memref<48x128xf32, #tpu.memory_space<vmem_shared>>)
      tpu.yield
    }) : () -> ()
    %mul3A_282 = arith.constant 624 : i32
    %mul3A_283 = arith.muli %arg1, %mul3A_282 : i32
    %add3A_284 = arith.constant 480 : i32
    %add3A_285 = arith.addi %mul3A_283, %add3A_284 : i32
    "tpu.region"() ({
      %run_scoped3A = tpu.sem_alloc : memref<!tpu.dma_semaphore, #tpu.memory_space<semaphore_mem>>
      %dma_start3A_357 = arith.constant 0 : i32
      %dma_start3A_358 = tpu.memref_slice %arg8[%add3A_285, %dma_start3A_357] : memref<10000x128xf32, #tpu.memory_space<vmem_shared>> -> memref<48x128xf32, #tpu.memory_space<vmem_shared>>
      %dma_start3A_359 = arith.constant 0 : i32
      %dma_start3A_360 = tpu.memref_slice %arg8[%add3A_285, %dma_start3A_359] : memref<10000x128xf32, #tpu.memory_space<vmem_shared>> -> memref<48x128xf32, #tpu.memory_space<vmem_shared>>
      tpu.enqueue_dma source(%arg7 : memref<48x128xf32, #tpu.memory_space<vmem>>) target(%dma_start3A_360 : memref<48x128xf32, #tpu.memory_space<vmem_shared>>) target_semaphore(%run_scoped3A : memref<!tpu.dma_semaphore, #tpu.memory_space<semaphore_mem>>)
      %dma_wait3A = arith.constant 0 : i32
      %dma_wait3A_361 = tpu.memref_slice %arg8[%add3A_285, %dma_wait3A] : memref<10000x128xf32, #tpu.memory_space<vmem_shared>> -> memref<48x128xf32, #tpu.memory_space<vmem_shared>>
      %dma_wait3A_362 = arith.constant 0 : i32
      %dma_wait3A_363 = tpu.memref_slice %arg8[%add3A_285, %dma_wait3A_362] : memref<10000x128xf32, #tpu.memory_space<vmem_shared>> -> memref<48x128xf32, #tpu.memory_space<vmem_shared>>
      tpu.wait_dma2 semaphore(%run_scoped3A : memref<!tpu.dma_semaphore, #tpu.memory_space<semaphore_mem>>) src(%arg7 : memref<48x128xf32, #tpu.memory_space<vmem>>) dst(%dma_wait3A_363 : memref<48x128xf32, #tpu.memory_space<vmem_shared>>)
      tpu.yield
    }) : () -> ()
    %mul3A_286 = arith.constant 624 : i32
    %mul3A_287 = arith.muli %arg1, %mul3A_286 : i32
    %add3A_288 = arith.constant 528 : i32
    %add3A_289 = arith.addi %mul3A_287, %add3A_288 : i32
    "tpu.region"() ({
      %run_scoped3A = tpu.sem_alloc : memref<!tpu.dma_semaphore, #tpu.memory_space<semaphore_mem>>
      %dma_start3A_357 = arith.constant 0 : i32
      %dma_start3A_358 = tpu.memref_slice %arg8[%add3A_289, %dma_start3A_357] : memref<10000x128xf32, #tpu.memory_space<vmem_shared>> -> memref<48x128xf32, #tpu.memory_space<vmem_shared>>
      %dma_start3A_359 = arith.constant 0 : i32
      %dma_start3A_360 = tpu.memref_slice %arg8[%add3A_289, %dma_start3A_359] : memref<10000x128xf32, #tpu.memory_space<vmem_shared>> -> memref<48x128xf32, #tpu.memory_space<vmem_shared>>
      tpu.enqueue_dma source(%arg7 : memref<48x128xf32, #tpu.memory_space<vmem>>) target(%dma_start3A_360 : memref<48x128xf32, #tpu.memory_space<vmem_shared>>) target_semaphore(%run_scoped3A : memref<!tpu.dma_semaphore, #tpu.memory_space<semaphore_mem>>)
      %dma_wait3A = arith.constant 0 : i32
      %dma_wait3A_361 = tpu.memref_slice %arg8[%add3A_289, %dma_wait3A] : memref<10000x128xf32, #tpu.memory_space<vmem_shared>> -> memref<48x128xf32, #tpu.memory_space<vmem_shared>>
      %dma_wait3A_362 = arith.constant 0 : i32
      %dma_wait3A_363 = tpu.memref_slice %arg8[%add3A_289, %dma_wait3A_362] : memref<10000x128xf32, #tpu.memory_space<vmem_shared>> -> memref<48x128xf32, #tpu.memory_space<vmem_shared>>
      tpu.wait_dma2 semaphore(%run_scoped3A : memref<!tpu.dma_semaphore, #tpu.memory_space<semaphore_mem>>) src(%arg7 : memref<48x128xf32, #tpu.memory_space<vmem>>) dst(%dma_wait3A_363 : memref<48x128xf32, #tpu.memory_space<vmem_shared>>)
      tpu.yield
    }) : () -> ()
    %mul3A_290 = arith.constant 624 : i32
    %mul3A_291 = arith.muli %arg1, %mul3A_290 : i32
    %add3A_292 = arith.constant 576 : i32
    %add3A_293 = arith.addi %mul3A_291, %add3A_292 : i32
    "tpu.region"() ({
      %run_scoped3A = tpu.sem_alloc : memref<!tpu.dma_semaphore, #tpu.memory_space<semaphore_mem>>
      %dma_start3A_357 = arith.constant 0 : i32
      %dma_start3A_358 = tpu.memref_slice %arg8[%add3A_293, %dma_start3A_357] : memref<10000x128xf32, #tpu.memory_space<vmem_shared>> -> memref<48x128xf32, #tpu.memory_space<vmem_shared>>
      %dma_start3A_359 = arith.constant 0 : i32
      %dma_start3A_360 = tpu.memref_slice %arg8[%add3A_293, %dma_start3A_359] : memref<10000x128xf32, #tpu.memory_space<vmem_shared>> -> memref<48x128xf32, #tpu.memory_space<vmem_shared>>
      tpu.enqueue_dma source(%arg7 : memref<48x128xf32, #tpu.memory_space<vmem>>) target(%dma_start3A_360 : memref<48x128xf32, #tpu.memory_space<vmem_shared>>) target_semaphore(%run_scoped3A : memref<!tpu.dma_semaphore, #tpu.memory_space<semaphore_mem>>)
      %dma_wait3A = arith.constant 0 : i32
      %dma_wait3A_361 = tpu.memref_slice %arg8[%add3A_293, %dma_wait3A] : memref<10000x128xf32, #tpu.memory_space<vmem_shared>> -> memref<48x128xf32, #tpu.memory_space<vmem_shared>>
      %dma_wait3A_362 = arith.constant 0 : i32
      %dma_wait3A_363 = tpu.memref_slice %arg8[%add3A_293, %dma_wait3A_362] : memref<10000x128xf32, #tpu.memory_space<vmem_shared>> -> memref<48x128xf32, #tpu.memory_space<vmem_shared>>
      tpu.wait_dma2 semaphore(%run_scoped3A : memref<!tpu.dma_semaphore, #tpu.memory_space<semaphore_mem>>) src(%arg7 : memref<48x128xf32, #tpu.memory_space<vmem>>) dst(%dma_wait3A_363 : memref<48x128xf32, #tpu.memory_space<vmem_shared>>)
      tpu.yield
    }) : () -> ()
    %eq3A_294 = arith.constant 0 : i32
    %eq3A_295 = arith.cmpi eq, %arg1, %eq3A_294 : i32
    %convert_element_type3A_296 = arith.extui %eq3A_295 : i1 to i32
    %cond3A_297 = arith.constant 0 : i32
    %cond3A_298 = arith.cmpi ne, %convert_element_type3A_296, %cond3A_297 : i32
    scf.if %cond3A_298 {
      "tpu.region"() ({
        %run_scoped3A = tpu.sem_alloc : memref<!tpu.dma_semaphore, #tpu.memory_space<semaphore_mem>>
        %dma_start3A_357 = arith.constant 0 : i32
        %dma_start3A_358 = arith.constant 0 : i32
        %dma_start3A_359 = tpu.memref_slice %arg7[%dma_start3A_357, %dma_start3A_358] : memref<48x128xf32, #tpu.memory_space<vmem>> -> memref<16x128xf32, #tpu.memory_space<vmem>>
        %dma_start3A_360 = arith.constant 9984 : i32
        %dma_start3A_361 = arith.constant 0 : i32
        %dma_start3A_362 = tpu.memref_slice %arg8[%dma_start3A_360, %dma_start3A_361] : memref<10000x128xf32, #tpu.memory_space<vmem_shared>> -> memref<16x128xf32, #tpu.memory_space<vmem_shared>>
        %dma_start3A_363 = arith.constant 9984 : i32
        %dma_start3A_364 = arith.constant 0 : i32
        %dma_start3A_365 = tpu.memref_slice %arg8[%dma_start3A_363, %dma_start3A_364] : memref<10000x128xf32, #tpu.memory_space<vmem_shared>> -> memref<16x128xf32, #tpu.memory_space<vmem_shared>>
        %dma_start3A_366 = arith.constant 0 : i32
        %dma_start3A_367 = arith.constant 0 : i32
        %dma_start3A_368 = tpu.memref_slice %arg7[%dma_start3A_366, %dma_start3A_367] : memref<48x128xf32, #tpu.memory_space<vmem>> -> memref<16x128xf32, #tpu.memory_space<vmem>>
        tpu.enqueue_dma source(%dma_start3A_368 : memref<16x128xf32, #tpu.memory_space<vmem>>) target(%dma_start3A_365 : memref<16x128xf32, #tpu.memory_space<vmem_shared>>) target_semaphore(%run_scoped3A : memref<!tpu.dma_semaphore, #tpu.memory_space<semaphore_mem>>)
        %dma_wait3A = arith.constant 0 : i32
        %dma_wait3A_369 = arith.constant 0 : i32
        %dma_wait3A_370 = tpu.memref_slice %arg7[%dma_wait3A, %dma_wait3A_369] : memref<48x128xf32, #tpu.memory_space<vmem>> -> memref<16x128xf32, #tpu.memory_space<vmem>>
        %dma_wait3A_371 = arith.constant 9984 : i32
        %dma_wait3A_372 = arith.constant 0 : i32
        %dma_wait3A_373 = tpu.memref_slice %arg8[%dma_wait3A_371, %dma_wait3A_372] : memref<10000x128xf32, #tpu.memory_space<vmem_shared>> -> memref<16x128xf32, #tpu.memory_space<vmem_shared>>
        %dma_wait3A_374 = arith.constant 9984 : i32
        %dma_wait3A_375 = arith.constant 0 : i32
        %dma_wait3A_376 = tpu.memref_slice %arg8[%dma_wait3A_374, %dma_wait3A_375] : memref<10000x128xf32, #tpu.memory_space<vmem_shared>> -> memref<16x128xf32, #tpu.memory_space<vmem_shared>>
        %dma_wait3A_377 = arith.constant 0 : i32
        %dma_wait3A_378 = arith.constant 0 : i32
        %dma_wait3A_379 = tpu.memref_slice %arg7[%dma_wait3A_377, %dma_wait3A_378] : memref<48x128xf32, #tpu.memory_space<vmem>> -> memref<16x128xf32, #tpu.memory_space<vmem>>
        tpu.wait_dma2 semaphore(%run_scoped3A : memref<!tpu.dma_semaphore, #tpu.memory_space<semaphore_mem>>) src(%dma_wait3A_379 : memref<16x128xf32, #tpu.memory_space<vmem>>) dst(%dma_wait3A_376 : memref<16x128xf32, #tpu.memory_space<vmem_shared>>)
        tpu.yield
      }) : () -> ()
    } else {
    }
    %barrier3A_299 = arith.constant 0 : index
    tpu.barrier barrier_id(%barrier3A_299)
    %add3A_300 = arith.addi %mul3A_0, %mul3A_241 : i32
    %add3A_301 = arith.constant 0 : i32
    %add3A_302 = arith.addi %add3A_300, %add3A_301 : i32
    %mul3A_303 = arith.constant 128 : i32
    %mul3A_304 = arith.muli %add3A_302, %mul3A_303 : i32
    %dma_start3A_305 = arith.constant 4 : i32
    %dma_start3A_306 = arith.constant 0 : i32
    %dma_start3A_307 = arith.constant 0 : i32
    %dma_start3A_308 = arith.constant 0 : i32
    %dma_start3A_309 = tpu.memref_slice %arg6[%dma_start3A_306, %dma_start3A_307, %dma_start3A_308] : memref<2x128x128xf32, #tpu.memory_space<vmem>> -> memref<1x128x128xf32, #tpu.memory_space<vmem>>
    %dma_start3A_310 = tpu.memref_squeeze %dma_start3A_309 : memref<1x128x128xf32, #tpu.memory_space<vmem>> -> memref<128x128xf32, #tpu.memory_space<vmem>>
    %dma_start3A_311 = arith.constant 0 : i32
    %dma_start3A_312 = tpu.memref_slice %arg2[%dma_start3A_305, %mul3A_304, %dma_start3A_311] : memref<5x163840x128xf32, #tpu.memory_space<hbm>> -> memref<1x128x128xf32, #tpu.memory_space<hbm>>
    %dma_start3A_313 = tpu.memref_squeeze %dma_start3A_312 : memref<1x128x128xf32, #tpu.memory_space<hbm>> -> memref<128x128xf32, #tpu.memory_space<hbm>>
    %dma_start3A_314 = arith.constant 0 : i32
    %dma_start3A_315 = arith.constant 0 : i32
    %dma_start3A_316 = tpu.memref_slice %arg6[%dma_start3A_306, %dma_start3A_314, %dma_start3A_315] : memref<2x128x128xf32, #tpu.memory_space<vmem>> -> memref<1x128x128xf32, #tpu.memory_space<vmem>>
    %dma_start3A_317 = tpu.memref_squeeze %dma_start3A_316 : memref<1x128x128xf32, #tpu.memory_space<vmem>> -> memref<128x128xf32, #tpu.memory_space<vmem>>
    %dma_start3A_318 = arith.constant 0 : i32
    %dma_start3A_319 = tpu.memref_slice %arg2[%dma_start3A_305, %mul3A_304, %dma_start3A_318] : memref<5x163840x128xf32, #tpu.memory_space<hbm>> -> memref<1x128x128xf32, #tpu.memory_space<hbm>>
    %dma_start3A_320 = tpu.memref_squeeze %dma_start3A_319 : memref<1x128x128xf32, #tpu.memory_space<hbm>> -> memref<128x128xf32, #tpu.memory_space<hbm>>
    tpu.enqueue_dma source(%dma_start3A_320 : memref<128x128xf32, #tpu.memory_space<hbm>>) target(%dma_start3A_317 : memref<128x128xf32, #tpu.memory_space<vmem>>) target_semaphore(%arg9 : memref<!tpu.dma_semaphore, #tpu.memory_space<semaphore_mem>>)
    %add3A_321 = arith.addi %mul3A_0, %mul3A_241 : i32
    %add3A_322 = arith.constant 1 : i32
    %add3A_323 = arith.addi %add3A_321, %add3A_322 : i32
    %mul3A_324 = arith.constant 128 : i32
    %mul3A_325 = arith.muli %add3A_323, %mul3A_324 : i32
    %dma_start3A_326 = arith.constant 4 : i32
    %dma_start3A_327 = arith.constant 1 : i32
    %dma_start3A_328 = arith.constant 0 : i32
    %dma_start3A_329 = arith.constant 0 : i32
    %dma_start3A_330 = tpu.memref_slice %arg6[%dma_start3A_327, %dma_start3A_328, %dma_start3A_329] : memref<2x128x128xf32, #tpu.memory_space<vmem>> -> memref<1x128x128xf32, #tpu.memory_space<vmem>>
    %dma_start3A_331 = tpu.memref_squeeze %dma_start3A_330 : memref<1x128x128xf32, #tpu.memory_space<vmem>> -> memref<128x128xf32, #tpu.memory_space<vmem>>
    %dma_start3A_332 = arith.constant 0 : i32
    %dma_start3A_333 = tpu.memref_slice %arg2[%dma_start3A_326, %mul3A_325, %dma_start3A_332] : memref<5x163840x128xf32, #tpu.memory_space<hbm>> -> memref<1x128x128xf32, #tpu.memory_space<hbm>>
    %dma_start3A_334 = tpu.memref_squeeze %dma_start3A_333 : memref<1x128x128xf32, #tpu.memory_space<hbm>> -> memref<128x128xf32, #tpu.memory_space<hbm>>
    %dma_start3A_335 = arith.constant 0 : i32
    %dma_start3A_336 = arith.constant 0 : i32
    %dma_start3A_337 = tpu.memref_slice %arg6[%dma_start3A_327, %dma_start3A_335, %dma_start3A_336] : memref<2x128x128xf32, #tpu.memory_space<vmem>> -> memref<1x128x128xf32, #tpu.memory_space<vmem>>
    %dma_start3A_338 = tpu.memref_squeeze %dma_start3A_337 : memref<1x128x128xf32, #tpu.memory_space<vmem>> -> memref<128x128xf32, #tpu.memory_space<vmem>>
    %dma_start3A_339 = arith.constant 0 : i32
    %dma_start3A_340 = tpu.memref_slice %arg2[%dma_start3A_326, %mul3A_325, %dma_start3A_339] : memref<5x163840x128xf32, #tpu.memory_space<hbm>> -> memref<1x128x128xf32, #tpu.memory_space<hbm>>
    %dma_start3A_341 = tpu.memref_squeeze %dma_start3A_340 : memref<1x128x128xf32, #tpu.memory_space<hbm>> -> memref<128x128xf32, #tpu.memory_space<hbm>>
    tpu.enqueue_dma source(%dma_start3A_341 : memref<128x128xf32, #tpu.memory_space<hbm>>) target(%dma_start3A_338 : memref<128x128xf32, #tpu.memory_space<vmem>>) target_semaphore(%arg10 : memref<!tpu.dma_semaphore, #tpu.memory_space<semaphore_mem>>)
    %scan3A_342 = arith.constant 0 : i32
    %scan3A_343 = arith.constant 0 : i32
    %scan3A_344 = arith.constant 20 : i32
    %scan3A_345 = arith.addi %scan3A_343, %scan3A_344 : i32
    %scan3A_346 = arith.constant 1 : i32
    scf.for %scan3A_357 = %scan3A_343 to %scan3A_345 step %scan3A_346  : i32 {
      %mul3A_358 = arith.constant 2 : i32
      %mul3A_359 = arith.muli %scan3A_357, %mul3A_358 : i32
      %add3A_360 = arith.addi %mul3A_241, %mul3A_359 : i32
      %add3A_361 = arith.constant 0 : i32
      %add3A_362 = arith.addi %add3A_360, %add3A_361 : i32
      %add3A_363 = arith.addi %mul3A_0, %add3A_362 : i32
      %mul3A_364 = arith.constant 128 : i32
      %mul3A_365 = arith.muli %add3A_363, %mul3A_364 : i32
      %dma_wait3A = arith.constant 4 : i32
      %dma_wait3A_366 = arith.constant 0 : i32
      %dma_wait3A_367 = arith.constant 0 : i32
      %dma_wait3A_368 = arith.constant 0 : i32
      %dma_wait3A_369 = tpu.memref_slice %arg6[%dma_wait3A_366, %dma_wait3A_367, %dma_wait3A_368] : memref<2x128x128xf32, #tpu.memory_space<vmem>> -> memref<1x128x128xf32, #tpu.memory_space<vmem>>
      %dma_wait3A_370 = tpu.memref_squeeze %dma_wait3A_369 : memref<1x128x128xf32, #tpu.memory_space<vmem>> -> memref<128x128xf32, #tpu.memory_space<vmem>>
      %dma_wait3A_371 = arith.constant 0 : i32
      %dma_wait3A_372 = tpu.memref_slice %arg2[%dma_wait3A, %mul3A_365, %dma_wait3A_371] : memref<5x163840x128xf32, #tpu.memory_space<hbm>> -> memref<1x128x128xf32, #tpu.memory_space<hbm>>
      %dma_wait3A_373 = tpu.memref_squeeze %dma_wait3A_372 : memref<1x128x128xf32, #tpu.memory_space<hbm>> -> memref<128x128xf32, #tpu.memory_space<hbm>>
      %dma_wait3A_374 = arith.constant 0 : i32
      %dma_wait3A_375 = arith.constant 0 : i32
      %dma_wait3A_376 = tpu.memref_slice %arg6[%dma_wait3A_366, %dma_wait3A_374, %dma_wait3A_375] : memref<2x128x128xf32, #tpu.memory_space<vmem>> -> memref<1x128x128xf32, #tpu.memory_space<vmem>>
      %dma_wait3A_377 = tpu.memref_squeeze %dma_wait3A_376 : memref<1x128x128xf32, #tpu.memory_space<vmem>> -> memref<128x128xf32, #tpu.memory_space<vmem>>
      %dma_wait3A_378 = arith.constant 0 : i32
      %dma_wait3A_379 = tpu.memref_slice %arg2[%dma_wait3A, %mul3A_365, %dma_wait3A_378] : memref<5x163840x128xf32, #tpu.memory_space<hbm>> -> memref<1x128x128xf32, #tpu.memory_space<hbm>>
      %dma_wait3A_380 = tpu.memref_squeeze %dma_wait3A_379 : memref<1x128x128xf32, #tpu.memory_space<hbm>> -> memref<128x128xf32, #tpu.memory_space<hbm>>
      tpu.wait_dma2 semaphore(%arg9 : memref<!tpu.dma_semaphore, #tpu.memory_space<semaphore_mem>>) src(%dma_wait3A_380 : memref<128x128xf32, #tpu.memory_space<hbm>>) dst(%dma_wait3A_377 : memref<128x128xf32, #tpu.memory_space<vmem>>)
      %run_scoped3A = arith.constant 0 : i32
      %run_scoped3A_381 = arith.constant 0 : i32
      "tpu.region"() ({
        %run_scoped3A_417 = tpu.sem_alloc : memref<!tpu.dma_semaphore, #tpu.memory_space<semaphore_mem>>
        %dma_start3A_418 = arith.constant 0 : i32
        %dma_start3A_419 = arith.constant 0 : i32
        %dma_start3A_420 = tpu.memref_slice %arg6[%run_scoped3A, %dma_start3A_418, %dma_start3A_419] : memref<2x128x128xf32, #tpu.memory_space<vmem>> -> memref<1x128x128xf32, #tpu.memory_space<vmem>>
        %dma_start3A_421 = tpu.memref_squeeze %dma_start3A_420 : memref<1x128x128xf32, #tpu.memory_space<vmem>> -> memref<128x128xf32, #tpu.memory_space<vmem>>
        %dma_start3A_422 = arith.constant 0 : i32
        %dma_start3A_423 = tpu.memref_slice %arg5[%add3A_362, %run_scoped3A_381, %dma_start3A_422] : memref<80x1x128xi32, #tpu.memory_space<vmem>> -> memref<1x1x128xi32, #tpu.memory_space<vmem>>
        %dma_start3A_424 = tpu.memref_squeeze %dma_start3A_423 : memref<1x1x128xi32, #tpu.memory_space<vmem>> -> memref<128xi32, #tpu.memory_space<vmem>>
        %dma_start3A_425 = arith.constant 0 : i32
        %dma_start3A_426 = arith.constant 0 : i32
        %dma_start3A_427 = tpu.memref_slice %arg8[%dma_start3A_425, %dma_start3A_426] : memref<10000x128xf32, #tpu.memory_space<vmem_shared>> -> memref<10000x128xf32, #tpu.memory_space<vmem_shared>>
        tpu.enqueue_indirect_dma source(%dma_start3A_421 : memref<128x128xf32, #tpu.memory_space<vmem>>) target(%dma_start3A_427 : memref<10000x128xf32, #tpu.memory_space<vmem_shared>>) offsets(%dma_start3A_424 : memref<128xi32, #tpu.memory_space<vmem>>) semaphore(%run_scoped3A_417 : memref<!tpu.dma_semaphore, #tpu.memory_space<semaphore_mem>>) {add = true}
        %dma_wait3A_428 = arith.constant 0 : i32
        %dma_wait3A_429 = arith.constant 0 : i32
        %dma_wait3A_430 = tpu.memref_slice %arg6[%run_scoped3A, %dma_wait3A_428, %dma_wait3A_429] : memref<2x128x128xf32, #tpu.memory_space<vmem>> -> memref<1x128x128xf32, #tpu.memory_space<vmem>>
        %dma_wait3A_431 = tpu.memref_squeeze %dma_wait3A_430 : memref<1x128x128xf32, #tpu.memory_space<vmem>> -> memref<128x128xf32, #tpu.memory_space<vmem>>
        %dma_wait3A_432 = arith.constant 0 : i32
        %dma_wait3A_433 = tpu.memref_slice %arg5[%add3A_362, %run_scoped3A_381, %dma_wait3A_432] : memref<80x1x128xi32, #tpu.memory_space<vmem>> -> memref<1x1x128xi32, #tpu.memory_space<vmem>>
        %dma_wait3A_434 = tpu.memref_squeeze %dma_wait3A_433 : memref<1x1x128xi32, #tpu.memory_space<vmem>> -> memref<128xi32, #tpu.memory_space<vmem>>
        %dma_wait3A_435 = arith.constant 0 : i32
        %dma_wait3A_436 = arith.constant 0 : i32
        %dma_wait3A_437 = tpu.memref_slice %arg8[%dma_wait3A_435, %dma_wait3A_436] : memref<10000x128xf32, #tpu.memory_space<vmem_shared>> -> memref<10000x128xf32, #tpu.memory_space<vmem_shared>>
        tpu.wait_indirect_dma semaphore(%run_scoped3A_417 : memref<!tpu.dma_semaphore, #tpu.memory_space<semaphore_mem>>) src(%dma_wait3A_431 : memref<128x128xf32, #tpu.memory_space<vmem>>) dst(%dma_wait3A_437 : memref<10000x128xf32, #tpu.memory_space<vmem_shared>>)
        tpu.yield
      }) : () -> ()
      %lt3A = arith.constant 19 : i32
      %lt3A_382 = arith.cmpi slt, %scan3A_357, %lt3A : i32
      %convert_element_type3A_383 = arith.extui %lt3A_382 : i1 to i32
      %cond3A_384 = arith.constant 0 : i32
      %cond3A_385 = arith.cmpi ne, %convert_element_type3A_383, %cond3A_384 : i32
      scf.if %cond3A_385 {
        %add3A_417 = arith.addi %mul3A_0, %add3A_362 : i32
        %add3A_418 = arith.constant 2 : i32
        %add3A_419 = arith.addi %add3A_417, %add3A_418 : i32
        %mul3A_420 = arith.constant 128 : i32
        %mul3A_421 = arith.muli %add3A_419, %mul3A_420 : i32
        %dma_start3A_422 = arith.constant 4 : i32
        %dma_start3A_423 = arith.constant 0 : i32
        %dma_start3A_424 = arith.constant 0 : i32
        %dma_start3A_425 = arith.constant 0 : i32
        %dma_start3A_426 = tpu.memref_slice %arg6[%dma_start3A_423, %dma_start3A_424, %dma_start3A_425] : memref<2x128x128xf32, #tpu.memory_space<vmem>> -> memref<1x128x128xf32, #tpu.memory_space<vmem>>
        %dma_start3A_427 = tpu.memref_squeeze %dma_start3A_426 : memref<1x128x128xf32, #tpu.memory_space<vmem>> -> memref<128x128xf32, #tpu.memory_space<vmem>>
        %dma_start3A_428 = arith.constant 0 : i32
        %dma_start3A_429 = tpu.memref_slice %arg2[%dma_start3A_422, %mul3A_421, %dma_start3A_428] : memref<5x163840x128xf32, #tpu.memory_space<hbm>> -> memref<1x128x128xf32, #tpu.memory_space<hbm>>
        %dma_start3A_430 = tpu.memref_squeeze %dma_start3A_429 : memref<1x128x128xf32, #tpu.memory_space<hbm>> -> memref<128x128xf32, #tpu.memory_space<hbm>>
        %dma_start3A_431 = arith.constant 0 : i32
        %dma_start3A_432 = arith.constant 0 : i32
        %dma_start3A_433 = tpu.memref_slice %arg6[%dma_start3A_423, %dma_start3A_431, %dma_start3A_432] : memref<2x128x128xf32, #tpu.memory_space<vmem>> -> memref<1x128x128xf32, #tpu.memory_space<vmem>>
        %dma_start3A_434 = tpu.memref_squeeze %dma_start3A_433 : memref<1x128x128xf32, #tpu.memory_space<vmem>> -> memref<128x128xf32, #tpu.memory_space<vmem>>
        %dma_start3A_435 = arith.constant 0 : i32
        %dma_start3A_436 = tpu.memref_slice %arg2[%dma_start3A_422, %mul3A_421, %dma_start3A_435] : memref<5x163840x128xf32, #tpu.memory_space<hbm>> -> memref<1x128x128xf32, #tpu.memory_space<hbm>>
        %dma_start3A_437 = tpu.memref_squeeze %dma_start3A_436 : memref<1x128x128xf32, #tpu.memory_space<hbm>> -> memref<128x128xf32, #tpu.memory_space<hbm>>
        tpu.enqueue_dma source(%dma_start3A_437 : memref<128x128xf32, #tpu.memory_space<hbm>>) target(%dma_start3A_434 : memref<128x128xf32, #tpu.memory_space<vmem>>) target_semaphore(%arg9 : memref<!tpu.dma_semaphore, #tpu.memory_space<semaphore_mem>>)
      } else {
      }
      %mul3A_386 = arith.constant 2 : i32
      %mul3A_387 = arith.muli %scan3A_357, %mul3A_386 : i32
      %add3A_388 = arith.addi %mul3A_241, %mul3A_387 : i32
      %add3A_389 = arith.constant 1 : i32
      %add3A_390 = arith.addi %add3A_388, %add3A_389 : i32
      %add3A_391 = arith.addi %mul3A_0, %add3A_390 : i32
      %mul3A_392 = arith.constant 128 : i32
      %mul3A_393 = arith.muli %add3A_391, %mul3A_392 : i32
      %dma_wait3A_394 = arith.constant 4 : i32
      %dma_wait3A_395 = arith.constant 1 : i32
      %dma_wait3A_396 = arith.constant 0 : i32
      %dma_wait3A_397 = arith.constant 0 : i32
      %dma_wait3A_398 = tpu.memref_slice %arg6[%dma_wait3A_395, %dma_wait3A_396, %dma_wait3A_397] : memref<2x128x128xf32, #tpu.memory_space<vmem>> -> memref<1x128x128xf32, #tpu.memory_space<vmem>>
      %dma_wait3A_399 = tpu.memref_squeeze %dma_wait3A_398 : memref<1x128x128xf32, #tpu.memory_space<vmem>> -> memref<128x128xf32, #tpu.memory_space<vmem>>
      %dma_wait3A_400 = arith.constant 0 : i32
      %dma_wait3A_401 = tpu.memref_slice %arg2[%dma_wait3A_394, %mul3A_393, %dma_wait3A_400] : memref<5x163840x128xf32, #tpu.memory_space<hbm>> -> memref<1x128x128xf32, #tpu.memory_space<hbm>>
      %dma_wait3A_402 = tpu.memref_squeeze %dma_wait3A_401 : memref<1x128x128xf32, #tpu.memory_space<hbm>> -> memref<128x128xf32, #tpu.memory_space<hbm>>
      %dma_wait3A_403 = arith.constant 0 : i32
      %dma_wait3A_404 = arith.constant 0 : i32
      %dma_wait3A_405 = tpu.memref_slice %arg6[%dma_wait3A_395, %dma_wait3A_403, %dma_wait3A_404] : memref<2x128x128xf32, #tpu.memory_space<vmem>> -> memref<1x128x128xf32, #tpu.memory_space<vmem>>
      %dma_wait3A_406 = tpu.memref_squeeze %dma_wait3A_405 : memref<1x128x128xf32, #tpu.memory_space<vmem>> -> memref<128x128xf32, #tpu.memory_space<vmem>>
      %dma_wait3A_407 = arith.constant 0 : i32
      %dma_wait3A_408 = tpu.memref_slice %arg2[%dma_wait3A_394, %mul3A_393, %dma_wait3A_407] : memref<5x163840x128xf32, #tpu.memory_space<hbm>> -> memref<1x128x128xf32, #tpu.memory_space<hbm>>
      %dma_wait3A_409 = tpu.memref_squeeze %dma_wait3A_408 : memref<1x128x128xf32, #tpu.memory_space<hbm>> -> memref<128x128xf32, #tpu.memory_space<hbm>>
      tpu.wait_dma2 semaphore(%arg10 : memref<!tpu.dma_semaphore, #tpu.memory_space<semaphore_mem>>) src(%dma_wait3A_409 : memref<128x128xf32, #tpu.memory_space<hbm>>) dst(%dma_wait3A_406 : memref<128x128xf32, #tpu.memory_space<vmem>>)
      %run_scoped3A_410 = arith.constant 1 : i32
      %run_scoped3A_411 = arith.constant 0 : i32
      "tpu.region"() ({
        %run_scoped3A_417 = tpu.sem_alloc : memref<!tpu.dma_semaphore, #tpu.memory_space<semaphore_mem>>
        %dma_start3A_418 = arith.constant 0 : i32
        %dma_start3A_419 = arith.constant 0 : i32
        %dma_start3A_420 = tpu.memref_slice %arg6[%run_scoped3A_410, %dma_start3A_418, %dma_start3A_419] : memref<2x128x128xf32, #tpu.memory_space<vmem>> -> memref<1x128x128xf32, #tpu.memory_space<vmem>>
        %dma_start3A_421 = tpu.memref_squeeze %dma_start3A_420 : memref<1x128x128xf32, #tpu.memory_space<vmem>> -> memref<128x128xf32, #tpu.memory_space<vmem>>
        %dma_start3A_422 = arith.constant 0 : i32
        %dma_start3A_423 = tpu.memref_slice %arg5[%add3A_390, %run_scoped3A_411, %dma_start3A_422] : memref<80x1x128xi32, #tpu.memory_space<vmem>> -> memref<1x1x128xi32, #tpu.memory_space<vmem>>
        %dma_start3A_424 = tpu.memref_squeeze %dma_start3A_423 : memref<1x1x128xi32, #tpu.memory_space<vmem>> -> memref<128xi32, #tpu.memory_space<vmem>>
        %dma_start3A_425 = arith.constant 0 : i32
        %dma_start3A_426 = arith.constant 0 : i32
        %dma_start3A_427 = tpu.memref_slice %arg8[%dma_start3A_425, %dma_start3A_426] : memref<10000x128xf32, #tpu.memory_space<vmem_shared>> -> memref<10000x128xf32, #tpu.memory_space<vmem_shared>>
        tpu.enqueue_indirect_dma source(%dma_start3A_421 : memref<128x128xf32, #tpu.memory_space<vmem>>) target(%dma_start3A_427 : memref<10000x128xf32, #tpu.memory_space<vmem_shared>>) offsets(%dma_start3A_424 : memref<128xi32, #tpu.memory_space<vmem>>) semaphore(%run_scoped3A_417 : memref<!tpu.dma_semaphore, #tpu.memory_space<semaphore_mem>>) {add = true}
        %dma_wait3A_428 = arith.constant 0 : i32
        %dma_wait3A_429 = arith.constant 0 : i32
        %dma_wait3A_430 = tpu.memref_slice %arg6[%run_scoped3A_410, %dma_wait3A_428, %dma_wait3A_429] : memref<2x128x128xf32, #tpu.memory_space<vmem>> -> memref<1x128x128xf32, #tpu.memory_space<vmem>>
        %dma_wait3A_431 = tpu.memref_squeeze %dma_wait3A_430 : memref<1x128x128xf32, #tpu.memory_space<vmem>> -> memref<128x128xf32, #tpu.memory_space<vmem>>
        %dma_wait3A_432 = arith.constant 0 : i32
        %dma_wait3A_433 = tpu.memref_slice %arg5[%add3A_390, %run_scoped3A_411, %dma_wait3A_432] : memref<80x1x128xi32, #tpu.memory_space<vmem>> -> memref<1x1x128xi32, #tpu.memory_space<vmem>>
        %dma_wait3A_434 = tpu.memref_squeeze %dma_wait3A_433 : memref<1x1x128xi32, #tpu.memory_space<vmem>> -> memref<128xi32, #tpu.memory_space<vmem>>
        %dma_wait3A_435 = arith.constant 0 : i32
        %dma_wait3A_436 = arith.constant 0 : i32
        %dma_wait3A_437 = tpu.memref_slice %arg8[%dma_wait3A_435, %dma_wait3A_436] : memref<10000x128xf32, #tpu.memory_space<vmem_shared>> -> memref<10000x128xf32, #tpu.memory_space<vmem_shared>>
        tpu.wait_indirect_dma semaphore(%run_scoped3A_417 : memref<!tpu.dma_semaphore, #tpu.memory_space<semaphore_mem>>) src(%dma_wait3A_431 : memref<128x128xf32, #tpu.memory_space<vmem>>) dst(%dma_wait3A_437 : memref<10000x128xf32, #tpu.memory_space<vmem_shared>>)
        tpu.yield
      }) : () -> ()
      %lt3A_412 = arith.constant 19 : i32
      %lt3A_413 = arith.cmpi slt, %scan3A_357, %lt3A_412 : i32
      %convert_element_type3A_414 = arith.extui %lt3A_413 : i1 to i32
      %cond3A_415 = arith.constant 0 : i32
      %cond3A_416 = arith.cmpi ne, %convert_element_type3A_414, %cond3A_415 : i32
      scf.if %cond3A_416 {
        %add3A_417 = arith.addi %mul3A_0, %add3A_390 : i32
        %add3A_418 = arith.constant 2 : i32
        %add3A_419 = arith.addi %add3A_417, %add3A_418 : i32
        %mul3A_420 = arith.constant 128 : i32
        %mul3A_421 = arith.muli %add3A_419, %mul3A_420 : i32
        %dma_start3A_422 = arith.constant 4 : i32
        %dma_start3A_423 = arith.constant 1 : i32
        %dma_start3A_424 = arith.constant 0 : i32
        %dma_start3A_425 = arith.constant 0 : i32
        %dma_start3A_426 = tpu.memref_slice %arg6[%dma_start3A_423, %dma_start3A_424, %dma_start3A_425] : memref<2x128x128xf32, #tpu.memory_space<vmem>> -> memref<1x128x128xf32, #tpu.memory_space<vmem>>
        %dma_start3A_427 = tpu.memref_squeeze %dma_start3A_426 : memref<1x128x128xf32, #tpu.memory_space<vmem>> -> memref<128x128xf32, #tpu.memory_space<vmem>>
        %dma_start3A_428 = arith.constant 0 : i32
        %dma_start3A_429 = tpu.memref_slice %arg2[%dma_start3A_422, %mul3A_421, %dma_start3A_428] : memref<5x163840x128xf32, #tpu.memory_space<hbm>> -> memref<1x128x128xf32, #tpu.memory_space<hbm>>
        %dma_start3A_430 = tpu.memref_squeeze %dma_start3A_429 : memref<1x128x128xf32, #tpu.memory_space<hbm>> -> memref<128x128xf32, #tpu.memory_space<hbm>>
        %dma_start3A_431 = arith.constant 0 : i32
        %dma_start3A_432 = arith.constant 0 : i32
        %dma_start3A_433 = tpu.memref_slice %arg6[%dma_start3A_423, %dma_start3A_431, %dma_start3A_432] : memref<2x128x128xf32, #tpu.memory_space<vmem>> -> memref<1x128x128xf32, #tpu.memory_space<vmem>>
        %dma_start3A_434 = tpu.memref_squeeze %dma_start3A_433 : memref<1x128x128xf32, #tpu.memory_space<vmem>> -> memref<128x128xf32, #tpu.memory_space<vmem>>
        %dma_start3A_435 = arith.constant 0 : i32
        %dma_start3A_436 = tpu.memref_slice %arg2[%dma_start3A_422, %mul3A_421, %dma_start3A_435] : memref<5x163840x128xf32, #tpu.memory_space<hbm>> -> memref<1x128x128xf32, #tpu.memory_space<hbm>>
        %dma_start3A_437 = tpu.memref_squeeze %dma_start3A_436 : memref<1x128x128xf32, #tpu.memory_space<hbm>> -> memref<128x128xf32, #tpu.memory_space<hbm>>
        tpu.enqueue_dma source(%dma_start3A_437 : memref<128x128xf32, #tpu.memory_space<hbm>>) target(%dma_start3A_434 : memref<128x128xf32, #tpu.memory_space<vmem>>) target_semaphore(%arg10 : memref<!tpu.dma_semaphore, #tpu.memory_space<semaphore_mem>>)
      } else {
      }
    }
    %scan3A_347 = arith.constant 20 : i32
    %barrier3A_348 = arith.constant 0 : index
    tpu.barrier barrier_id(%barrier3A_348)
    %mul3A_349 = arith.constant 624 : i32
    %mul3A_350 = arith.muli %arg1, %mul3A_349 : i32
    "tpu.region"() ({
      %run_scoped3A = tpu.sem_alloc : memref<!tpu.dma_semaphore, #tpu.memory_space<semaphore_mem>>
      %dma_start3A_357 = arith.constant 0 : i32
      %dma_start3A_358 = tpu.memref_slice %arg4[%add3A_239, %mul3A_350, %dma_start3A_357] : memref<6x10000x128xf32, #tpu.memory_space<hbm>> -> memref<1x624x128xf32, #tpu.memory_space<hbm>>
      %dma_start3A_359 = tpu.memref_squeeze %dma_start3A_358 : memref<1x624x128xf32, #tpu.memory_space<hbm>> -> memref<624x128xf32, #tpu.memory_space<hbm>>
      %dma_start3A_360 = arith.constant 0 : i32
      %dma_start3A_361 = tpu.memref_slice %arg8[%mul3A_350, %dma_start3A_360] : memref<10000x128xf32, #tpu.memory_space<vmem_shared>> -> memref<624x128xf32, #tpu.memory_space<vmem_shared>>
      tpu.enqueue_dma source(%dma_start3A_361 : memref<624x128xf32, #tpu.memory_space<vmem_shared>>) target(%dma_start3A_359 : memref<624x128xf32, #tpu.memory_space<hbm>>) target_semaphore(%run_scoped3A : memref<!tpu.dma_semaphore, #tpu.memory_space<semaphore_mem>>)
      %dma_wait3A = arith.constant 0 : i32
      %dma_wait3A_362 = tpu.memref_slice %arg4[%add3A_239, %mul3A_350, %dma_wait3A] : memref<6x10000x128xf32, #tpu.memory_space<hbm>> -> memref<1x624x128xf32, #tpu.memory_space<hbm>>
      %dma_wait3A_363 = tpu.memref_squeeze %dma_wait3A_362 : memref<1x624x128xf32, #tpu.memory_space<hbm>> -> memref<624x128xf32, #tpu.memory_space<hbm>>
      %dma_wait3A_364 = arith.constant 0 : i32
      %dma_wait3A_365 = tpu.memref_slice %arg8[%mul3A_350, %dma_wait3A_364] : memref<10000x128xf32, #tpu.memory_space<vmem_shared>> -> memref<624x128xf32, #tpu.memory_space<vmem_shared>>
      tpu.wait_dma2 semaphore(%run_scoped3A : memref<!tpu.dma_semaphore, #tpu.memory_space<semaphore_mem>>) src(%dma_wait3A_365 : memref<624x128xf32, #tpu.memory_space<vmem_shared>>) dst(%dma_wait3A_363 : memref<624x128xf32, #tpu.memory_space<hbm>>)
      tpu.yield
    }) : () -> ()
    %eq3A_351 = arith.constant 0 : i32
    %eq3A_352 = arith.cmpi eq, %arg1, %eq3A_351 : i32
    %convert_element_type3A_353 = arith.extui %eq3A_352 : i1 to i32
    %cond3A_354 = arith.constant 0 : i32
    %cond3A_355 = arith.cmpi ne, %convert_element_type3A_353, %cond3A_354 : i32
    scf.if %cond3A_355 {
      "tpu.region"() ({
        %run_scoped3A = tpu.sem_alloc : memref<!tpu.dma_semaphore, #tpu.memory_space<semaphore_mem>>
        %dma_start3A_357 = arith.constant 9984 : i32
        %dma_start3A_358 = arith.constant 0 : i32
        %dma_start3A_359 = tpu.memref_slice %arg4[%add3A_239, %dma_start3A_357, %dma_start3A_358] : memref<6x10000x128xf32, #tpu.memory_space<hbm>> -> memref<1x16x128xf32, #tpu.memory_space<hbm>>
        %dma_start3A_360 = tpu.memref_squeeze %dma_start3A_359 : memref<1x16x128xf32, #tpu.memory_space<hbm>> -> memref<16x128xf32, #tpu.memory_space<hbm>>
        %dma_start3A_361 = arith.constant 9984 : i32
        %dma_start3A_362 = arith.constant 0 : i32
        %dma_start3A_363 = tpu.memref_slice %arg8[%dma_start3A_361, %dma_start3A_362] : memref<10000x128xf32, #tpu.memory_space<vmem_shared>> -> memref<16x128xf32, #tpu.memory_space<vmem_shared>>
        tpu.enqueue_dma source(%dma_start3A_363 : memref<16x128xf32, #tpu.memory_space<vmem_shared>>) target(%dma_start3A_360 : memref<16x128xf32, #tpu.memory_space<hbm>>) target_semaphore(%run_scoped3A : memref<!tpu.dma_semaphore, #tpu.memory_space<semaphore_mem>>)
        %dma_wait3A = arith.constant 9984 : i32
        %dma_wait3A_364 = arith.constant 0 : i32
        %dma_wait3A_365 = tpu.memref_slice %arg4[%add3A_239, %dma_wait3A, %dma_wait3A_364] : memref<6x10000x128xf32, #tpu.memory_space<hbm>> -> memref<1x16x128xf32, #tpu.memory_space<hbm>>
        %dma_wait3A_366 = tpu.memref_squeeze %dma_wait3A_365 : memref<1x16x128xf32, #tpu.memory_space<hbm>> -> memref<16x128xf32, #tpu.memory_space<hbm>>
        %dma_wait3A_367 = arith.constant 9984 : i32
        %dma_wait3A_368 = arith.constant 0 : i32
        %dma_wait3A_369 = tpu.memref_slice %arg8[%dma_wait3A_367, %dma_wait3A_368] : memref<10000x128xf32, #tpu.memory_space<vmem_shared>> -> memref<16x128xf32, #tpu.memory_space<vmem_shared>>
        tpu.wait_dma2 semaphore(%run_scoped3A : memref<!tpu.dma_semaphore, #tpu.memory_space<semaphore_mem>>) src(%dma_wait3A_369 : memref<16x128xf32, #tpu.memory_space<vmem_shared>>) dst(%dma_wait3A_366 : memref<16x128xf32, #tpu.memory_space<hbm>>)
        tpu.yield
      }) : () -> ()
    } else {
    }
    %barrier3A_356 = arith.constant 0 : index
    tpu.barrier barrier_id(%barrier3A_356)
    return
  }
}

module attributes {stable_mosaic.version = 14 : i64} {
  func.func @_dense_body(%arg0: i32, %arg1: memref<2048x128xf32, #tpu.memory_space<vmem>>, %arg2: memref<2048x4xf32, #tpu.memory_space<vmem>>, %arg3: memref<2048x8xf32, #tpu.memory_space<vmem>>, %arg4: memref<8x8xf32, #tpu.memory_space<vmem>>, %arg5: memref<8x640xf32, #tpu.memory_space<vmem>>, %arg6: memref<5x2048x128xf32, #tpu.memory_space<vmem>>) attributes {dimension_semantics = [#tpu.dimension_semantics<arbitrary>], iteration_bounds = array<i64: 80>, scalar_prefetch = 0 : i64, scratch_operands = 0 : i64, tpu.core_type = #tpu.core_type<tc>, window_params = [{transform_indices = @transform_0, window_bounds = array<i64: 2048, 128>}, {transform_indices = @transform_1, window_bounds = array<i64: 2048, 4>}, {transform_indices = @transform_2, window_bounds = array<i64: 2048, 8>}, {pipeline_mode = #tpu.pipeline_mode<synchronous>, transform_indices = @transform_3, window_bounds = array<i64: 8, 8>}, {pipeline_mode = #tpu.pipeline_mode<synchronous>, transform_indices = @transform_4, window_bounds = array<i64: 8, 640>}, {transform_indices = @transform_5, window_bounds = array<i64: 5, 2048, 128>}]} {
    %get3A = arith.constant 0 : index
    %get3A_0 = arith.constant 0 : index
    %get3A_1 = vector.load %arg3[%get3A, %get3A_0] : memref<2048x8xf32, #tpu.memory_space<vmem>>, vector<2048x8xf32>
    %get3A_2 = arith.constant 0 : index
    %get3A_3 = arith.constant 0 : index
    %get3A_4 = vector.load %arg4[%get3A_2, %get3A_3] : memref<8x8xf32, #tpu.memory_space<vmem>>, vector<8x8xf32>
    %dot_general3A = arith.constant dense<0.000000e+00> : vector<2048x8xf32>
    %dot_general3A_5 = tpu.matmul %get3A_1, %get3A_4, %dot_general3A {dimension_numbers = #tpu.dot_dimension_numbers<[1], [0], [0], [1], [0, 0, 1, 1], [], []>, transpose_lhs_hint = false} : vector<2048x8xf32>, vector<8x8xf32>, vector<2048x8xf32> -> vector<2048x8xf32>
    %mul3A = arith.constant 0.353553385 : f32
    %mul3A_6 = vector.broadcast %mul3A : f32 to vector<2048x8xf32>
    %mul3A_7 = arith.mulf %dot_general3A_5, %mul3A_6 : vector<2048x8xf32>
    %logistic3A = arith.negf %mul3A_7 : vector<2048x8xf32>
    %logistic3A_8 = math.exp %logistic3A : vector<2048x8xf32>
    %logistic3A_9 = arith.constant 1.000000e+00 : f32
    %logistic3A_10 = vector.broadcast %logistic3A_9 : f32 to vector<2048x8xf32>
    %logistic3A_11 = arith.addf %logistic3A_10, %logistic3A_8 : vector<2048x8xf32>
    %logistic3A_12 = arith.divf %logistic3A_10, %logistic3A_11 : vector<2048x8xf32>
    %mul3A_13 = arith.mulf %mul3A_7, %logistic3A_12 : vector<2048x8xf32>
    %get3A_14 = arith.constant 0 : index
    %get3A_15 = arith.constant 0 : index
    %get3A_16 = vector.load %arg5[%get3A_14, %get3A_15] : memref<8x640xf32, #tpu.memory_space<vmem>>, vector<8x640xf32>
    %dot_general3A_17 = arith.constant dense<0.000000e+00> : vector<2048x640xf32>
    %dot_general3A_18 = tpu.matmul %mul3A_13, %get3A_16, %dot_general3A_17 {dimension_numbers = #tpu.dot_dimension_numbers<[1], [0], [0], [1], [0, 0, 1, 1], [], []>, transpose_lhs_hint = false} : vector<2048x8xf32>, vector<8x640xf32>, vector<2048x640xf32> -> vector<2048x640xf32>
    %mul3A_19 = arith.constant 0.0883883461 : f32
    %mul3A_20 = vector.broadcast %mul3A_19 : f32 to vector<2048x640xf32>
    %mul3A_21 = arith.mulf %dot_general3A_18, %mul3A_20 : vector<2048x640xf32>
    %get3A_22 = arith.constant 0 : index
    %get3A_23 = arith.constant 0 : index
    %get3A_24 = vector.load %arg1[%get3A_22, %get3A_23] : memref<2048x128xf32, #tpu.memory_space<vmem>>, vector<2048x128xf32>
    %get3A_25 = arith.constant 0 : index
    %get3A_26 = arith.constant 0 : index
    %get3A_27 = vector.load %arg2[%get3A_25, %get3A_26] : memref<2048x4xf32, #tpu.memory_space<vmem>>, vector<2048x4xf32>
    %slice3A = vector.extract_strided_slice %mul3A_21 {offsets = [0, 0], sizes = [2048, 128], strides = [1, 1]} : vector<2048x640xf32> to vector<2048x128xf32>
    %mul3A_28 = arith.mulf %get3A_24, %slice3A : vector<2048x128xf32>
    %swap3A = arith.constant 0 : index
    %swap3A_29 = arith.constant 0 : index
    %swap3A_30 = arith.constant 0 : index
    %swap3A_31 = vector.load %arg6[%swap3A, %swap3A_29, %swap3A_30] : memref<5x2048x128xf32, #tpu.memory_space<vmem>>, vector<1x2048x128xf32>
    %swap3A_32 = vector.shape_cast %swap3A_31 : vector<1x2048x128xf32> to vector<2048x128xf32>
    %swap3A_33 = vector.shape_cast %mul3A_28 : vector<2048x128xf32> to vector<1x2048x128xf32>
    tpu.vector_store %arg6[%swap3A, %swap3A_29, %swap3A_30], %swap3A_33 {strides = array<i32>} : memref<5x2048x128xf32, #tpu.memory_space<vmem>>, vector<1x2048x128xf32>,
    %slice3A_34 = vector.extract_strided_slice %mul3A_21 {offsets = [0, 128], sizes = [2048, 128], strides = [1, 1]} : vector<2048x640xf32> to vector<2048x128xf32>
    %slice3A_35 = vector.extract_strided_slice %get3A_27 {offsets = [0, 0], sizes = [2048, 1], strides = [1, 1]} : vector<2048x4xf32> to vector<2048x1xf32>
    %mul3A_36 = vector.broadcast %slice3A_35 : vector<2048x1xf32> to vector<2048x128xf32>
    %mul3A_37 = arith.mulf %get3A_24, %mul3A_36 : vector<2048x128xf32>
    %mul3A_38 = arith.mulf %mul3A_37, %slice3A_34 : vector<2048x128xf32>
    %swap3A_39 = arith.constant 1 : index
    %swap3A_40 = arith.constant 0 : index
    %swap3A_41 = arith.constant 0 : index
    %swap3A_42 = vector.load %arg6[%swap3A_39, %swap3A_40, %swap3A_41] : memref<5x2048x128xf32, #tpu.memory_space<vmem>>, vector<1x2048x128xf32>
    %swap3A_43 = vector.shape_cast %swap3A_42 : vector<1x2048x128xf32> to vector<2048x128xf32>
    %swap3A_44 = vector.shape_cast %mul3A_38 : vector<2048x128xf32> to vector<1x2048x128xf32>
    tpu.vector_store %arg6[%swap3A_39, %swap3A_40, %swap3A_41], %swap3A_44 {strides = array<i32>} : memref<5x2048x128xf32, #tpu.memory_space<vmem>>, vector<1x2048x128xf32>,
    %slice3A_45 = vector.extract_strided_slice %mul3A_21 {offsets = [0, 256], sizes = [2048, 128], strides = [1, 1]} : vector<2048x640xf32> to vector<2048x128xf32>
    %slice3A_46 = vector.extract_strided_slice %get3A_27 {offsets = [0, 1], sizes = [2048, 1], strides = [1, 1]} : vector<2048x4xf32> to vector<2048x1xf32>
    %mul3A_47 = vector.broadcast %slice3A_46 : vector<2048x1xf32> to vector<2048x128xf32>
    %mul3A_48 = arith.mulf %get3A_24, %mul3A_47 : vector<2048x128xf32>
    %mul3A_49 = arith.mulf %mul3A_48, %slice3A_45 : vector<2048x128xf32>
    %swap3A_50 = arith.constant 2 : index
    %swap3A_51 = arith.constant 0 : index
    %swap3A_52 = arith.constant 0 : index
    %swap3A_53 = vector.load %arg6[%swap3A_50, %swap3A_51, %swap3A_52] : memref<5x2048x128xf32, #tpu.memory_space<vmem>>, vector<1x2048x128xf32>
    %swap3A_54 = vector.shape_cast %swap3A_53 : vector<1x2048x128xf32> to vector<2048x128xf32>
    %swap3A_55 = vector.shape_cast %mul3A_49 : vector<2048x128xf32> to vector<1x2048x128xf32>
    tpu.vector_store %arg6[%swap3A_50, %swap3A_51, %swap3A_52], %swap3A_55 {strides = array<i32>} : memref<5x2048x128xf32, #tpu.memory_space<vmem>>, vector<1x2048x128xf32>,
    %slice3A_56 = vector.extract_strided_slice %mul3A_21 {offsets = [0, 384], sizes = [2048, 128], strides = [1, 1]} : vector<2048x640xf32> to vector<2048x128xf32>
    %slice3A_57 = vector.extract_strided_slice %get3A_27 {offsets = [0, 2], sizes = [2048, 1], strides = [1, 1]} : vector<2048x4xf32> to vector<2048x1xf32>
    %mul3A_58 = vector.broadcast %slice3A_57 : vector<2048x1xf32> to vector<2048x128xf32>
    %mul3A_59 = arith.mulf %get3A_24, %mul3A_58 : vector<2048x128xf32>
    %mul3A_60 = arith.mulf %mul3A_59, %slice3A_56 : vector<2048x128xf32>
    %swap3A_61 = arith.constant 3 : index
    %swap3A_62 = arith.constant 0 : index
    %swap3A_63 = arith.constant 0 : index
    %swap3A_64 = vector.load %arg6[%swap3A_61, %swap3A_62, %swap3A_63] : memref<5x2048x128xf32, #tpu.memory_space<vmem>>, vector<1x2048x128xf32>
    %swap3A_65 = vector.shape_cast %swap3A_64 : vector<1x2048x128xf32> to vector<2048x128xf32>
    %swap3A_66 = vector.shape_cast %mul3A_60 : vector<2048x128xf32> to vector<1x2048x128xf32>
    tpu.vector_store %arg6[%swap3A_61, %swap3A_62, %swap3A_63], %swap3A_66 {strides = array<i32>} : memref<5x2048x128xf32, #tpu.memory_space<vmem>>, vector<1x2048x128xf32>,
    %slice3A_67 = vector.extract_strided_slice %mul3A_21 {offsets = [0, 512], sizes = [2048, 128], strides = [1, 1]} : vector<2048x640xf32> to vector<2048x128xf32>
    %slice3A_68 = vector.extract_strided_slice %get3A_27 {offsets = [0, 3], sizes = [2048, 1], strides = [1, 1]} : vector<2048x4xf32> to vector<2048x1xf32>
    %mul3A_69 = vector.broadcast %slice3A_68 : vector<2048x1xf32> to vector<2048x128xf32>
    %mul3A_70 = arith.mulf %get3A_24, %mul3A_69 : vector<2048x128xf32>
    %mul3A_71 = arith.mulf %mul3A_70, %slice3A_67 : vector<2048x128xf32>
    %swap3A_72 = arith.constant 4 : index
    %swap3A_73 = arith.constant 0 : index
    %swap3A_74 = arith.constant 0 : index
    %swap3A_75 = vector.load %arg6[%swap3A_72, %swap3A_73, %swap3A_74] : memref<5x2048x128xf32, #tpu.memory_space<vmem>>, vector<1x2048x128xf32>
    %swap3A_76 = vector.shape_cast %swap3A_75 : vector<1x2048x128xf32> to vector<2048x128xf32>
    %swap3A_77 = vector.shape_cast %mul3A_71 : vector<2048x128xf32> to vector<1x2048x128xf32>
    tpu.vector_store %arg6[%swap3A_72, %swap3A_73, %swap3A_74], %swap3A_77 {strides = array<i32>} : memref<5x2048x128xf32, #tpu.memory_space<vmem>>, vector<1x2048x128xf32>,
    return
  }
  func.func @transform_0(%arg0: i32) -> (i32, i32) {
    %c0_i32 = arith.constant 0 : i32
    %c0_i32_0 = arith.constant 0 : i32
    return %arg0, %c0_i32 : i32, i32
  }
  func.func @transform_1(%arg0: i32) -> (i32, i32) {
    %c0_i32 = arith.constant 0 : i32
    %c0_i32_0 = arith.constant 0 : i32
    return %arg0, %c0_i32 : i32, i32
  }
  func.func @transform_2(%arg0: i32) -> (i32, i32) {
    %c0_i32 = arith.constant 0 : i32
    %c0_i32_0 = arith.constant 0 : i32
    return %arg0, %c0_i32 : i32, i32
  }
  func.func @transform_3(%arg0: i32) -> (i32, i32) {
    %c0_i32 = arith.constant 0 : i32
    %c0_i32_0 = arith.constant 0 : i32
    %c0_i32_1 = arith.constant 0 : i32
    return %c0_i32, %c0_i32_0 : i32, i32
  }
  func.func @transform_4(%arg0: i32) -> (i32, i32) {
    %c0_i32 = arith.constant 0 : i32
    %c0_i32_0 = arith.constant 0 : i32
    %c0_i32_1 = arith.constant 0 : i32
    return %c0_i32, %c0_i32_0 : i32, i32
  }
  func.func @transform_5(%arg0: i32) -> (i32, i32, i32) {
    %c0_i32 = arith.constant 0 : i32
    %c0_i32_0 = arith.constant 0 : i32
    %c0_i32_1 = arith.constant 0 : i32
    return %c0_i32, %arg0, %c0_i32_0 : i32, i32, i32
  }
}

</mosaic_0001>

<sc_bundles>
// kernel: kernel.5.cloned.1.call-start
scs
__scs_entry_jumppad:
0x0: {  	(pc) =	sbr.rel $0x88, $3  }
0x1: {  	(tag) =	ssettag $0x0;
	lr =	simm.s32 $0x1  }
0x2: {  	[smem:$0x3F9A] =	sst lr;
	_ =	strace $0xD0000000  }
0x3: {  	_ = 	snop  }
0x4: {  	_ = 	snop  }
0x5: {  	_ = 	snop  }
0x6: {  	_ = 	snop  }
0x7: {  	_ = 	snop  }
__scs_overlays_trampoline_lowered:
0x8: {  	[smem:$0x3FA9] =	sst s0  }
0x9: {  	[smem:$0x3FAA] =	sst s1  }
0xa: {  	[smem:$0x3FAB] =	sst s2  }
0xb: {  	[smem:$0x3FAC] =	sst s3  }
0xc: {  	[smem:$0x3FAD] =	sst s4  }
0xd: {  	[smem:$0x3FAE] =	sst s5  }
0xe: {  	[smem:$0x3FAF] =	sst s6  }
0xf: {  	[smem:$0x3FB0] =	sst s7  }
0x10: {  	[smem:$0x3FB1] =	sst s8  }
0x11: {  	[smem:$0x3FB2] =	sst s9;
	s0 =	simm.s32 @!p0 $0x0  }
0x12: {  	s1 =	sld [smem:$0x3F98];
	s0 =	simm.s32 @p0 $0x1  }
0x13: {  	[smem:$0x3FB3] =	sst s0;
	s0 =	simm.s32 @!p1 $0x0  }
0x14: {  	s2 =	sld [smem:$0x3F97];
	s0 =	simm.s32 @p1 $0x1  }
0x15: {  	[smem:$0x3FB4] =	sst s0;
	s0 =	simm.s32 @!p2 $0x0  }
0x16: {  	s3 =	sld [smem:$0x3FDB];
	s0 =	simm.s32 @p2 $0x1  }
0x17: {  	s4 =	simm.s32 $0x1BF5;
	[smem:$0x3FB6] =	sst s0  }
0x18: {  	s0 =	sld [smem:$0x3F99];
	_ =	swait.ge [sflag:s4], $0x0  }
0x19: {  	s7 =	sld [smem:$0x3F9A]  }
0x1a: {  	s8 =	sadd.s32 $0xFFFFE003, lr  }
0x1b: {  	s9 =	sadd.s32 $0xFFFFFEF7, lr;
	s5 =	simm.s32 $0xFFFFFFFF;
	p2 =	slt.u32 s8, $0xFFFFF086  }
0x1c: {  	p1 =	slt.u32 s9, $0xF7A;
	s5 =	simm.s32 @!p2 $0x0  }
0x1d: {  	s5 =	simm.s32 @p1 $0x1;
	p0 =	seq.s32 s7, s2  }
0x1e: {  	s7 =	smul.u32 @!p0 $0xF7A, s2;
	p2 =	seq.s32 @!p0 s5, $0x0  }
0x1f: {  	s9 =	smul.u32 $0xF7A, s1;
	s8 =	simm.s32 @!p0 $0x1BF5;
	p2 =	por !p2, p0  }
0x20: {  	[sflag:s8] =	ssyncset.s32 @!p0 $0xFFFFF086;
	s6 =	sadd.s32 @!p0 s3, s7;
	s7 =	simm.s32 @!p0 $0x108  }
0x21: {  	s3 =	sadd.s32 s3, s9;
	s6 =	sadd.s32 @!p0 $0x88, s6;
	s7 =	simm.s32 @p2 $0x1082  }
0x22: {  	[simem:s7], [sflag:s8] =	dma.local @!p0 [hbm:s6], $0xF7A  }
0x23: {  	s9 =	sor.u32 $0xD0000000, s2;
	s6 =	simm.s32 $0x108;
	_ =	swait.ge @!p0 [sflag:s8], $0x0  }
0x24: {  	s3 =	sadd.s32 $0x88, s3;
	s6 =	simm.s32 @!p1 $0x1082;
	[sflag:s4] =	ssyncset.s32 $0xFFFFF086  }
0x25: {  	[simem:s6], [sflag:s4] =	dma.local [hbm:s3], $0xF7A  }
0x26: {  	[smem:$0x3F9A] =	sst s1;
	(tag) =	ssettag s2;
	_ =	strace s9  }
0x27: {  	s1 =	sld [smem:$0x3FAA]  }
0x28: {  	s2 =	sld [smem:$0x3FAB]  }
0x29: {  	s4 =	sld [smem:$0x3FAD]  }
0x2a: {  	p0 =	seq.s32 s5, $0x0;
	s5 =	sld [smem:$0x3FAE]  }
0x2b: {  	s6 =	sld [smem:$0x3FAF]  }
0x2c: {  	s7 =	sld [smem:$0x3FB0]  }
0x2d: {  	s3 =	simm.s32 $0x108;
	s8 =	sld [smem:$0x3FB1]  }
0x2e: {  	s3 =	simm.s32 @!p0 $0x1082;
	s9 =	sld [smem:$0x3FB2]  }
0x2f: {  	lr =	sadd.s32 s0, s3;
	s0 =	sld [smem:$0x3FA9]  }
0x30: {  	s3 =	sld [smem:$0x3FAC]  }
0x31: {  	[smem:$0x3FB5] =	sst s10  }
0x32: {  	s10 =	sld [smem:$0x3FB3];
	_ =	sdelay $0x3  }
0x33: {  	p0 =	seq.s32 s10, $0x1;
	s10 =	sld [smem:$0x3FB5];
	_ =	sdelay $0x3  }
0x34: {  	[smem:$0x3FB5] =	sst s10  }
0x35: {  	s10 =	sld [smem:$0x3FB4];
	_ =	sdelay $0x3  }
0x36: {  	p1 =	seq.s32 s10, $0x1;
	s10 =	sld [smem:$0x3FB5];
	_ =	sdelay $0x3  }
0x37: {  	[smem:$0x3FB5] =	sst s10  }
0x38: {  	s10 =	sld [smem:$0x3FB6]  }
0x39: {  	_ = 	snop;
	(pc) =	sbr.ind lr, $3  }
0x3a: {  	_ = 	snop  }
0x3b: {  	_ = 	snop  }
0x3c: {  	p2 =	seq.s32 s10, $0x1;
	s10 =	sld [smem:$0x3FB5]  }
0x3d: {  	_ =	shalt  }
0x3e: {  	_ =	shalt  }
0x3f: {  	_ =	shalt  }
0x40: {  	_ =	shalt  }
0x41: {  	_ =	shalt  }
0x42: {  	_ =	shalt  }
0x43: {  	_ =	shalt  }
0x44: {  	_ =	shalt  }
0x45: {  	_ =	shalt  }
0x46: {  	_ =	shalt  }
0x47: {  	_ =	shalt  }
0x48: {  	_ =	shalt  }
0x49: {  	_ =	shalt  }
0x4a: {  	_ =	shalt  }
0x4b: {  	_ =	shalt  }
0x4c: {  	_ =	shalt  }
0x4d: {  	_ =	shalt  }
0x4e: {  	_ =	shalt  }
0x4f: {  	_ =	shalt  }
0x50: {  	_ =	shalt  }
0x51: {  	_ =	shalt  }
0x52: {  	_ =	shalt  }
0x53: {  	_ =	shalt  }
0x54: {  	_ =	shalt  }
0x55: {  	_ =	shalt  }
0x56: {  	_ =	shalt  }
0x57: {  	_ =	shalt  }
0x58: {  	_ =	shalt  }
0x59: {  	_ =	shalt  }
0x5a: {  	_ =	shalt  }
0x5b: {  	_ =	shalt  }
0x5c: {  	_ =	shalt  }
0x5d: {  	_ =	shalt  }
0x5e: {  	_ =	shalt  }
0x5f: {  	_ =	shalt  }
0x60: {  	_ =	shalt  }
0x61: {  	_ =	shalt  }
0x62: {  	_ =	shalt  }
0x63: {  	_ =	shalt  }
0x64: {  	_ =	shalt  }
0x65: {  	_ =	shalt  }
0x66: {  	_ =	shalt  }
0x67: {  	_ =	shalt  }
0x68: {  	_ =	shalt  }
0x69: {  	_ =	shalt  }
0x6a: {  	_ =	shalt  }
0x6b: {  	_ =	shalt  }
0x6c: {  	_ =	shalt  }
0x6d: {  	_ =	shalt  }
0x6e: {  	_ =	shalt  }
0x6f: {  	_ =	shalt  }
0x70: {  	_ =	shalt  }
0x71: {  	_ =	shalt  }
0x72: {  	_ =	shalt  }
0x73: {  	_ =	shalt  }
0x74: {  	_ =	shalt  }
0x75: {  	_ =	shalt  }
0x76: {  	_ =	shalt  }
0x77: {  	_ =	shalt  }
0x78: {  	_ =	shalt  }
0x79: {  	_ =	shalt  }
0x7a: {  	_ =	shalt  }
0x7b: {  	_ =	shalt  }
0x7c: {  	_ =	shalt  }
0x7d: {  	_ =	shalt  }
0x7e: {  	_ =	shalt  }
0x7f: {  	_ =	shalt  }
0x80: {  	_ =	shalt  }
0x81: {  	_ =	shalt  }
0x82: {  	_ =	shalt  }
0x83: {  	_ =	shalt  }
0x84: {  	_ =	shalt  }
0x85: {  	_ =	shalt  }
0x86: {  	_ =	shalt  }
0x87: {  	_ =	shalt  }
.Lfunc_end0:
.L_simem_size_0:
called_computation_lowered:
.L_overlay_start_0:
0x88: {  	s2 =	sld [smem:$0x3FD9]  }
0x89: {  	s3 =	sld [smem:$0x3FFE];
	_ =	sdelay $0x1  }
0x8a: {  	s1 =	srdreg.scid  }
0x8b: {  	s0 =	sand.u32 $0x1, s1  }
0x8c: {  	s17 =	sshll.u32 s0, $0xA;
	s2 =	sadd.s32 s3, s2  }
0x8d: {  	s2 =	sadd.s32 s2, s17  }
0x8e: {  	[smem:$0x3FC1] =	sst s2  }
0x8f: {  	_ = 	snop  }
0x90: {  	s2 =	sld [smem:$0x3FC9]  }
0x91: {  	s18 =	sld [smem:$0x3FD0];
	(tm) =	ssettm $0x1  }
0x92: {  	s4 =	sld [smem:$0x3FFB];
	_ =	sdelay $0x3  }
0x93: {  	_ =	strace s4  }
0x94: {  	s4 =	sld [smem:$0x3FFC];
	_ =	sdelay $0x3  }
0x95: {  	_ =	strace s4  }
0x96: {  	s4 =	sld [smem:$0x3FFD];
	_ =	sdelay $0x3  }
0x97: {  	_ =	strace s4  }
0x98: {  	_ =	strace $0x8FFFFFFF  }
0x99: {  	s19 =	sld [smem:$0x3FDB];
	_ =	sdelay $0x1  }
0x9a: {  	s5 =	simm.s32 $_scs_section_size  }
0x9b: {  	s6 =	simm.s32 $_size__tile_overlayer_lowered;
	s7 =	simm.s32 $_tile_overlayer_lowered  }
0x9c: {  	s22 =	simm.s32 $0x1BFF;
	s21 =	sshll.u32 s7, $0x1;
	s4 =	sadd.s32 s5, s19  }
0x9d: {  	s8 =	simm.s32 $0x0;
	s20 =	sshll.u32 s6, $0x1;
	s6 =	sadd.s32 s21, s4  }
0x9e: {  	[timem:s8], [sflag:s22] =	dma.local [hbm:s6], s20  }
0x9f: {  	_ =	swait.ge [sflag:s22], s20  }
0xa0: {  	s5 =	ssub.s32 $0x0, s20;
	[sflag:s22] =	ssyncset.done $0x0  }
0xa1: {  	[sflag:s22] =	ssyncadd.s32 s5;
	_ =	sdelay $0x1  }
0xa2: {  	s23 =	simm.s32 $0x1B8B  }
0xa3: {  	_ =	swait.ge [sflag:s23], $0x1  }
0xa4: {  	[sflag:s23] =	ssyncset.done $0x0  }
0xa5: {  	s25 =	simm.s32 $0x1B8E;
	s24 =	sld [smem:$0x3FFE];
	[sflag:s23] =	ssyncadd.s32 $0xFFFFFFFF  }
0xa6: {  	s26 =	simm.s32 $execute0_lowered;
	[smem:$0x3FD2] =	sst s25  }
0xa7: {  	s6 =	sshll.u32 s26, $0x1;
	_ =	strace $0x80000046;
	[dreg:$0x1] =	wrdreg $0xFFFFFFFF  }
0xa8: {  	s28 =	simm.s32 $_size_execute0_lowered;
	s4 =	sadd.s32 s4, s6;
	[dreg:$0x0] =	wrdreg $0x0  }
0xa9: {  	s6 =	sshll.u32 s28, $0x1;
	[dreg:$0x2] =	wrdreg s4  }
0xaa: {  	[dreg:$0x3] =	wrdreg s6  }
0xab: {  	[dreg:$0x4] =	wrdreg $0xC0  }
0xac: {  	_ =	task [dreg:s8], $0x5FFFF  }
0xad: {  	[dreg:$0x1] =	wrdreg $0xFFFFFFFF  }
0xae: {  	[dreg:$0x0] =	wrdreg $0x60  }
0xaf: {  	[dreg:$0x2] =	wrdreg s2  }
0xb0: {  	[dreg:$0x3] =	wrdreg s18  }
0xb1: {  	[dreg:$0x4] =	wrdreg s24  }
0xb2: {  	[dreg:$0x5] =	wrdreg $0x9  }
0xb3: {  	_ =	task.clear_ibuf [dreg:s8], $0x6FFFF;
	_ =	strace $0x90000046  }
0xb4: {  	s29 =	simm.s32 $0x9;
	_ =	strace $0x80000048  }
0xb5: {  	_ =	swait.ge [sflag:s29], $0x1  }
0xb6: {  	[sflag:s29] =	ssyncadd.s32 $0xFFFFFFFF  }
0xb7: {  	_ =	strace $0x90000048  }
0xb8: {  	_ =	sfence  }
0xb9: {  	s30 =	sld [smem:$0x0];
	_ =	sdelay $0x2  }
0xba: {  	s31 =	sshll.u32 s1, $0xD;
	s1 =	sshrl.u32 s1, $0x2  }
0xbb: {  	s3 =	sand.u32 $0x4000, s31;
	s1 =	sadd.s32 s1, s30  }
0xbc: {  	s0 =	sor.u32 s3, s0;
	s1 =	sshll.u32 s1, $0x11  }
0xbd: {  	s0 =	sor.u32 s1, s0  }
0xbe: {  	s0 =	sadd.s32 $0x8F2B, s0  }
0xbf: {  	[sflag:s0] =	ssyncadd.remote.s32 $0x1  }
0xc0: {  	_ =	sfence.sel $0xFFFF  }
0xc1: {  	[dreg:$0x0] =	wrdreg $0xFFFFFFFF;
	(pc) =	sbr.abs _section_cstart, $3  }
0xc2: {  	[dreg:$0x1] =	wrdreg $0xFFFFFFFF  }
0xc3: {  	_ =	task.clear_ibuf [dreg:s8], $0x2FFFF;
	_ =	strace $0x9FFFFFFF  }
0xc4: {  	(tm) =	ssettm $0x7FFFFFFF  }
0xc5: {  	_ =	shalt  }
tec
execute0_lowered:
.L_overlay_start_1:
0x0: {  	(tag) =	ssettag $0x1  }
0x1: {  	s1 =	rddreg [dreg:$0x0]  }
0x2: {  	s2 =	srdreg.scid;
	s6 =	rddreg [dreg:$0x1]  }
0x3: {  	s0 =	stileid.u32;
	s4 =	rddreg [dreg:$0x2];
	s3 =	simm.s32 $0x0  }
0x4: {  	s13 =	simm.s32 $0x100;
	s14 =	simm.s32 $0x9400;
	s15 =	simm.s32 $0x180  }
0x5: {  	s16 =	simm.s32 $0xD400;
	s17 =	simm.s32 $0x200;
	s18 =	simm.s32 $0x11400  }
0x6: {  	s19 =	simm.s32 $0x1;
	s20 =	simm.s32 $0x2;
	s21 =	simm.s32 $0x3  }
0x7: {  	s22 =	simm.s32 $0x4;
	s23 =	simm.s32 $0x5;
	s8 =	smul.u32 $0x50, s0  }
0x8: {  	s24 =	simm.s32 $0x0;
	s5 =	sand.u32 $0x1, s2;
	s12 =	smul.u32 $0x28000, s0  }
0x9: {  	s29 =	sshll.u32 s0, $0x1;
	[smem:$0x7FF] =	sst s3;
	s10 =	smul.u32 $0x28, s5  }
0xa: {  	s4 =	sadd.s32 $0x1A00, s4;
	s9 =	ssub.s32 $0x2, s5;
	s30 =	smul.u32 $0x14000, s5  }
.Ltmp0:
0xb: {  	s2 =	sor.u32 s5, s29;
	s11 =	sshrl.u32 s9, $0x1;
	(pc) =	sbr.rel .LBB2_1-.Ltmp0, $4  }
0xc: {  	_ =	strace $0x80000047;
	s7 =	smul.u32 $0x280, s2;
	s9 =	ssub.s32 s9, s11  }
0xd: {  	s31 =	sadd.s32 s10, s8;
	s8 =	sadd.s32 s30, s12;
	s10 =	simm.s32 $0x80  }
0xe: {  	s11 =	simm.s32 $0x1400;
	s12 =	simm.s32 $0x5400;
	s5 =	sadd.s32 s6, s7  }
0xf: {  	s6 =	smax.u32 s9, $0x1;
	s7 =	sshll.u32 s31, $0xB;
	s9 =	simm.s32 $0x6  }
.LBB2_4:
0x10: {  	s24 =	sadd.s32 $0x1, s24  }
0x11: {  	p0 =	sne.s32 s24, s6  }
.Ltmp1:
0x12: {  	_ = 	snop;
	(pc) =	sbr.rel @!p0 .LBB2_5-.Ltmp1, $1  }
0x13: {  	_ =	sdelay $0x3  }
.LBB2_1:
0x14: {  	[tilespmem:s3], [sflag:$0x6] =	stream.linear.gather [hbm4b:s5+s3], $0x1400, $0x38;
	[tilespmem:$0x15400] =	vst v63  }
0x15: {  	_ =	swait.ge [sflag:s9], $0x1400  }
0x16: {  	[sflag:s9] =	ssyncset.done $0x0  }
0x17: {  	[sflag:s9] =	ssyncadd.s32 $0xFFFFEC00  }
0x18: {  	[tilespmem:s11], [sflag:$0x1] =	stream.indirect.gather [hbm4b:s1+s10], $0x80, s3, s10, $0xb8;
	[tilespmem:$0x15400] =	vst v63  }
0x19: {  	_ = 	snop  }
0x1a: {  	[tilespmem:s12], [sflag:$0x2] =	stream.indirect.gather [hbm4b:s1+s10], $0x80, s10, s10, $0xb8;
	[tilespmem:$0x15400] =	vst v63  }
0x1b: {  	_ = 	snop  }
0x1c: {  	[tilespmem:s14], [sflag:$0x3] =	stream.indirect.gather [hbm4b:s1+s10], $0x80, s13, s10, $0xb8;
	[tilespmem:$0x15400] =	vst v63  }
0x1d: {  	_ = 	snop  }
0x1e: {  	[tilespmem:s16], [sflag:$0x4] =	stream.indirect.gather [hbm4b:s1+s10], $0x80, s15, s10, $0xb8;
	[tilespmem:$0x15400] =	vst v63  }
0x1f: {  	s25 =	smov.u32 s4;
	s26 =	simm.s32 $0x0  }
0x20: {  	[tilespmem:s18], [sflag:$0x5] =	stream.indirect.gather [hbm4b:s1+s10], $0x80, s17, s10, $0xb8;
	[tilespmem:$0x15400] =	vst v63  }
.LBB2_2:
0x21: {  	_ =	swait.ge [sflag:s19], $0x4000  }
0x22: {  	[sflag:s19] =	ssyncset.done $0x0  }
0x23: {  	s28 =	sadd.s32 s25, s8;
	[sflag:s19] =	ssyncadd.s32 $0xFFFFC000  }
0x24: {  	[hbm4b:s28+s3] =	stream.linear.scatter [tilespmem:s11], [sflag:$0x6], $0x4000, $0x38;
	[tilespmem:$0x15400] =	vst v63  }
0x25: {  	p0 =	seq.s32 s26, $0x4600;
	_ =	swait.ge [sflag:s9], $0x4000  }
0x26: {  	s30 =	simm.s32 @!p0 $0x80;
	s28 =	sshra.s32 @!p0 s26, $0x2;
	[sflag:s9] =	ssyncset.done $0x0  }
0x27: {  	s31 =	simm.s32 @!p0 $0x1400;
	s29 =	sadd.s32 @!p0 $0x280, s28;
	[sflag:s9] =	ssyncadd.s32 $0xFFFFC000  }
0x28: {  	[tilespmem:s31], [sflag:$0x1] =	stream.indirect.gather @!p0 [hbm4b:s1+s30], $0x80, s29, s30, $0xb8;
	[tilespmem:$0x15400] =	vst v63  }
0x29: {  	_ =	swait.ge [sflag:s20], $0x4000  }
0x2a: {  	s29 =	sadd.s32 s25, s7;
	[sflag:s20] =	ssyncset.done $0x0  }
0x2b: {  	s2 =	sadd.s32 $0x800, s29;
	[sflag:s20] =	ssyncadd.s32 $0xFFFFC000  }
0x2c: {  	[hbm4b:s2+s3] =	stream.linear.scatter [tilespmem:s12], [sflag:$0x6], $0x4000, $0x38;
	[tilespmem:$0x15400] =	vst v63  }
0x2d: {  	_ =	swait.ge [sflag:s9], $0x4000  }
0x2e: {  	[sflag:s9] =	ssyncset.done $0x0  }
0x2f: {  	s31 =	sadd.s32 @!p0 $0x300, s28;
	s2 =	simm.s32 @!p0 $0x5400;
	[sflag:s9] =	ssyncadd.s32 $0xFFFFC000  }
0x30: {  	[tilespmem:s2], [sflag:$0x2] =	stream.indirect.gather @!p0 [hbm4b:s1+s30], $0x80, s31, s30, $0xb8;
	[tilespmem:$0x15400] =	vst v63  }
0x31: {  	_ =	swait.ge [sflag:s21], $0x4000  }
0x32: {  	[sflag:s21] =	ssyncset.done $0x0  }
0x33: {  	s31 =	sadd.s32 $0x1000, s29;
	[sflag:s21] =	ssyncadd.s32 $0xFFFFC000  }
0x34: {  	[hbm4b:s31+s3] =	stream.linear.scatter [tilespmem:s14], [sflag:$0x6], $0x4000, $0x38;
	[tilespmem:$0x15400] =	vst v63  }
0x35: {  	_ =	swait.ge [sflag:s9], $0x4000  }
0x36: {  	[sflag:s9] =	ssyncset.done $0x0  }
0x37: {  	s2 =	sadd.s32 @!p0 $0x380, s28;
	s31 =	simm.s32 @!p0 $0x9400;
	[sflag:s9] =	ssyncadd.s32 $0xFFFFC000  }
0x38: {  	[tilespmem:s31], [sflag:$0x3] =	stream.indirect.gather @!p0 [hbm4b:s1+s30], $0x80, s2, s30, $0xb8;
	[tilespmem:$0x15400] =	vst v63  }
0x39: {  	_ =	swait.ge [sflag:s22], $0x4000  }
0x3a: {  	[sflag:s22] =	ssyncset.done $0x0  }
0x3b: {  	s31 =	sadd.s32 $0x1800, s29;
	[sflag:s22] =	ssyncadd.s32 $0xFFFFC000  }
0x3c: {  	[hbm4b:s31+s3] =	stream.linear.scatter [tilespmem:s16], [sflag:$0x6], $0x4000, $0x38;
	[tilespmem:$0x15400] =	vst v63  }
0x3d: {  	_ =	swait.ge [sflag:s9], $0x4000  }
0x3e: {  	[sflag:s9] =	ssyncset.done $0x0  }
0x3f: {  	s2 =	sadd.s32 @!p0 $0x400, s28;
	s28 =	simm.s32 @!p0 $0xD400;
	[sflag:s9] =	ssyncadd.s32 $0xFFFFC000  }
0x40: {  	[tilespmem:s28], [sflag:$0x4] =	stream.indirect.gather @!p0 [hbm4b:s1+s30], $0x80, s2, s30, $0xb8;
	[tilespmem:$0x15400] =	vst v63  }
0x41: {  	_ =	swait.ge [sflag:s23], $0x4000  }
0x42: {  	[sflag:s23] =	ssyncset.done $0x0  }
.Ltmp2:
0x43: {  	s31 =	sadd.s32 $0x2000, s29;
	[sflag:s23] =	ssyncadd.s32 $0xFFFFC000;
	(pc) =	sbr.rel @p0 .LBB2_4-.Ltmp2, $4  }
0x44: {  	[hbm4b:s31+s3] =	stream.linear.scatter [tilespmem:s18], [sflag:$0x6], $0x4000, $0x38;
	[tilespmem:$0x15400] =	vst v63  }
0x45: {  	_ =	swait.ge [sflag:s9], $0x4000  }
0x46: {  	[sflag:s9] =	ssyncset.done $0x0  }
0x47: {  	[sflag:s9] =	ssyncadd.s32 $0xFFFFC000  }
.Ltmp3:
0x48: {  	(pc) =	sbr.rel .LBB2_2-.Ltmp3, $4  }
0x49: {  	_ = 	snop  }
0x4a: {  	s2 =	sshra.s32 s26, $0x2  }
0x4b: {  	s26 =	sadd.s32 $0xA00, s26;
	s25 =	sadd.s32 $0x2800, s25;
	s2 =	sadd.s32 $0x480, s2  }
0x4c: {  	[tilespmem:s18], [sflag:$0x5] =	stream.indirect.gather [hbm4b:s1+s10], $0x80, s2, s10, $0xb8;
	[tilespmem:$0x15400] =	vst v63  }
.LBB2_5:
0x4d: {  	_ =	sfence.sel $0x180000  }
0x4e: {  	[bflag:$0x0] =	sbarrier.arrive $0xFFFF  }
0x4f: {  	_ =	strace $0x90000047  }
0x50: {  	[bflag:$0x2] =	sbarrier.arrive $0xFFFF  }
0x51: {  	p0 =	sne.s32 s0, $0x0;
	s0 =	rddreg [dreg:$0x3]  }
0x52: {  	s0 =	sadd.s32 @!p0 $0x100000, s0  }
0x53: {  	[sflag:s0] =	ssyncadd.tile.s32 @!p0 $0x1;
	_ =	shalt  }
.Lfunc_end2:
_tile_overlayer_lowered:
.L_overlay_start_2:
0x54: {  	(tag) =	ssettag $0x2  }
0x55: {  	s0 =	rddreg [dreg:$0x0];
	s2 =	stileid.u32  }
0x56: {  	s1 =	rddreg [dreg:$0x1];
	p0 =	sne.s32 s2, $0x0  }
0x57: {  	s3 =	rddreg [dreg:$0x2];
	[bflag:$0x3] =	sbarrier.arrive $0xFFFF;
	s2 =	simm.s32 @!p0 $0x1C06  }
0x58: {  	[timem:s3], [sflag:s2] =	dma.local @!p0 [hbm:s0], s1  }
0x59: {  	s0 =	simm.s32 @!p0 $0x6  }
0x5a: {  	_ =	swait.ge @!p0 [sflag:s0], s1  }
0x5b: {  	s1 =	ssub.s32 @!p0 $0x0, s1;
	[sflag:s0] =	ssyncset.done @!p0 $0x0  }
0x5c: {  	[sflag:s0] =	ssyncadd.s32 @!p0 s1  }
0x5d: {  	[bflag:$0x3] =	sbarrier.arrive $0xFFFF  }
0x5e: {  	_ =	shalt  }

// kernel: kernel.8.cloned.1.call-start
scs
__scs_entry_jumppad:
0x0: {  	(pc) =	sbr.rel $0x88, $3  }
0x1: {  	(tag) =	ssettag $0x0;
	lr =	simm.s32 $0x1  }
0x2: {  	[smem:$0x3F9A] =	sst lr;
	_ =	strace $0xD0000000  }
0x3: {  	_ = 	snop  }
0x4: {  	_ = 	snop  }
0x5: {  	_ = 	snop  }
0x6: {  	_ = 	snop  }
0x7: {  	_ = 	snop  }
__scs_overlays_trampoline_lowered:
0x8: {  	[smem:$0x3FA9] =	sst s0  }
0x9: {  	[smem:$0x3FAA] =	sst s1  }
0xa: {  	[smem:$0x3FAB] =	sst s2  }
0xb: {  	[smem:$0x3FAC] =	sst s3  }
0xc: {  	[smem:$0x3FAD] =	sst s4  }
0xd: {  	[smem:$0x3FAE] =	sst s5  }
0xe: {  	[smem:$0x3FAF] =	sst s6  }
0xf: {  	[smem:$0x3FB0] =	sst s7  }
0x10: {  	[smem:$0x3FB1] =	sst s8  }
0x11: {  	[smem:$0x3FB2] =	sst s9;
	s0 =	simm.s32 @!p0 $0x0  }
0x12: {  	s1 =	sld [smem:$0x3F98];
	s0 =	simm.s32 @p0 $0x1  }
0x13: {  	[smem:$0x3FB3] =	sst s0;
	s0 =	simm.s32 @!p1 $0x0  }
0x14: {  	s2 =	sld [smem:$0x3F97];
	s0 =	simm.s32 @p1 $0x1  }
0x15: {  	[smem:$0x3FB4] =	sst s0;
	s0 =	simm.s32 @!p2 $0x0  }
0x16: {  	s3 =	sld [smem:$0x3FDB];
	s0 =	simm.s32 @p2 $0x1  }
0x17: {  	s4 =	simm.s32 $0x1BF5;
	[smem:$0x3FB6] =	sst s0  }
0x18: {  	s0 =	sld [smem:$0x3F99];
	_ =	swait.ge [sflag:s4], $0x0  }
0x19: {  	s7 =	sld [smem:$0x3F9A]  }
0x1a: {  	s8 =	sadd.s32 $0xFFFFE003, lr  }
0x1b: {  	s9 =	sadd.s32 $0xFFFFFEF7, lr;
	s5 =	simm.s32 $0xFFFFFFFF;
	p2 =	slt.u32 s8, $0xFFFFF086  }
0x1c: {  	p1 =	slt.u32 s9, $0xF7A;
	s5 =	simm.s32 @!p2 $0x0  }
0x1d: {  	s5 =	simm.s32 @p1 $0x1;
	p0 =	seq.s32 s7, s2  }
0x1e: {  	s7 =	smul.u32 @!p0 $0xF7A, s2;
	p2 =	seq.s32 @!p0 s5, $0x0  }
0x1f: {  	s9 =	smul.u32 $0xF7A, s1;
	s8 =	simm.s32 @!p0 $0x1BF5;
	p2 =	por !p2, p0  }
0x20: {  	[sflag:s8] =	ssyncset.s32 @!p0 $0xFFFFF086;
	s6 =	sadd.s32 @!p0 s3, s7;
	s7 =	simm.s32 @!p0 $0x108  }
0x21: {  	s3 =	sadd.s32 s3, s9;
	s6 =	sadd.s32 @!p0 $0x88, s6;
	s7 =	simm.s32 @p2 $0x1082  }
0x22: {  	[simem:s7], [sflag:s8] =	dma.local @!p0 [hbm:s6], $0xF7A  }
0x23: {  	s9 =	sor.u32 $0xD0000000, s2;
	s6 =	simm.s32 $0x108;
	_ =	swait.ge @!p0 [sflag:s8], $0x0  }
0x24: {  	s3 =	sadd.s32 $0x88, s3;
	s6 =	simm.s32 @!p1 $0x1082;
	[sflag:s4] =	ssyncset.s32 $0xFFFFF086  }
0x25: {  	[simem:s6], [sflag:s4] =	dma.local [hbm:s3], $0xF7A  }
0x26: {  	[smem:$0x3F9A] =	sst s1;
	(tag) =	ssettag s2;
	_ =	strace s9  }
0x27: {  	s1 =	sld [smem:$0x3FAA]  }
0x28: {  	s2 =	sld [smem:$0x3FAB]  }
0x29: {  	s4 =	sld [smem:$0x3FAD]  }
0x2a: {  	p0 =	seq.s32 s5, $0x0;
	s5 =	sld [smem:$0x3FAE]  }
0x2b: {  	s6 =	sld [smem:$0x3FAF]  }
0x2c: {  	s7 =	sld [smem:$0x3FB0]  }
0x2d: {  	s3 =	simm.s32 $0x108;
	s8 =	sld [smem:$0x3FB1]  }
0x2e: {  	s3 =	simm.s32 @!p0 $0x1082;
	s9 =	sld [smem:$0x3FB2]  }
0x2f: {  	lr =	sadd.s32 s0, s3;
	s0 =	sld [smem:$0x3FA9]  }
0x30: {  	s3 =	sld [smem:$0x3FAC]  }
0x31: {  	[smem:$0x3FB5] =	sst s10  }
0x32: {  	s10 =	sld [smem:$0x3FB3];
	_ =	sdelay $0x3  }
0x33: {  	p0 =	seq.s32 s10, $0x1;
	s10 =	sld [smem:$0x3FB5];
	_ =	sdelay $0x3  }
0x34: {  	[smem:$0x3FB5] =	sst s10  }
0x35: {  	s10 =	sld [smem:$0x3FB4];
	_ =	sdelay $0x3  }
0x36: {  	p1 =	seq.s32 s10, $0x1;
	s10 =	sld [smem:$0x3FB5];
	_ =	sdelay $0x3  }
0x37: {  	[smem:$0x3FB5] =	sst s10  }
0x38: {  	s10 =	sld [smem:$0x3FB6]  }
0x39: {  	_ = 	snop;
	(pc) =	sbr.ind lr, $3  }
0x3a: {  	_ = 	snop  }
0x3b: {  	_ = 	snop  }
0x3c: {  	p2 =	seq.s32 s10, $0x1;
	s10 =	sld [smem:$0x3FB5]  }
0x3d: {  	_ =	shalt  }
0x3e: {  	_ =	shalt  }
0x3f: {  	_ =	shalt  }
0x40: {  	_ =	shalt  }
0x41: {  	_ =	shalt  }
0x42: {  	_ =	shalt  }
0x43: {  	_ =	shalt  }
0x44: {  	_ =	shalt  }
0x45: {  	_ =	shalt  }
0x46: {  	_ =	shalt  }
0x47: {  	_ =	shalt  }
0x48: {  	_ =	shalt  }
0x49: {  	_ =	shalt  }
0x4a: {  	_ =	shalt  }
0x4b: {  	_ =	shalt  }
0x4c: {  	_ =	shalt  }
0x4d: {  	_ =	shalt  }
0x4e: {  	_ =	shalt  }
0x4f: {  	_ =	shalt  }
0x50: {  	_ =	shalt  }
0x51: {  	_ =	shalt  }
0x52: {  	_ =	shalt  }
0x53: {  	_ =	shalt  }
0x54: {  	_ =	shalt  }
0x55: {  	_ =	shalt  }
0x56: {  	_ =	shalt  }
0x57: {  	_ =	shalt  }
0x58: {  	_ =	shalt  }
0x59: {  	_ =	shalt  }
0x5a: {  	_ =	shalt  }
0x5b: {  	_ =	shalt  }
0x5c: {  	_ =	shalt  }
0x5d: {  	_ =	shalt  }
0x5e: {  	_ =	shalt  }
0x5f: {  	_ =	shalt  }
0x60: {  	_ =	shalt  }
0x61: {  	_ =	shalt  }
0x62: {  	_ =	shalt  }
0x63: {  	_ =	shalt  }
0x64: {  	_ =	shalt  }
0x65: {  	_ =	shalt  }
0x66: {  	_ =	shalt  }
0x67: {  	_ =	shalt  }
0x68: {  	_ =	shalt  }
0x69: {  	_ =	shalt  }
0x6a: {  	_ =	shalt  }
0x6b: {  	_ =	shalt  }
0x6c: {  	_ =	shalt  }
0x6d: {  	_ =	shalt  }
0x6e: {  	_ =	shalt  }
0x6f: {  	_ =	shalt  }
0x70: {  	_ =	shalt  }
0x71: {  	_ =	shalt  }
0x72: {  	_ =	shalt  }
0x73: {  	_ =	shalt  }
0x74: {  	_ =	shalt  }
0x75: {  	_ =	shalt  }
0x76: {  	_ =	shalt  }
0x77: {  	_ =	shalt  }
0x78: {  	_ =	shalt  }
0x79: {  	_ =	shalt  }
0x7a: {  	_ =	shalt  }
0x7b: {  	_ =	shalt  }
0x7c: {  	_ =	shalt  }
0x7d: {  	_ =	shalt  }
0x7e: {  	_ =	shalt  }
0x7f: {  	_ =	shalt  }
0x80: {  	_ =	shalt  }
0x81: {  	_ =	shalt  }
0x82: {  	_ =	shalt  }
0x83: {  	_ =	shalt  }
0x84: {  	_ =	shalt  }
0x85: {  	_ =	shalt  }
0x86: {  	_ =	shalt  }
0x87: {  	_ =	shalt  }
.Lfunc_end0:
.L_simem_size_0:
called_computation.1_lowered:
.L_overlay_start_0:
0x88: {  	s2 =	sld [smem:$0x3FD9]  }
0x89: {  	s3 =	sld [smem:$0x3FFE];
	_ =	sdelay $0x1  }
0x8a: {  	s1 =	srdreg.scid  }
0x8b: {  	s0 =	sand.u32 $0x1, s1  }
0x8c: {  	s16 =	sshll.u32 s0, $0xA;
	s2 =	sadd.s32 s3, s2  }
0x8d: {  	s2 =	sadd.s32 s2, s16  }
0x8e: {  	[smem:$0x3FC1] =	sst s2  }
0x8f: {  	_ = 	snop  }
0x90: {  	(tm) =	ssettm $0x1  }
0x91: {  	s17 =	sld [smem:$0x3FFB];
	_ =	sdelay $0x3  }
0x92: {  	_ =	strace s17  }
0x93: {  	s2 =	sld [smem:$0x3FFC];
	_ =	sdelay $0x3  }
0x94: {  	_ =	strace s2  }
0x95: {  	s2 =	sld [smem:$0x3FFD];
	_ =	sdelay $0x3  }
0x96: {  	_ =	strace s2  }
0x97: {  	_ =	strace $0x8FFFFFFF  }
0x98: {  	s18 =	sld [smem:$0x3FDB];
	_ =	sdelay $0x1  }
0x99: {  	s19 =	simm.s32 $_scs_section_size  }
0x9a: {  	s4 =	simm.s32 $_size__tile_overlayer_lowered;
	s5 =	simm.s32 $_tile_overlayer_lowered  }
0x9b: {  	s22 =	simm.s32 $0x1BFF;
	s21 =	sshll.u32 s5, $0x1;
	s2 =	sadd.s32 s19, s18  }
0x9c: {  	s6 =	simm.s32 $0x0;
	s20 =	sshll.u32 s4, $0x1;
	s4 =	sadd.s32 s21, s2  }
0x9d: {  	[timem:s6], [sflag:s22] =	dma.local [hbm:s4], s20  }
0x9e: {  	_ =	swait.ge [sflag:s22], s20  }
0x9f: {  	s3 =	ssub.s32 $0x0, s20;
	[sflag:s22] =	ssyncset.done $0x0  }
0xa0: {  	[sflag:s22] =	ssyncadd.s32 s3;
	_ =	sdelay $0x1  }
0xa1: {  	s23 =	simm.s32 $0x1B8B  }
0xa2: {  	_ =	swait.ge [sflag:s23], $0x1  }
0xa3: {  	[sflag:s23] =	ssyncset.done $0x0  }
0xa4: {  	s25 =	simm.s32 $0x1B8E;
	s24 =	sld [smem:$0x3FFE];
	[sflag:s23] =	ssyncadd.s32 $0xFFFFFFFF  }
0xa5: {  	s26 =	simm.s32 $execute0_lowered;
	[smem:$0x3FD2] =	sst s25  }
0xa6: {  	s4 =	sshll.u32 s26, $0x1;
	_ =	strace $0x80000049;
	[dreg:$0x1] =	wrdreg $0xFFFFFFFF  }
0xa7: {  	s28 =	simm.s32 $_size_execute0_lowered;
	s2 =	sadd.s32 s2, s4;
	[dreg:$0x0] =	wrdreg $0x0  }
0xa8: {  	s4 =	sshll.u32 s28, $0x1;
	[dreg:$0x2] =	wrdreg s2  }
0xa9: {  	[dreg:$0x3] =	wrdreg s4  }
0xaa: {  	[dreg:$0x4] =	wrdreg $0xC0  }
0xab: {  	_ =	task [dreg:s6], $0x5FFFF  }
0xac: {  	[dreg:$0x1] =	wrdreg $0xFFFFFFFF  }
0xad: {  	[dreg:$0x0] =	wrdreg $0x60  }
0xae: {  	[dreg:$0x2] =	wrdreg s24  }
0xaf: {  	[dreg:$0x3] =	wrdreg $0xC0000  }
0xb0: {  	[dreg:$0x4] =	wrdreg $0x9  }
0xb1: {  	_ =	task.clear_ibuf [dreg:s6], $0x5FFFF;
	_ =	strace $0x90000049  }
0xb2: {  	s29 =	simm.s32 $0x9;
	_ =	strace $0x8000004B  }
0xb3: {  	_ =	swait.ge [sflag:s29], $0x1  }
0xb4: {  	[sflag:s29] =	ssyncadd.s32 $0xFFFFFFFF  }
0xb5: {  	_ =	strace $0x9000004B  }
0xb6: {  	_ =	sfence  }
0xb7: {  	s30 =	sld [smem:$0x0];
	_ =	sdelay $0x2  }
0xb8: {  	s31 =	sshll.u32 s1, $0xD;
	s1 =	sshrl.u32 s1, $0x2  }
0xb9: {  	s3 =	sand.u32 $0x4000, s31;
	s1 =	sadd.s32 s1, s30  }
0xba: {  	s0 =	sor.u32 s3, s0;
	s1 =	sshll.u32 s1, $0x11  }
0xbb: {  	s0 =	sor.u32 s1, s0  }
0xbc: {  	s0 =	sadd.s32 $0x8F2B, s0  }
0xbd: {  	[sflag:s0] =	ssyncadd.remote.s32 $0x1  }
0xbe: {  	_ =	sfence.sel $0xFFFF  }
0xbf: {  	[dreg:$0x0] =	wrdreg $0xFFFFFFFF;
	(pc) =	sbr.abs _section_cstart, $3  }
0xc0: {  	[dreg:$0x1] =	wrdreg $0xFFFFFFFF  }
0xc1: {  	_ =	task.clear_ibuf [dreg:s6], $0x2FFFF;
	_ =	strace $0x9FFFFFFF  }
0xc2: {  	(tm) =	ssettm $0x7FFFFFFF  }
0xc3: {  	_ =	shalt  }
tec
execute0_lowered:
.L_overlay_start_1:
0x0: {  	(tag) =	ssettag $0x1  }
0x1: {  	s18 =	stileid.u32  }
0x2: {  	s5 =	smul.u32 $0x500, s18  }
0x3: {  	s3 =	rddreg [dreg:$0x0];
	s6 =	smul.u32 $0x50, s18  }
0x4: {  	s1 =	rddreg [dreg:$0x1];
	s10 =	smul.u32 $0x140000, s18  }
0x5: {  	s0 =	srdreg.scid;
	s23 =	smul.u32 $0x4E000, s18  }
0x6: {  	s2 =	simm.s32 $0x0;
	s0 =	sand.u32 $0x1, s0;
	s13 =	smul.u32 $0x13800, s18  }
0x7: {  	[smem:$0x7FF] =	sst s2;
	s8 =	smul.u32 $0x2800000, s0  }
0x8: {  	s4 =	sadd.s32 $0xC63A00, s3;
	s11 =	sadd.s32 $0x1A00, s3;
	s12 =	smul.u32 $0x271000, s0  }
0x9: {  	p0 =	sne.s32 s18, $0x0;
	_ =	strace $0x8000004A;
	s17 =	smul.u32 $0x28, s0  }
0xa: {  	s7 =	ssub.s32 $0x2, s0;
	s15 =	sshllo.u32 s0, $0x1;
	s19 =	smul.u32 $0x138800, s0  }
0xb: {  	s5 =	sadd.s32 s5, s3;
	s9 =	sshrl.u32 s7, $0x1;
	s16 =	smul.u32 $0x1400000, s15  }
0xc: {  	s24 =	sshrl.u32 s23, $0x2;
	s26 =	sor.u32 $0x4000, s10;
	s30 =	smul.u32 $0x138800, s15  }
0xd: {  	s3 =	ssub.s32 s7, s9;
	s5 =	sadd.s32 $0x281A00, s5;
	s9 =	sadd.s32 s10, s8  }
0xe: {  	s8 =	sadd.s32 s8, s26;
	s14 =	sadd.s32 s13, s12;
	s29 =	sshrl.u32 s12, $0x3  }
0xf: {  	s6 =	sadd.s32 s17, s6;
	s21 =	sadd.s32 s13, s19;
	s17 =	smul.u32 $0x14000, s0  }
0x10: {  	s23 =	sshrl.u32 s19, $0x3;
	s0 =	smul.u32 $0x5000, s0;
	[dreg:$0x3] =	wrdreg s5  }
0x11: {  	s25 =	sshrl.u32 s9, $0x3;
	s5 =	sadd.s32 s24, s1;
	s8 =	sshrl.u32 s8, $0x3  }
0x12: {  	s14 =	sshrl.u32 s14, $0x3;
	s10 =	sadd.s32 s10, s16;
	s15 =	sadd.s32 s13, s30  }
0x13: {  	s22 =	sshrl.u32 s30, $0x3;
	s6 =	sshll.u32 s6, $0xB;
	s24 =	sor.u32 $0xC000, s9  }
0x14: {  	s30 =	smul.u32 $0x28000, s18;
	s3 =	smax.u32 s3, $0x1;
	s18 =	simm.s32 $0xA800  }
0x15: {  	s7 =	sadd.s32 s4, s25;
	s8 =	sadd.s32 s4, s8;
	s28 =	sadd.s32 s11, s14  }
0x16: {  	s10 =	sshrl.u32 s10, $0x3;
	s20 =	sshrl.u32 s15, $0x3;
	[dreg:$0x10] =	wrdreg s3  }
0x17: {  	s6 =	sadd.s32 s4, s6;
	s25 =	sor.u32 $0x8000, s9;
	[dreg:$0x4] =	wrdreg s7  }
0x18: {  	s31 =	sadd.s32 $0x1800, s5;
	s3 =	sadd.s32 $0xC000, s5;
	[dreg:$0x5] =	wrdreg s8  }
0x19: {  	[dreg:$0x6] =	wrdreg s28;
	s8 =	sadd.s32 s11, s29;
	s7 =	sadd.s32 s26, s16  }
0x1a: {  	s10 =	sadd.s32 s4, s10;
	s26 =	sshrl.u32 s24, $0x3;
	s28 =	sshrl.u32 s25, $0x3  }
0x1b: {  	s29 =	sadd.s32 $0x140C000, s9;
	s9 =	sadd.s32 $0x1408000, s9;
	s16 =	sadd.s32 $0xA00000, s6  }
0x1c: {  	s6 =	sadd.s32 $0xA00800, s6;
	s24 =	sshrl.u32 s0, $0x2;
	s25 =	sadd.s32 $0x7800, s5  }
0x1d: {  	s7 =	sshrl.u32 s7, $0x3;
	[dreg:$0x7] =	wrdreg s10;
	s10 =	sadd.s32 s11, s22  }
0x1e: {  	s12 =	sadd.s32 s26, s4;
	s13 =	sadd.s32 s28, s4;
	[dreg:$0xc] =	wrdreg s16  }
0x1f: {  	s14 =	sshrl.u32 s29, $0x3;
	s9 =	sshrl.u32 s9, $0x3;
	[dreg:$0xd] =	wrdreg s6  }
0x20: {  	s8 =	sadd.s32 $0x27000, s8;
	s22 =	sadd.s32 $0x4800, s5;
	[dreg:$0x15] =	wrdreg s25  }
0x21: {  	s26 =	sadd.s32 $0x9000, s5;
	s28 =	sadd.s32 $0xA800, s5;
	[dreg:$0xa] =	wrdreg s8  }
0x22: {  	s6 =	sadd.s32 $0xF000, s5;
	s29 =	sadd.s32 $0x1300, s24;
	[dreg:$0x13] =	wrdreg s22  }
0x23: {  	s7 =	sadd.s32 s4, s7;
	s14 =	sadd.s32 s14, s4;
	[dreg:$0x16] =	wrdreg s26  }
0x24: {  	s15 =	sadd.s32 s9, s4;
	s4 =	sadd.s32 s30, s4;
	[dreg:$0x17] =	wrdreg s28  }
0x25: {  	s10 =	sadd.s32 $0x27000, s10;
	s8 =	sadd.s32 $0x12000, s5;
	[dreg:$0x18] =	wrdreg s29  }
0x26: {  	s9 =	sadd.s32 $0x138000, s1;
	s30 =	sadd.s32 $0x1380, s24;
	[dreg:$0x8] =	wrdreg s7  }
0x27: {  	s22 =	simm.s32 $0x80;
	s7 =	sadd.s32 s11, s20;
	[dreg:$0xb] =	wrdreg s10  }
0x28: {  	s4 =	sadd.s32 s17, s4;
	[dreg:$0x19] =	wrdreg s30;
	s10 =	simm.s32 $0x0  }
0x29: {  	[dreg:$0x9] =	wrdreg s7;
	s7 =	sshrl.u32 s21, $0x3;
	s20 =	sadd.s32 $0xA01800, s4  }
0x2a: {  	s21 =	sadd.s32 $0x3000, s5;
	s4 =	sadd.s32 $0xD800, s5;
	[dreg:$0x11] =	wrdreg s20  }
0x2b: {  	s7 =	sadd.s32 s11, s7;
	s11 =	sadd.s32 s11, s23;
	[dreg:$0x12] =	wrdreg s21  }
0x2c: {  	s23 =	sadd.s32 $0x6000, s5;
	s20 =	simm.s32 $0x6800;
	s21 =	simm.s32 $0x1  }
0x2d: {  	s17 =	sadd.s32 $0x9C400, s7;
	s19 =	sadd.s32 $0xC3400, s11;
	[dreg:$0x14] =	wrdreg s23  }
0x2e: {  	s7 =	sadd.s32 $0x10800, s5;
	s23 =	simm.s32 $0x2;
	[dreg:$0xe] =	wrdreg s17  }
0x2f: {  	v0 =	vimm.f32 $0.0e+00;
	[dreg:$0xf] =	wrdreg s19;
	s17 =	simm.s32 $0x3;
	s19 =	simm.s32 $0x2800  }
.LBB2_1:
0x30: {  	s11 =	sand.u32 $0x7E00, s2  }
0x31: {  	s16 =	sand.u32 $0x70, s2;
	s25 =	sshrl.u32 s11, $0x2  }
0x32: {  	s11 =	simm.s32 $0x40;
	s25 =	sor.u32 s16, s25;
	s16 =	simm.s32 $0x0  }
.LBB2_2:
0x33: {  	p1 =	sne.s32 s11, $0x5FC0  }
0x34: {  	[tilespmem:s25+$0xA800] =	vst v0;
	s16 =	sadd.s32 $0x10, s16;
	s25 =	smov.u32 s11;
	s11 =	sadd.s32 $0x40, s11  }
.Ltmp0:
0x35: {  	(pc) =	sbr.rel @p1 .LBB2_2-.Ltmp0, $4  }
0x36: {  	_ = 	snop  }
0x37: {  	s25 =	sand.u32 $0x7E00, s25  }
0x38: {  	s26 =	sand.u32 $0x70, s16;
	s25 =	sshrl.u32 s25, $0x2  }
0x39: {  	s25 =	sor.u32 s26, s25  }
0x3a: {  	[tilespmem:s25+$0xA800] =	vst v0;
	s11 =	rddreg [dreg:$0x3]  }
0x3b: {  	[tilespmem:s2], [sflag:$0x3] =	stream.linear.gather [hbm4b:s11+s2], $0x2800, $0x38;
	[tilespmem:$0x1F880] =	vst v63  }
0x3c: {  	_ =	swait.ge [sflag:s17], $0x2800  }
0x3d: {  	[sflag:s17] =	ssyncset.done $0x0  }
0x3e: {  	[sflag:s17] =	ssyncadd.s32 $0xFFFFD800  }
0x3f: {  	[spmem:s5] =	stream.linear.scatter [tilespmem:s18], [sflag:$0x3], $0x1800, $0x38;
	[tilespmem:$0x1F880] =	vst v63  }
0x40: {  	_ =	swait.ge [sflag:s17], $0x1800  }
0x41: {  	[sflag:s17] =	ssyncset.done $0x0  }
0x42: {  	[sflag:s17] =	ssyncadd.s32 $0xFFFFE800  }
0x43: {  	[spmem:s31] =	stream.linear.scatter [tilespmem:s18], [sflag:$0x3], $0x1800, $0x38;
	[tilespmem:$0x1F880] =	vst v63  }
0x44: {  	_ =	swait.ge [sflag:s17], $0x1800  }
0x45: {  	[sflag:s17] =	ssyncset.done $0x0  }
0x46: {  	s0 =	rddreg [dreg:$0x12];
	[sflag:s17] =	ssyncadd.s32 $0xFFFFE800  }
0x47: {  	[spmem:s0] =	stream.linear.scatter [tilespmem:s18], [sflag:$0x3], $0x1800, $0x38;
	[tilespmem:$0x1F880] =	vst v63  }
0x48: {  	_ =	swait.ge [sflag:s17], $0x1800  }
0x49: {  	[sflag:s17] =	ssyncset.done $0x0  }
0x4a: {  	s29 =	rddreg [dreg:$0x13];
	[sflag:s17] =	ssyncadd.s32 $0xFFFFE800  }
0x4b: {  	[spmem:s29] =	stream.linear.scatter [tilespmem:s18], [sflag:$0x3], $0x1800, $0x38;
	[tilespmem:$0x1F880] =	vst v63  }
0x4c: {  	_ =	swait.ge [sflag:s17], $0x1800  }
0x4d: {  	[sflag:s17] =	ssyncset.done $0x0  }
0x4e: {  	s30 =	rddreg [dreg:$0x14];
	[sflag:s17] =	ssyncadd.s32 $0xFFFFE800  }
0x4f: {  	[spmem:s30] =	stream.linear.scatter [tilespmem:s18], [sflag:$0x3], $0x1800, $0x38;
	[tilespmem:$0x1F880] =	vst v63  }
0x50: {  	_ =	swait.ge [sflag:s17], $0x1800  }
0x51: {  	[sflag:s17] =	ssyncset.done $0x0  }
0x52: {  	s11 =	rddreg [dreg:$0x15];
	[sflag:s17] =	ssyncadd.s32 $0xFFFFE800  }
0x53: {  	[spmem:s11] =	stream.linear.scatter [tilespmem:s18], [sflag:$0x3], $0x1800, $0x38;
	[tilespmem:$0x1F880] =	vst v63  }
0x54: {  	_ =	swait.ge [sflag:s17], $0x1800  }
0x55: {  	[sflag:s17] =	ssyncset.done $0x0  }
0x56: {  	s16 =	rddreg [dreg:$0x16];
	[sflag:s17] =	ssyncadd.s32 $0xFFFFE800  }
0x57: {  	[spmem:s16] =	stream.linear.scatter [tilespmem:s18], [sflag:$0x3], $0x1800, $0x38;
	[tilespmem:$0x1F880] =	vst v63  }
0x58: {  	_ =	swait.ge [sflag:s17], $0x1800  }
0x59: {  	[sflag:s17] =	ssyncset.done $0x0  }
0x5a: {  	s25 =	rddreg [dreg:$0x17];
	[sflag:s17] =	ssyncadd.s32 $0xFFFFE800  }
0x5b: {  	[spmem:s25] =	stream.linear.scatter [tilespmem:s18], [sflag:$0x3], $0x1800, $0x38;
	[tilespmem:$0x1F880] =	vst v63  }
0x5c: {  	_ =	swait.ge [sflag:s17], $0x1800  }
0x5d: {  	[sflag:s17] =	ssyncset.done $0x0  }
0x5e: {  	[sflag:s17] =	ssyncadd.s32 $0xFFFFE800  }
0x5f: {  	[spmem:s3] =	stream.linear.scatter [tilespmem:s18], [sflag:$0x3], $0x1800, $0x38;
	[tilespmem:$0x1F880] =	vst v63  }
0x60: {  	_ =	swait.ge [sflag:s17], $0x1800  }
0x61: {  	[sflag:s17] =	ssyncset.done $0x0  }
0x62: {  	[sflag:s17] =	ssyncadd.s32 $0xFFFFE800  }
0x63: {  	[spmem:s4] =	stream.linear.scatter [tilespmem:s18], [sflag:$0x3], $0x1800, $0x38;
	[tilespmem:$0x1F880] =	vst v63  }
0x64: {  	_ =	swait.ge [sflag:s17], $0x1800  }
0x65: {  	[sflag:s17] =	ssyncset.done $0x0  }
0x66: {  	[sflag:s17] =	ssyncadd.s32 $0xFFFFE800  }
0x67: {  	[spmem:s6] =	stream.linear.scatter [tilespmem:s18], [sflag:$0x3], $0x1800, $0x38;
	[tilespmem:$0x1F880] =	vst v63  }
0x68: {  	_ =	swait.ge [sflag:s17], $0x1800  }
0x69: {  	[sflag:s17] =	ssyncset.done $0x0  }
0x6a: {  	[sflag:s17] =	ssyncadd.s32 $0xFFFFE800  }
0x6b: {  	[spmem:s7] =	stream.linear.scatter [tilespmem:s18], [sflag:$0x3], $0x1800, $0x38;
	[tilespmem:$0x1F880] =	vst v63  }
0x6c: {  	_ =	swait.ge [sflag:s17], $0x1800  }
0x6d: {  	[sflag:s17] =	ssyncset.done $0x0  }
0x6e: {  	[sflag:s17] =	ssyncadd.s32 $0xFFFFE800  }
0x6f: {  	[spmem:s8] =	stream.linear.scatter [tilespmem:s18], [sflag:$0x3], $0x1800, $0x38;
	[tilespmem:$0x1F880] =	vst v63  }
0x70: {  	_ =	swait.ge [sflag:s17], $0x1800  }
0x71: {  	[sflag:s17] =	ssyncset.done $0x0  }
0x72: {  	s11 =	simm.s32 @!p0 $0xA800;
	[sflag:s17] =	ssyncadd.s32 $0xFFFFE800  }
0x73: {  	[spmem:s9] =	stream.linear.scatter @!p0 [tilespmem:s11], [sflag:$0x3], $0x800, $0x38;
	[tilespmem:$0x1F880] =	vst v63  }
0x74: {  	s11 =	simm.s32 @!p0 $0x3  }
0x75: {  	_ =	swait.ge @!p0 [sflag:s11], $0x800  }
0x76: {  	[sflag:s11] =	ssyncset.done @!p0 $0x0  }
0x77: {  	[sflag:s11] =	ssyncadd.s32 @!p0 $0xFFFFF800  }
0x78: {  	[bflag:$0x0] =	sbarrier.arrive $0xFFFF  }
0x79: {  	s26 =	simm.s32 $0x0;
	s16 =	rddreg [dreg:$0x4]  }
0x7a: {  	[tilespmem:s19], [sflag:$0x1] =	stream.linear.gather [hbm4b:s16+s26], $0x4000, $0x38;
	[tilespmem:$0x1F880] =	vst v63  }
0x7b: {  	s28 =	rddreg [dreg:$0x5]  }
0x7c: {  	[tilespmem:s20], [sflag:$0x2] =	stream.linear.gather [hbm4b:s28+s26], $0x4000, $0x38;
	[tilespmem:$0x1F880] =	vst v63  }
0x7d: {  	_ =	swait.ge [sflag:s21], $0x4000  }
0x7e: {  	[sflag:s21] =	ssyncset.done $0x0  }
0x7f: {  	[sflag:s21] =	ssyncadd.s32 $0xFFFFC000  }
0x80: {  	[spmem:s1] =	stream.indirect.scatter.add.f32 [tilespmem:s19], [sflag:$0x3], $0x80, s26, s22, $0xb8;
	[tilespmem:$0x1F880] =	vst v63  }
0x81: {  	_ =	swait.ge [sflag:s17], $0x4000  }
0x82: {  	[sflag:s17] =	ssyncset.done $0x0  }
0x83: {  	s29 =	sadd.s32 $0x0, s13;
	[sflag:s17] =	ssyncadd.s32 $0xFFFFC000  }
0x84: {  	[tilespmem:s19], [sflag:$0x1] =	stream.linear.gather [hbm4b:s29+s2], $0x4000, $0x38;
	[tilespmem:$0x1F880] =	vst v63  }
0x85: {  	_ =	swait.ge [sflag:s23], $0x4000  }
0x86: {  	[sflag:s23] =	ssyncset.done $0x0  }
0x87: {  	s30 =	simm.s32 $0x80;
	[sflag:s23] =	ssyncadd.s32 $0xFFFFC000  }
0x88: {  	[spmem:s1] =	stream.indirect.scatter.add.f32 [tilespmem:s20], [sflag:$0x3], $0x80, s30, s22, $0xb8;
	[tilespmem:$0x1F880] =	vst v63  }
0x89: {  	_ =	swait.ge [sflag:s17], $0x4000  }
0x8a: {  	s25 =	sadd.s32 $0x0, s12;
	[sflag:s17] =	ssyncset.done $0x0  }
0x8b: {  	s11 =	simm.s32 $0x1000;
	s16 =	simm.s32 $0x100;
	[sflag:s17] =	ssyncadd.s32 $0xFFFFC000  }
.LBB2_4:
0x8c: {  	[tilespmem:s20], [sflag:$0x2] =	stream.linear.gather [hbm4b:s25+s2], $0x4000, $0x38;
	[tilespmem:$0x1F880] =	vst v63  }
0x8d: {  	s25 =	smov.u32 s11  }
0x8e: {  	p1 =	sne.s32 s11, $0x26000;
	s11 =	sadd.s32 $0x1000, s11;
	_ =	swait.ge [sflag:s21], $0x4000  }
0x8f: {  	[sflag:s21] =	ssyncset.done $0x0  }
0x90: {  	[sflag:s21] =	ssyncadd.s32 $0xFFFFC000  }
0x91: {  	[spmem:s1] =	stream.indirect.scatter.add.f32 [tilespmem:s19], [sflag:$0x3], $0x80, s16, s22, $0xb8;
	[tilespmem:$0x1F880] =	vst v63  }
0x92: {  	_ =	swait.ge [sflag:s17], $0x4000  }
0x93: {  	[sflag:s17] =	ssyncset.done $0x0  }
0x94: {  	s26 =	sadd.s32 s25, s13;
	[sflag:s17] =	ssyncadd.s32 $0xFFFFC000  }
0x95: {  	[tilespmem:s19], [sflag:$0x1] =	stream.linear.gather [hbm4b:s26+s2], $0x4000, $0x38;
	[tilespmem:$0x1F880] =	vst v63  }
0x96: {  	_ =	swait.ge [sflag:s23], $0x4000  }
0x97: {  	[sflag:s23] =	ssyncset.done $0x0  }
.Ltmp1:
0x98: {  	s26 =	sadd.s32 $0x80, s16;
	[sflag:s23] =	ssyncadd.s32 $0xFFFFC000;
	(pc) =	sbr.rel @p1 .LBB2_4-.Ltmp1, $4  }
0x99: {  	[spmem:s1] =	stream.indirect.scatter.add.f32 [tilespmem:s20], [sflag:$0x3], $0x80, s26, s22, $0xb8;
	[tilespmem:$0x1F880] =	vst v63  }
0x9a: {  	_ =	swait.ge [sflag:s17], $0x4000  }
0x9b: {  	[sflag:s17] =	ssyncset.done $0x0  }
0x9c: {  	s25 =	sadd.s32 s25, s12;
	s16 =	sadd.s32 $0x100, s16;
	[sflag:s17] =	ssyncadd.s32 $0xFFFFC000  }
0x9d: {  	[tilespmem:s20], [sflag:$0x2] =	stream.linear.gather [hbm4b:s25+s2], $0x4000, $0x38;
	[tilespmem:$0x1F880] =	vst v63  }
0x9e: {  	_ =	swait.ge [sflag:s21], $0x4000  }
0x9f: {  	[sflag:s21] =	ssyncset.done $0x0  }
0xa0: {  	s0 =	simm.s32 $0x2700;
	[sflag:s21] =	ssyncadd.s32 $0xFFFFC000  }
0xa1: {  	[spmem:s1] =	stream.indirect.scatter.add.f32 [tilespmem:s19], [sflag:$0x3], $0x80, s0, s22, $0xb8;
	[tilespmem:$0x1F880] =	vst v63  }
0xa2: {  	_ =	swait.ge [sflag:s17], $0x4000  }
0xa3: {  	[sflag:s17] =	ssyncset.done $0x0  }
0xa4: {  	[sflag:s17] =	ssyncadd.s32 $0xFFFFC000  }
0xa5: {  	_ =	swait.ge [sflag:s23], $0x4000  }
0xa6: {  	[sflag:s23] =	ssyncset.done $0x0  }
0xa7: {  	s25 =	simm.s32 $0x2780;
	[sflag:s23] =	ssyncadd.s32 $0xFFFFC000  }
0xa8: {  	[spmem:s1] =	stream.indirect.scatter.add.f32 [tilespmem:s20], [sflag:$0x3], $0x80, s25, s22, $0xb8;
	[tilespmem:$0x1F880] =	vst v63  }
0xa9: {  	_ =	swait.ge [sflag:s17], $0x4000  }
0xaa: {  	[sflag:s17] =	ssyncset.done $0x0  }
0xab: {  	s11 =	stileid.u32;
	[sflag:s17] =	ssyncadd.s32 $0xFFFFC000  }
0xac: {  	s11 =	sshll.u32 s11, $0x6;
	[bflag:$0x0] =	sbarrier.arrive $0xFFFF  }
0xad: {  	s16 =	sshrl.u32 s5, $0x3;
	s11 =	sor.u32 $0x1C03, s11;
	s26 =	rddreg [dreg:$0x6]  }
0xae: {  	[hbm:s26], [sflag:s11] =	dma.local [spmem:s16], $0x2700  }
0xaf: {  	_ =	swait.ge [sflag:s17], $0x2700  }
0xb0: {  	s25 =	simm.s32 @!p0 $0x3;
	[sflag:s17] =	ssyncset.done $0x0  }
0xb1: {  	s26 =	sshrl.u32 @!p0 s9, $0x3;
	s0 =	rddreg [dreg:$0xa];
	[sflag:s17] =	ssyncadd.s32 $0xFFFFD900  }
0xb2: {  	[hbm:s0], [sflag:s11] =	dma.local @!p0 [spmem:s26], $0x100  }
0xb3: {  	_ =	swait.ge @!p0 [sflag:s25], $0x100  }
0xb4: {  	[sflag:s25] =	ssyncset.done @!p0 $0x0  }
0xb5: {  	[sflag:s25] =	ssyncadd.s32 @!p0 $0xFFFFFF00  }
0xb6: {  	[bflag:$0x0] =	sbarrier.arrive $0xFFFF  }
0xb7: {  	[spmem:s5] =	stream.linear.scatter [tilespmem:s18], [sflag:$0x3], $0x1800, $0x38;
	[tilespmem:$0x1F880] =	vst v63  }
0xb8: {  	_ =	swait.ge [sflag:s17], $0x1800  }
0xb9: {  	[sflag:s17] =	ssyncset.done $0x0  }
0xba: {  	[sflag:s17] =	ssyncadd.s32 $0xFFFFE800  }
0xbb: {  	[spmem:s31] =	stream.linear.scatter [tilespmem:s18], [sflag:$0x3], $0x1800, $0x38;
	[tilespmem:$0x1F880] =	vst v63  }
0xbc: {  	_ =	swait.ge [sflag:s17], $0x1800  }
0xbd: {  	[sflag:s17] =	ssyncset.done $0x0  }
0xbe: {  	s30 =	rddreg [dreg:$0x12];
	[sflag:s17] =	ssyncadd.s32 $0xFFFFE800  }
0xbf: {  	[spmem:s30] =	stream.linear.scatter [tilespmem:s18], [sflag:$0x3], $0x1800, $0x38;
	[tilespmem:$0x1F880] =	vst v63  }
0xc0: {  	_ =	swait.ge [sflag:s17], $0x1800  }
0xc1: {  	[sflag:s17] =	ssyncset.done $0x0  }
0xc2: {  	s30 =	rddreg [dreg:$0x13];
	[sflag:s17] =	ssyncadd.s32 $0xFFFFE800  }
0xc3: {  	[spmem:s30] =	stream.linear.scatter [tilespmem:s18], [sflag:$0x3], $0x1800, $0x38;
	[tilespmem:$0x1F880] =	vst v63  }
0xc4: {  	_ =	swait.ge [sflag:s17], $0x1800  }
0xc5: {  	[sflag:s17] =	ssyncset.done $0x0  }
0xc6: {  	s30 =	rddreg [dreg:$0x14];
	[sflag:s17] =	ssyncadd.s32 $0xFFFFE800  }
0xc7: {  	[spmem:s30] =	stream.linear.scatter [tilespmem:s18], [sflag:$0x3], $0x1800, $0x38;
	[tilespmem:$0x1F880] =	vst v63  }
0xc8: {  	_ =	swait.ge [sflag:s17], $0x1800  }
0xc9: {  	[sflag:s17] =	ssyncset.done $0x0  }
0xca: {  	s30 =	rddreg [dreg:$0x15];
	[sflag:s17] =	ssyncadd.s32 $0xFFFFE800  }
0xcb: {  	[spmem:s30] =	stream.linear.scatter [tilespmem:s18], [sflag:$0x3], $0x1800, $0x38;
	[tilespmem:$0x1F880] =	vst v63  }
0xcc: {  	_ =	swait.ge [sflag:s17], $0x1800  }
0xcd: {  	[sflag:s17] =	ssyncset.done $0x0  }
0xce: {  	s30 =	rddreg [dreg:$0x16];
	[sflag:s17] =	ssyncadd.s32 $0xFFFFE800  }
0xcf: {  	[spmem:s30] =	stream.linear.scatter [tilespmem:s18], [sflag:$0x3], $0x1800, $0x38;
	[tilespmem:$0x1F880] =	vst v63  }
0xd0: {  	_ =	swait.ge [sflag:s17], $0x1800  }
0xd1: {  	[sflag:s17] =	ssyncset.done $0x0  }
0xd2: {  	s30 =	rddreg [dreg:$0x17];
	[sflag:s17] =	ssyncadd.s32 $0xFFFFE800  }
0xd3: {  	[spmem:s30] =	stream.linear.scatter [tilespmem:s18], [sflag:$0x3], $0x1800, $0x38;
	[tilespmem:$0x1F880] =	vst v63  }
0xd4: {  	_ =	swait.ge [sflag:s17], $0x1800  }
0xd5: {  	[sflag:s17] =	ssyncset.done $0x0  }
0xd6: {  	[sflag:s17] =	ssyncadd.s32 $0xFFFFE800  }
0xd7: {  	[spmem:s3] =	stream.linear.scatter [tilespmem:s18], [sflag:$0x3], $0x1800, $0x38;
	[tilespmem:$0x1F880] =	vst v63  }
0xd8: {  	_ =	swait.ge [sflag:s17], $0x1800  }
0xd9: {  	[sflag:s17] =	ssyncset.done $0x0  }
0xda: {  	[sflag:s17] =	ssyncadd.s32 $0xFFFFE800  }
0xdb: {  	[spmem:s4] =	stream.linear.scatter [tilespmem:s18], [sflag:$0x3], $0x1800, $0x38;
	[tilespmem:$0x1F880] =	vst v63  }
0xdc: {  	_ =	swait.ge [sflag:s17], $0x1800  }
0xdd: {  	[sflag:s17] =	ssyncset.done $0x0  }
0xde: {  	[sflag:s17] =	ssyncadd.s32 $0xFFFFE800  }
0xdf: {  	[spmem:s6] =	stream.linear.scatter [tilespmem:s18], [sflag:$0x3], $0x1800, $0x38;
	[tilespmem:$0x1F880] =	vst v63  }
0xe0: {  	_ =	swait.ge [sflag:s17], $0x1800  }
0xe1: {  	[sflag:s17] =	ssyncset.done $0x0  }
0xe2: {  	[sflag:s17] =	ssyncadd.s32 $0xFFFFE800  }
0xe3: {  	[spmem:s7] =	stream.linear.scatter [tilespmem:s18], [sflag:$0x3], $0x1800, $0x38;
	[tilespmem:$0x1F880] =	vst v63  }
0xe4: {  	_ =	swait.ge [sflag:s17], $0x1800  }
0xe5: {  	[sflag:s17] =	ssyncset.done $0x0  }
0xe6: {  	[sflag:s17] =	ssyncadd.s32 $0xFFFFE800  }
0xe7: {  	[spmem:s8] =	stream.linear.scatter [tilespmem:s18], [sflag:$0x3], $0x1800, $0x38;
	[tilespmem:$0x1F880] =	vst v63  }
0xe8: {  	_ =	swait.ge [sflag:s17], $0x1800  }
0xe9: {  	[sflag:s17] =	ssyncset.done $0x0  }
0xea: {  	s28 =	simm.s32 @!p0 $0xA800;
	[sflag:s17] =	ssyncadd.s32 $0xFFFFE800  }
0xeb: {  	[spmem:s9] =	stream.linear.scatter @!p0 [tilespmem:s28], [sflag:$0x3], $0x800, $0x38;
	[tilespmem:$0x1F880] =	vst v63  }
0xec: {  	_ =	swait.ge @!p0 [sflag:s25], $0x800  }
0xed: {  	[sflag:s25] =	ssyncset.done @!p0 $0x0  }
0xee: {  	[sflag:s25] =	ssyncadd.s32 @!p0 $0xFFFFF800  }
0xef: {  	[bflag:$0x0] =	sbarrier.arrive $0xFFFF  }
0xf0: {  	s30 =	simm.s32 $0x0;
	s28 =	rddreg [dreg:$0x7]  }
0xf1: {  	[tilespmem:s19], [sflag:$0x1] =	stream.linear.gather [hbm4b:s28+s30], $0x4000, $0x38;
	[tilespmem:$0x1F880] =	vst v63  }
0xf2: {  	s28 =	rddreg [dreg:$0x8]  }
0xf3: {  	[tilespmem:s20], [sflag:$0x2] =	stream.linear.gather [hbm4b:s28+s30], $0x4000, $0x38;
	[tilespmem:$0x1F880] =	vst v63  }
0xf4: {  	_ =	swait.ge [sflag:s21], $0x4000  }
0xf5: {  	[sflag:s21] =	ssyncset.done $0x0  }
0xf6: {  	[sflag:s21] =	ssyncadd.s32 $0xFFFFC000  }
0xf7: {  	[spmem:s1] =	stream.indirect.scatter.add.f32 [tilespmem:s19], [sflag:$0x3], $0x80, s30, s22, $0xb8;
	[tilespmem:$0x1F880] =	vst v63  }
0xf8: {  	_ =	swait.ge [sflag:s17], $0x4000  }
0xf9: {  	[sflag:s17] =	ssyncset.done $0x0  }
0xfa: {  	s0 =	sadd.s32 $0x0, s15;
	[sflag:s17] =	ssyncadd.s32 $0xFFFFC000  }
0xfb: {  	[tilespmem:s19], [sflag:$0x1] =	stream.linear.gather [hbm4b:s0+s2], $0x4000, $0x38;
	[tilespmem:$0x1F880] =	vst v63  }
0xfc: {  	_ =	swait.ge [sflag:s23], $0x4000  }
0xfd: {  	[sflag:s23] =	ssyncset.done $0x0  }
0xfe: {  	s30 =	simm.s32 $0x80;
	[sflag:s23] =	ssyncadd.s32 $0xFFFFC000  }
0xff: {  	[spmem:s1] =	stream.indirect.scatter.add.f32 [tilespmem:s20], [sflag:$0x3], $0x80, s30, s22, $0xb8;
	[tilespmem:$0x1F880] =	vst v63  }
0x100: {  	_ =	swait.ge [sflag:s17], $0x4000  }
0x101: {  	s29 =	sadd.s32 $0x0, s14;
	[sflag:s17] =	ssyncset.done $0x0  }
0x102: {  	s25 =	simm.s32 $0x100;
	s28 =	simm.s32 $0x1000;
	[sflag:s17] =	ssyncadd.s32 $0xFFFFC000  }
.LBB2_6:
0x103: {  	[tilespmem:s20], [sflag:$0x2] =	stream.linear.gather [hbm4b:s29+s2], $0x4000, $0x38;
	[tilespmem:$0x1F880] =	vst v63  }
0x104: {  	s29 =	smov.u32 s28  }
0x105: {  	p1 =	sne.s32 s28, $0x26000;
	s28 =	sadd.s32 $0x1000, s28;
	_ =	swait.ge [sflag:s21], $0x4000  }
0x106: {  	[sflag:s21] =	ssyncset.done $0x0  }
0x107: {  	[sflag:s21] =	ssyncadd.s32 $0xFFFFC000  }
0x108: {  	[spmem:s1] =	stream.indirect.scatter.add.f32 [tilespmem:s19], [sflag:$0x3], $0x80, s25, s22, $0xb8;
	[tilespmem:$0x1F880] =	vst v63  }
0x109: {  	_ =	swait.ge [sflag:s17], $0x4000  }
0x10a: {  	[sflag:s17] =	ssyncset.done $0x0  }
0x10b: {  	s30 =	sadd.s32 s29, s15;
	[sflag:s17] =	ssyncadd.s32 $0xFFFFC000  }
0x10c: {  	[tilespmem:s19], [sflag:$0x1] =	stream.linear.gather [hbm4b:s30+s2], $0x4000, $0x38;
	[tilespmem:$0x1F880] =	vst v63  }
0x10d: {  	_ =	swait.ge [sflag:s23], $0x4000  }
0x10e: {  	[sflag:s23] =	ssyncset.done $0x0  }
.Ltmp2:
0x10f: {  	s30 =	sadd.s32 $0x80, s25;
	[sflag:s23] =	ssyncadd.s32 $0xFFFFC000;
	(pc) =	sbr.rel @p1 .LBB2_6-.Ltmp2, $4  }
0x110: {  	[spmem:s1] =	stream.indirect.scatter.add.f32 [tilespmem:s20], [sflag:$0x3], $0x80, s30, s22, $0xb8;
	[tilespmem:$0x1F880] =	vst v63  }
0x111: {  	_ =	swait.ge [sflag:s17], $0x4000  }
0x112: {  	[sflag:s17] =	ssyncset.done $0x0  }
0x113: {  	s29 =	sadd.s32 s29, s14;
	s25 =	sadd.s32 $0x100, s25;
	[sflag:s17] =	ssyncadd.s32 $0xFFFFC000  }
0x114: {  	[tilespmem:s20], [sflag:$0x2] =	stream.linear.gather [hbm4b:s29+s2], $0x4000, $0x38;
	[tilespmem:$0x1F880] =	vst v63  }
0x115: {  	_ =	swait.ge [sflag:s21], $0x4000  }
0x116: {  	[sflag:s21] =	ssyncset.done $0x0  }
0x117: {  	s0 =	simm.s32 $0x2700;
	[sflag:s21] =	ssyncadd.s32 $0xFFFFC000  }
0x118: {  	[spmem:s1] =	stream.indirect.scatter.add.f32 [tilespmem:s19], [sflag:$0x3], $0x80, s0, s22, $0xb8;
	[tilespmem:$0x1F880] =	vst v63  }
0x119: {  	_ =	swait.ge [sflag:s17], $0x4000  }
0x11a: {  	[sflag:s17] =	ssyncset.done $0x0  }
0x11b: {  	[sflag:s17] =	ssyncadd.s32 $0xFFFFC000  }
0x11c: {  	_ =	swait.ge [sflag:s23], $0x4000  }
0x11d: {  	[sflag:s23] =	ssyncset.done $0x0  }
0x11e: {  	s25 =	simm.s32 $0x2780;
	[sflag:s23] =	ssyncadd.s32 $0xFFFFC000  }
0x11f: {  	[spmem:s1] =	stream.indirect.scatter.add.f32 [tilespmem:s20], [sflag:$0x3], $0x80, s25, s22, $0xb8;
	[tilespmem:$0x1F880] =	vst v63  }
0x120: {  	_ =	swait.ge [sflag:s17], $0x4000  }
0x121: {  	[sflag:s17] =	ssyncset.done $0x0  }
0x122: {  	[sflag:s17] =	ssyncadd.s32 $0xFFFFC000  }
0x123: {  	[bflag:$0x0] =	sbarrier.arrive $0xFFFF  }
0x124: {  	s25 =	rddreg [dreg:$0x9]  }
0x125: {  	[hbm:s25], [sflag:s11] =	dma.local [spmem:s16], $0x2700  }
0x126: {  	_ =	swait.ge [sflag:s17], $0x2700  }
0x127: {  	[sflag:s17] =	ssyncset.done $0x0  }
0x128: {  	s25 =	simm.s32 @!p0 $0x3;
	s0 =	rddreg [dreg:$0xb];
	[sflag:s17] =	ssyncadd.s32 $0xFFFFD900  }
0x129: {  	[hbm:s0], [sflag:s11] =	dma.local @!p0 [spmem:s26], $0x100  }
0x12a: {  	_ =	swait.ge @!p0 [sflag:s25], $0x100  }
0x12b: {  	[sflag:s25] =	ssyncset.done @!p0 $0x0  }
0x12c: {  	[sflag:s25] =	ssyncadd.s32 @!p0 $0xFFFFFF00  }
0x12d: {  	[bflag:$0x0] =	sbarrier.arrive $0xFFFF  }
0x12e: {  	[spmem:s5] =	stream.linear.scatter [tilespmem:s18], [sflag:$0x3], $0x1800, $0x38;
	[tilespmem:$0x1F880] =	vst v63  }
0x12f: {  	_ =	swait.ge [sflag:s17], $0x1800  }
0x130: {  	[sflag:s17] =	ssyncset.done $0x0  }
0x131: {  	[sflag:s17] =	ssyncadd.s32 $0xFFFFE800  }
0x132: {  	[spmem:s31] =	stream.linear.scatter [tilespmem:s18], [sflag:$0x3], $0x1800, $0x38;
	[tilespmem:$0x1F880] =	vst v63  }
0x133: {  	_ =	swait.ge [sflag:s17], $0x1800  }
0x134: {  	[sflag:s17] =	ssyncset.done $0x0  }
0x135: {  	s28 =	rddreg [dreg:$0x12];
	[sflag:s17] =	ssyncadd.s32 $0xFFFFE800  }
0x136: {  	[spmem:s28] =	stream.linear.scatter [tilespmem:s18], [sflag:$0x3], $0x1800, $0x38;
	[tilespmem:$0x1F880] =	vst v63  }
0x137: {  	_ =	swait.ge [sflag:s17], $0x1800  }
0x138: {  	[sflag:s17] =	ssyncset.done $0x0  }
0x139: {  	s28 =	rddreg [dreg:$0x13];
	[sflag:s17] =	ssyncadd.s32 $0xFFFFE800  }
0x13a: {  	[spmem:s28] =	stream.linear.scatter [tilespmem:s18], [sflag:$0x3], $0x1800, $0x38;
	[tilespmem:$0x1F880] =	vst v63  }
0x13b: {  	_ =	swait.ge [sflag:s17], $0x1800  }
0x13c: {  	[sflag:s17] =	ssyncset.done $0x0  }
0x13d: {  	s28 =	rddreg [dreg:$0x14];
	[sflag:s17] =	ssyncadd.s32 $0xFFFFE800  }
0x13e: {  	[spmem:s28] =	stream.linear.scatter [tilespmem:s18], [sflag:$0x3], $0x1800, $0x38;
	[tilespmem:$0x1F880] =	vst v63  }
0x13f: {  	_ =	swait.ge [sflag:s17], $0x1800  }
0x140: {  	[sflag:s17] =	ssyncset.done $0x0  }
0x141: {  	s28 =	rddreg [dreg:$0x15];
	[sflag:s17] =	ssyncadd.s32 $0xFFFFE800  }
0x142: {  	[spmem:s28] =	stream.linear.scatter [tilespmem:s18], [sflag:$0x3], $0x1800, $0x38;
	[tilespmem:$0x1F880] =	vst v63  }
0x143: {  	_ =	swait.ge [sflag:s17], $0x1800  }
0x144: {  	[sflag:s17] =	ssyncset.done $0x0  }
0x145: {  	s28 =	rddreg [dreg:$0x16];
	[sflag:s17] =	ssyncadd.s32 $0xFFFFE800  }
0x146: {  	[spmem:s28] =	stream.linear.scatter [tilespmem:s18], [sflag:$0x3], $0x1800, $0x38;
	[tilespmem:$0x1F880] =	vst v63  }
0x147: {  	_ =	swait.ge [sflag:s17], $0x1800  }
0x148: {  	[sflag:s17] =	ssyncset.done $0x0  }
0x149: {  	s28 =	rddreg [dreg:$0x17];
	[sflag:s17] =	ssyncadd.s32 $0xFFFFE800  }
0x14a: {  	[spmem:s28] =	stream.linear.scatter [tilespmem:s18], [sflag:$0x3], $0x1800, $0x38;
	[tilespmem:$0x1F880] =	vst v63  }
0x14b: {  	_ =	swait.ge [sflag:s17], $0x1800  }
0x14c: {  	[sflag:s17] =	ssyncset.done $0x0  }
0x14d: {  	[sflag:s17] =	ssyncadd.s32 $0xFFFFE800  }
0x14e: {  	[spmem:s3] =	stream.linear.scatter [tilespmem:s18], [sflag:$0x3], $0x1800, $0x38;
	[tilespmem:$0x1F880] =	vst v63  }
0x14f: {  	_ =	swait.ge [sflag:s17], $0x1800  }
0x150: {  	[sflag:s17] =	ssyncset.done $0x0  }
0x151: {  	[sflag:s17] =	ssyncadd.s32 $0xFFFFE800  }
0x152: {  	[spmem:s4] =	stream.linear.scatter [tilespmem:s18], [sflag:$0x3], $0x1800, $0x38;
	[tilespmem:$0x1F880] =	vst v63  }
0x153: {  	_ =	swait.ge [sflag:s17], $0x1800  }
0x154: {  	[sflag:s17] =	ssyncset.done $0x0  }
0x155: {  	[sflag:s17] =	ssyncadd.s32 $0xFFFFE800  }
0x156: {  	[spmem:s6] =	stream.linear.scatter [tilespmem:s18], [sflag:$0x3], $0x1800, $0x38;
	[tilespmem:$0x1F880] =	vst v63  }
0x157: {  	_ =	swait.ge [sflag:s17], $0x1800  }
0x158: {  	[sflag:s17] =	ssyncset.done $0x0  }
0x159: {  	[sflag:s17] =	ssyncadd.s32 $0xFFFFE800  }
0x15a: {  	[spmem:s7] =	stream.linear.scatter [tilespmem:s18], [sflag:$0x3], $0x1800, $0x38;
	[tilespmem:$0x1F880] =	vst v63  }
0x15b: {  	_ =	swait.ge [sflag:s17], $0x1800  }
0x15c: {  	[sflag:s17] =	ssyncset.done $0x0  }
0x15d: {  	[sflag:s17] =	ssyncadd.s32 $0xFFFFE800  }
0x15e: {  	[spmem:s8] =	stream.linear.scatter [tilespmem:s18], [sflag:$0x3], $0x1800, $0x38;
	[tilespmem:$0x1F880] =	vst v63  }
0x15f: {  	_ =	swait.ge [sflag:s17], $0x1800  }
0x160: {  	[sflag:s17] =	ssyncset.done $0x0  }
0x161: {  	s28 =	simm.s32 @!p0 $0xA800;
	[sflag:s17] =	ssyncadd.s32 $0xFFFFE800  }
0x162: {  	[spmem:s9] =	stream.linear.scatter @!p0 [tilespmem:s28], [sflag:$0x3], $0x800, $0x38;
	[tilespmem:$0x1F880] =	vst v63  }
0x163: {  	_ =	swait.ge @!p0 [sflag:s25], $0x800  }
0x164: {  	[sflag:s25] =	ssyncset.done @!p0 $0x0  }
0x165: {  	[sflag:s25] =	ssyncadd.s32 @!p0 $0xFFFFF800  }
0x166: {  	[bflag:$0x0] =	sbarrier.arrive $0xFFFF  }
0x167: {  	s30 =	simm.s32 $0x0;
	s28 =	rddreg [dreg:$0xc]  }
0x168: {  	[tilespmem:s19], [sflag:$0x1] =	stream.linear.gather [hbm4b:s28+s30], $0x4000, $0x38;
	[tilespmem:$0x1F880] =	vst v63  }
0x169: {  	s28 =	rddreg [dreg:$0xd]  }
0x16a: {  	[tilespmem:s20], [sflag:$0x2] =	stream.linear.gather [hbm4b:s28+s30], $0x4000, $0x38;
	[tilespmem:$0x1F880] =	vst v63  }
0x16b: {  	_ =	swait.ge [sflag:s21], $0x4000  }
0x16c: {  	[sflag:s21] =	ssyncset.done $0x0  }
0x16d: {  	s0 =	smov.u32 s31;
	s31 =	sadd.s32 $0x0, s24;
	[sflag:s21] =	ssyncadd.s32 $0xFFFFC000  }
0x16e: {  	[spmem:s1] =	stream.indirect.scatter.add.f32 [tilespmem:s19], [sflag:$0x3], $0x80, s31, s22, $0xb8;
	[tilespmem:$0x1F880] =	vst v63  }
0x16f: {  	_ =	swait.ge [sflag:s17], $0x4000  }
0x170: {  	[sflag:s17] =	ssyncset.done $0x0;
	s30 =	rddreg [dreg:$0x11]  }
0x171: {  	[sflag:s17] =	ssyncadd.s32 $0xFFFFC000;
	s28 =	sadd.s32 $0xFFFFF800, s30  }
0x172: {  	[tilespmem:s19], [sflag:$0x1] =	stream.linear.gather [hbm4b:s28+s2], $0x4000, $0x38;
	[tilespmem:$0x1F880] =	vst v63  }
0x173: {  	_ =	swait.ge [sflag:s23], $0x4000  }
0x174: {  	[sflag:s23] =	ssyncset.done $0x0  }
0x175: {  	s25 =	sadd.s32 $0x80, s31;
	[sflag:s23] =	ssyncadd.s32 $0xFFFFC000  }
0x176: {  	[spmem:s1] =	stream.indirect.scatter.add.f32 [tilespmem:s20], [sflag:$0x3], $0x80, s25, s22, $0xb8;
	[tilespmem:$0x1F880] =	vst v63  }
0x177: {  	_ =	swait.ge [sflag:s17], $0x4000  }
0x178: {  	s29 =	sadd.s32 $0x1000, s30;
	[sflag:s17] =	ssyncset.done $0x0  }
0x179: {  	s28 =	simm.s32 $0x400;
	s25 =	smov.u32 s30;
	[sflag:s17] =	ssyncadd.s32 $0xFFFFC000  }
.LBB2_8:
0x17a: {  	[tilespmem:s20], [sflag:$0x2] =	stream.linear.gather [hbm4b:s25+s2], $0x4000, $0x38;
	[tilespmem:$0x1F880] =	vst v63  }
0x17b: {  	s30 =	smov.u32 s28;
	s25 =	smov.u32 s29  }
0x17c: {  	p1 =	sne.s32 s28, $0x4800;
	s28 =	sadd.s32 $0x400, s28;
	_ =	swait.ge [sflag:s21], $0x4000  }
0x17d: {  	s30 =	sshra.s32 s30, $0x2;
	[sflag:s21] =	ssyncset.done $0x0  }
0x17e: {  	s30 =	sadd.s32 s30, s24;
	[sflag:s21] =	ssyncadd.s32 $0xFFFFC000  }
0x17f: {  	[spmem:s1] =	stream.indirect.scatter.add.f32 [tilespmem:s19], [sflag:$0x3], $0x80, s30, s22, $0xb8;
	[tilespmem:$0x1F880] =	vst v63  }
0x180: {  	_ =	swait.ge [sflag:s17], $0x4000  }
0x181: {  	[sflag:s17] =	ssyncset.done $0x0  }
0x182: {  	s31 =	sadd.s32 $0xFFFFF800, s29;
	[sflag:s17] =	ssyncadd.s32 $0xFFFFC000  }
0x183: {  	[tilespmem:s19], [sflag:$0x1] =	stream.linear.gather [hbm4b:s31+s2], $0x4000, $0x38;
	[tilespmem:$0x1F880] =	vst v63  }
0x184: {  	_ =	swait.ge [sflag:s23], $0x4000  }
0x185: {  	[sflag:s23] =	ssyncset.done $0x0  }
.Ltmp3:
0x186: {  	s30 =	sadd.s32 $0x80, s30;
	[sflag:s23] =	ssyncadd.s32 $0xFFFFC000;
	(pc) =	sbr.rel @p1 .LBB2_8-.Ltmp3, $4  }
0x187: {  	[spmem:s1] =	stream.indirect.scatter.add.f32 [tilespmem:s20], [sflag:$0x3], $0x80, s30, s22, $0xb8;
	[tilespmem:$0x1F880] =	vst v63  }
0x188: {  	_ =	swait.ge [sflag:s17], $0x4000  }
0x189: {  	[sflag:s17] =	ssyncset.done $0x0  }
0x18a: {  	s29 =	sadd.s32 $0x1000, s29;
	[sflag:s17] =	ssyncadd.s32 $0xFFFFC000  }
0x18b: {  	[tilespmem:s20], [sflag:$0x2] =	stream.linear.gather [hbm4b:s25+s2], $0x4000, $0x38;
	[tilespmem:$0x1F880] =	vst v63  }
0x18c: {  	_ =	swait.ge [sflag:s21], $0x4000  }
0x18d: {  	[sflag:s21] =	ssyncset.done $0x0  }
0x18e: {  	s30 =	rddreg [dreg:$0x18];
	[sflag:s21] =	ssyncadd.s32 $0xFFFFC000  }
0x18f: {  	[spmem:s1] =	stream.indirect.scatter.add.f32 [tilespmem:s19], [sflag:$0x3], $0x80, s30, s22, $0xb8;
	[tilespmem:$0x1F880] =	vst v63  }
0x190: {  	_ =	swait.ge [sflag:s17], $0x4000  }
0x191: {  	[sflag:s17] =	ssyncset.done $0x0  }
0x192: {  	[sflag:s17] =	ssyncadd.s32 $0xFFFFC000  }
0x193: {  	_ =	swait.ge [sflag:s23], $0x4000  }
0x194: {  	[sflag:s23] =	ssyncset.done $0x0  }
0x195: {  	s28 =	rddreg [dreg:$0x19];
	[sflag:s23] =	ssyncadd.s32 $0xFFFFC000  }
0x196: {  	[spmem:s1] =	stream.indirect.scatter.add.f32 [tilespmem:s20], [sflag:$0x3], $0x80, s28, s22, $0xb8;
	[tilespmem:$0x1F880] =	vst v63  }
0x197: {  	_ =	swait.ge [sflag:s17], $0x4000  }
0x198: {  	[sflag:s17] =	ssyncset.done $0x0  }
0x199: {  	[sflag:s17] =	ssyncadd.s32 $0xFFFFC000  }
0x19a: {  	[bflag:$0x0] =	sbarrier.arrive $0xFFFF  }
0x19b: {  	s29 =	rddreg [dreg:$0xe]  }
0x19c: {  	[hbm:s29], [sflag:s11] =	dma.local [spmem:s16], $0x2700  }
0x19d: {  	_ =	swait.ge [sflag:s17], $0x2700  }
0x19e: {  	[sflag:s17] =	ssyncset.done $0x0  }
0x19f: {  	s16 =	rddreg [dreg:$0xf];
	[sflag:s17] =	ssyncadd.s32 $0xFFFFD900  }
0x1a0: {  	[hbm:s16], [sflag:s11] =	dma.local @!p0 [spmem:s26], $0x100  }
0x1a1: {  	s11 =	simm.s32 @!p0 $0x3  }
0x1a2: {  	_ =	swait.ge @!p0 [sflag:s11], $0x100  }
0x1a3: {  	s10 =	sadd.s32 $0x1, s10;
	s30 =	rddreg [dreg:$0x10]  }
0x1a4: {  	p1 =	sne.s32 s10, s30  }
.Ltmp4:
0x1a5: {  	_ = 	snop;
	(pc) =	sbr.rel @p1 .LBB2_1-.Ltmp4, $4  }
0x1a6: {  	[sflag:s11] =	ssyncset.done @!p0 $0x0  }
0x1a7: {  	[sflag:s11] =	ssyncadd.s32 @!p0 $0xFFFFFF00  }
0x1a8: {  	[bflag:$0x0] =	sbarrier.arrive $0xFFFF  }
0x1a9: {  	s31 =	smov.u32 s0  }
0x1aa: {  	_ =	sfence.sel $0x180000  }
0x1ab: {  	[bflag:$0x0] =	sbarrier.arrive $0xFFFF  }
0x1ac: {  	_ =	strace $0x9000004A  }
0x1ad: {  	[bflag:$0x2] =	sbarrier.arrive $0xFFFF  }
0x1ae: {  	s0 =	rddreg [dreg:$0x2]  }
0x1af: {  	s0 =	sadd.s32 @!p0 $0x100000, s0  }
0x1b0: {  	[sflag:s0] =	ssyncadd.tile.s32 @!p0 $0x1;
	_ =	shalt  }
.Lfunc_end2:
_tile_overlayer_lowered:
.L_overlay_start_2:
0x1b1: {  	(tag) =	ssettag $0x2  }
0x1b2: {  	s0 =	rddreg [dreg:$0x0];
	s2 =	stileid.u32  }
0x1b3: {  	s1 =	rddreg [dreg:$0x1];
	p0 =	sne.s32 s2, $0x0  }
0x1b4: {  	s3 =	rddreg [dreg:$0x2];
	[bflag:$0x3] =	sbarrier.arrive $0xFFFF;
	s2 =	simm.s32 @!p0 $0x1C03  }
0x1b5: {  	[timem:s3], [sflag:s2] =	dma.local @!p0 [hbm:s0], s1  }
0x1b6: {  	s0 =	simm.s32 @!p0 $0x3  }
0x1b7: {  	_ =	swait.ge @!p0 [sflag:s0], s1  }
0x1b8: {  	s1 =	ssub.s32 @!p0 $0x0, s1;
	[sflag:s0] =	ssyncset.done @!p0 $0x0  }
0x1b9: {  	[sflag:s0] =	ssyncadd.s32 @!p0 s1  }
0x1ba: {  	[bflag:$0x3] =	sbarrier.arrive $0xFFFF  }
0x1bb: {  	_ =	shalt  }

</sc_bundles>
